<compile_context>
chip_gen: v7x
topology: tpu7x:2x2x1
jax: 0.10.2.dev20260603
libtpu: 0.0.44.dev20260713+nightly
codegen_flags: <defaults>
</compile_context>

<pallas_src>
import jax
import jax.numpy as jnp
from jax import lax
from jax.experimental import pallas as pl
from jax.experimental.pallas import tpu as pltpu
from jax.experimental.pallas import tpu_sc as plsc

TN = 512
SLAB_ROWS = 512


def _build_m_body(ei_ref, m_ref, deg_ref, invc_ref,
                  rowv, colv, lapv, cmaj, clap, cmaj2, degv, disv, invcv,
                  zbuf, z1d, deg_sp, invc_sp, slab, sem):
    N = deg_ref.shape[0]
    E = ei_ref.shape[1]
    EPW = E // 16
    NV = EPW // 16
    SLAB_FLAT = SLAB_ROWS * N
    c = lax.axis_index("c")
    s = lax.axis_index("s")
    base = s * EPW

    with jax.named_scope("sc_load_edges"):
        pltpu.sync_copy(ei_ref.at[0, pl.ds(base, EPW)], rowv)
        pltpu.sync_copy(ei_ref.at[1, pl.ds(base, EPW)], colv)

        def zloop(i, _):
            zbuf[pl.ds(i * 16, 16)] = jnp.zeros((16,), jnp.float32)
            return 0
        lax.fori_loop(0, zbuf.shape[0] // 16, zloop, 0)

        def z1loop(i, _):
            z1d[pl.ds(i * 16, 16)] = jnp.zeros((16,), jnp.float32)
            return 0
        lax.fori_loop(0, z1d.shape[0] // 16, z1loop, 0)

    with jax.named_scope("sc_deg"):
        pltpu.sync_copy(z1d, deg_sp.at[pl.ds(s * (N // 16), N // 16)])
        plsc.subcore_barrier()

        def ones_loop(i, _):
            r16 = rowv[pl.ds(i * 16, 16)]
            c16 = colv[pl.ds(i * 16, 16)]
            lapv[pl.ds(i * 16, 16)] = jnp.where(r16 != c16, 1.0, 0.0)
            return 0
        lax.fori_loop(0, NV, ones_loop, 0)
        pltpu.sync_copy(lapv, deg_sp.at[rowv], add=True)
        plsc.subcore_barrier()

    ns_dis = jax.named_scope("sc_dis")
    ns_dis.__enter__()
    pltpu.sync_copy(deg_sp, degv)
    plsc.subcore_barrier()
    NS = N // 16

    def dis_loop(i, _):
        off = s * NS + i * 16
        d16 = degv[pl.ds(off, 16)]
        pos = d16 > 0.0
        dsafe = jnp.where(pos, d16, 1.0)
        y = 1.0 / dsafe
        half = 0.5 * dsafe
        for _ in range(18):
            y = y * (1.5 - half * y * y)
        disv[pl.ds(off, 16)] = jnp.where(pos, y, 0.0)
        invcv[pl.ds(off, 16)] = 1.0 / (d16 + 2.0)
        return 0
    lax.fori_loop(0, NS // 16, dis_loop, 0)
    pltpu.sync_copy(disv.at[pl.ds(s * NS, NS)], deg_sp.at[pl.ds(s * NS, NS)])
    pltpu.sync_copy(invcv.at[pl.ds(s * NS, NS)], invc_sp.at[pl.ds(s * NS, NS)])
    plsc.subcore_barrier()
    pltpu.sync_copy(deg_sp, disv)

    @pl.when(jnp.logical_and(c == 0, s == 0))
    def _():
        pltpu.sync_copy(degv, deg_ref)
        pltpu.sync_copy(invc_sp, invcv)
        pltpu.sync_copy(invcv, invc_ref)
    ns_dis.__exit__(None, None, None)

    with jax.named_scope("sc_lap"):
        def lap_loop(i, _):
            r16 = rowv[pl.ds(i * 16, 16)]
            c16 = colv[pl.ds(i * 16, 16)]
            a = plsc.load_gather(disv, [r16])
            b = plsc.load_gather(disv, [c16])
            lapv[pl.ds(i * 16, 16)] = jnp.where(r16 != c16, -(a * b), 0.0)
            return 0
        lax.fori_loop(0, NV, lap_loop, 0)

    STRIPE = SLAB_FLAT // 16
    ZB = zbuf.shape[0]
    CH = 256
    NCH = EPW // CH
    dumpv = jnp.full((16,), SLAB_FLAT, jnp.int32)
    zerov = jnp.zeros((16,), jnp.float32)
    for slab_i in range(2):
        slab_id = c * 2 + slab_i
        lo = slab_id * SLAB_ROWS
        lo_flat = lo * N

        with jax.named_scope(f"sc_zero{slab_i}"):
            nz = STRIPE // ZB
            zcps = [pltpu.async_copy(zbuf, slab.at[pl.ds(s * STRIPE + k * ZB, ZB)], sem)
                    for k in range(nz)]
            for cp in zcps:
                cp.wait()

        with jax.named_scope(f"sc_compact{slab_i}"):
            def comp_loop(i, ofs):
                r16 = rowv[pl.ds(i * 16, 16)]
                c16 = colv[pl.ds(i * 16, 16)]
                lap16 = lapv[pl.ds(i * 16, 16)]
                flat = r16 * N + c16 - lo_flat
                ok = jnp.logical_and(r16 >= lo, r16 < lo + SLAB_ROWS)
                plsc.store_compressed(cmaj.at[pl.ds(ofs, 16)], flat, mask=ok)
                plsc.store_compressed(clap.at[pl.ds(ofs, 16)], lap16, mask=ok)
                pc = plsc.all_reduce_population_count(ok)
                return ofs + pc[0]
            cnt = lax.fori_loop(0, NV, comp_loop, jnp.int32(0))
            cmaj[pl.ds(cnt, 16)] = dumpv
            clap[pl.ds(cnt, 16)] = zerov

            def pad_loop(k, _):
                cmaj[pl.ds(k * 16, 16)] = dumpv
                clap[pl.ds(k * 16, 16)] = zerov
                return 0
            nch = lax.div(cnt + CH - 1, CH)
            lax.fori_loop(lax.div(cnt + 16, 16), nch * (CH // 16), pad_loop, 0)
            for k in range(NCH):
                @pl.when(k * CH < cnt)
                def _():
                    def cp_loop(i, _2):
                        cmaj2[k, pl.ds(i * 16, 16)] = cmaj[pl.ds(k * CH + i * 16, 16)]
                        return 0
                    lax.fori_loop(0, CH // 16, cp_loop, 0)
            plsc.subcore_barrier()

        with jax.named_scope(f"sc_scatter{slab_i}"):
            for k in range(NCH):
                @pl.when(k * CH < cnt)
                def _():
                    pltpu.sync_copy(clap.at[pl.ds(k * CH, CH)],
                                    slab.at[cmaj2.at[k]], add=True)
            plsc.subcore_barrier()

        with jax.named_scope(f"sc_wb{slab_i}"):
            pltpu.sync_copy(slab.at[pl.ds(s * STRIPE, STRIPE)],
                            m_ref.at[pl.ds(lo_flat + s * STRIPE, STRIPE)])


def _make_build_m(N, E):
    EPW = E // 16
    CH = 256
    SLAB_FLAT = SLAB_ROWS * N
    mesh = plsc.VectorSubcoreMesh(core_axis_name="c", subcore_axis_name="s")
    return pl.kernel(
        _build_m_body,
        out_type=[
            jax.ShapeDtypeStruct((N * N,), jnp.float32),
            jax.ShapeDtypeStruct((N,), jnp.float32),
            jax.ShapeDtypeStruct((N,), jnp.float32),
        ],
        mesh=mesh,
        compiler_params=pltpu.CompilerParams(
            needs_layout_passes=False, use_tc_tiling_on_sc=False),
        scratch_types=[
            pltpu.VMEM((EPW,), jnp.int32),
            pltpu.VMEM((EPW,), jnp.int32),
            pltpu.VMEM((EPW,), jnp.float32),
            pltpu.VMEM((EPW + 16,), jnp.int32),
            pltpu.VMEM((EPW + 16,), jnp.float32),
            pltpu.VMEM((EPW // CH, CH), jnp.int32),
            pltpu.VMEM((N,), jnp.float32),
            pltpu.VMEM((N,), jnp.float32),
            pltpu.VMEM((N,), jnp.float32),
            pltpu.VMEM((8192,), jnp.float32),
            pltpu.VMEM((N // 16,), jnp.float32),
            pltpu.VMEM_SHARED((N,), jnp.float32),
            pltpu.VMEM_SHARED((N,), jnp.float32),
            pltpu.VMEM_SHARED((SLAB_FLAT + 16,), jnp.float32),
            pltpu.SemaphoreType.DMA,
        ],
    )


def _prep_body(sa_ref, x_ref, tax0_ref):
    TB = sa_ref.shape[1]
    rloc = lax.broadcasted_iota(jnp.int32, (TB, TB), 0)
    cloc = lax.broadcasted_iota(jnp.int32, (TB, TB), 1)
    d = jnp.sum(jnp.where(rloc == cloc, sa_ref[0], 0.0), axis=1)
    tax0_ref[0] = d[:, None] * x_ref[0]


def _tax1_body(m_ref, sa_ref, tax0_ref, invc_ref, tax1_ref):
    b = pl.program_id(1)
    N = m_ref.shape[1]
    a = m_ref[...] * sa_ref[0]
    tax0 = tax0_ref[0, pl.ds(b * N, N), :]
    acc = jnp.dot(a, tax0, preferred_element_type=jnp.float32)
    tax1_ref[0] = invc_ref[...] * acc


def _out_body(m_ref, tax1_ref, tax0_ref, invc_ref, w_ref, b_ref, out_ref):
    i = pl.program_id(0)
    b = pl.program_id(1)
    N = m_ref.shape[1]
    tax1_full = tax1_ref[0, pl.ds(b * N, N), :]
    s2 = jnp.dot(m_ref[...], tax1_full, preferred_element_type=jnp.float32)
    tax0_t = tax0_ref[0]
    tax2 = 2.0 * invc_ref[...] * s2 - tax0_t
    tax1_t = tax1_ref[0, pl.ds(b * N + i * TN, TN), :]
    out = jnp.dot(tax0_t, w_ref[0], preferred_element_type=jnp.float32)
    out = out + jnp.dot(tax1_t, w_ref[1], preferred_element_type=jnp.float32)
    out = out + jnp.dot(tax2, w_ref[2], preferred_element_type=jnp.float32)
    out_ref[0] = out + b_ref[...]


@jax.jit
def _run(x, edge_index, spatial_attention, weight, bias):
    B, N, F = x.shape
    E = edge_index.shape[1]

    m_flat, deg, invc1 = _make_build_m(N, E)(edge_index)
    M = m_flat.reshape(N, N)
    invc = invc1.reshape(N, 1)

    TB = 128
    tax0 = pl.pallas_call(
        _prep_body,
        grid=(B, N // TB),
        in_specs=[
            pl.BlockSpec((1, TB, TB), lambda b, i: (b, i, i)),
            pl.BlockSpec((1, TB, F), lambda b, i: (b, i, 0)),
        ],
        out_specs=pl.BlockSpec((1, TB, F), lambda b, i: (b, i, 0)),
        out_shape=jax.ShapeDtypeStruct((B, N, F), jnp.float32),
    )(spatial_attention, x)

    T = N // TN
    grid = (T, B)
    tax0_flat = tax0.reshape(1, B * N, F)
    tax1 = pl.pallas_call(
        _tax1_body,
        grid=grid,
        in_specs=[
            pl.BlockSpec((TN, N), lambda i, b: (i, 0)),
            pl.BlockSpec((1, TN, N), lambda i, b: (b, i, 0)),
            pl.BlockSpec((1, B * N, F), lambda i, b: (0, 0, 0)),
            pl.BlockSpec((TN, 1), lambda i, b: (i, 0)),
        ],
        out_specs=pl.BlockSpec((1, TN, F), lambda i, b: (b, i, 0)),
        out_shape=jax.ShapeDtypeStruct((B, N, F), jnp.float32),
    )(M, spatial_attention, tax0_flat, invc)

    out = pl.pallas_call(
        _out_body,
        grid=grid,
        in_specs=[
            pl.BlockSpec((TN, N), lambda i, b: (i, 0)),
            pl.BlockSpec((1, B * N, F), lambda i, b: (0, 0, 0)),
            pl.BlockSpec((1, TN, F), lambda i, b: (b, i, 0)),
            pl.BlockSpec((TN, 1), lambda i, b: (i, 0)),
            pl.BlockSpec((3, F, F), lambda i, b: (0, 0, 0)),
            pl.BlockSpec((1, F), lambda i, b: (0, 0)),
        ],
        out_specs=pl.BlockSpec((1, TN, F), lambda i, b: (b, i, 0)),
        out_shape=jax.ShapeDtypeStruct((B, N, F), jnp.float32),
    )(M, tax1.reshape(1, B * N, F), tax0, invc, weight, bias.reshape(1, F))
    return out


def kernel(x, edge_index, spatial_attention, weight, bias):
    return _run(x, edge_index, spatial_attention, weight, bias)

# --- scband reference (transcript-rebuilt; emitter-appended) ---
"""Pipeline reference for scband-stattention-8306466750999 (READ-ONLY COPY).

The authoritative reference and input builder live on the scoring server;
editing this copy changes nothing except your own understanding.
"""

import jax, jax.numpy as jnp
import numpy as np

B, N, E, F_IN, F_OUT, K = 4, 2048, 32768, 128, 128, 3


def setup_inputs(seed: int = 0) -> dict:
    key = jax.random.key(seed)
    k1, k2, k3, k4, k5, k6 = jax.random.split(key, 6)
    x = jax.random.normal(k1, (B, N, F_IN), dtype=jnp.float32)
    row = jax.random.randint(k2, (E,), 0, N, dtype=jnp.int32)
    col = jax.random.randint(k3, (E,), 0, N, dtype=jnp.int32)
    edge_index = jnp.stack([row, col])
    spatial_attention = jax.random.uniform(k4, (B, N, N), dtype=jnp.float32)
    # xavier_uniform_ on (K, F_IN, F_OUT): fan_in = F_IN*F_OUT? torch uses dims[1]* recp; use standard bound
    fan_in, fan_out = F_IN, F_OUT
    limit = float(np.sqrt(6.0 / (fan_in + fan_out)))
    weight = jax.random.uniform(k5, (K, F_IN, F_OUT), minval=-limit, maxval=limit, dtype=jnp.float32)
    bias = jax.random.uniform(k6, (F_OUT,), dtype=jnp.float32)
    return {"x": x, "edge_index": edge_index, "spatial_attention": spatial_attention,
            "weight": weight, "bias": bias}


def _cheb_norm(edge_index, num_nodes):
    # remove self loops
    row, col = edge_index[0], edge_index[1]
    mask = row != col
    w = jnp.where(mask, 1.0, 0.0).astype(jnp.float32)
    # sym-normalized laplacian: L = I - D^{-1/2} A D^{-1/2}
    deg = jnp.zeros(num_nodes, dtype=jnp.float32).at[row].add(w)
    dis = jnp.where(deg > 0, 1.0 / jnp.sqrt(jnp.where(deg > 0, deg, 1.0)), 0.0)
    lap_w = -dis[row] * w * dis[col]
    ar = jnp.arange(num_nodes, dtype=row.dtype)
    row = jnp.concatenate([row, ar])
    col = jnp.concatenate([col, ar])
    ew = jnp.concatenate([lap_w, jnp.ones(num_nodes, dtype=jnp.float32)])
    # scale by 2/lambda_max with lambda_max = 2.0
    lambda_max = 2.0
    ew = 2.0 * ew / lambda_max
    ew = jnp.where(jnp.isinf(ew), 0.0, ew)
    # add_self_loops with fill_value = -1.0
    row = jnp.concatenate([row, ar])
    col = jnp.concatenate([col, ar])
    ew = jnp.concatenate([ew, -jnp.ones(num_nodes, dtype=jnp.float32)])
    valid = jnp.concatenate([w, jnp.ones(num_nodes, dtype=jnp.float32),
                             jnp.ones(num_nodes, dtype=jnp.float32)])
    return jnp.stack([row, col]), ew, valid


def _propagate_mean(edge_index_t, feat, norm, num_nodes, valid):
    src, dst = edge_index_t[0], edge_index_t[1]
    x_j = feat[:, src, :]  # gather along node dim
    if norm.ndim == 1:
        msg = norm[None, :, None] * x_j
    else:
        msg = norm[:, :, None] * x_j
    summed = jnp.zeros((feat.shape[0], num_nodes, feat.shape[2]), dtype=feat.dtype).at[:, dst, :].add(msg)
    cnt = jnp.zeros((num_nodes,), dtype=feat.dtype).at[dst].add(valid)
    return summed / jnp.clip(cnt, 1.0)[None, :, None]


def reference(x, edge_index, spatial_attention, weight, bias):
    num_nodes = x.shape[1]
    ei, norm, valid = _cheb_norm(edge_index, num_nodes)
    row, col = ei[0], ei[1]
    att_norm = norm[None, :] * spatial_attention[:, row, col]
    eye = jnp.eye(num_nodes, dtype=x.dtype)
    TAx_0 = jnp.matmul(jnp.transpose(eye[None, :, :] * spatial_attention, (0, 2, 1)), x)
    out = jnp.matmul(TAx_0, weight[0])
    ei_t = jnp.stack([ei[1], ei[0]])
    TAx_1 = TAx_0
    if weight.shape[0] > 1:
        TAx_1 = _propagate_mean(ei_t, TAx_0, att_norm, num_nodes, valid)
        out = out + jnp.matmul(TAx_1, weight[1])
    for k in range(2, weight.shape[0]):
        TAx_2 = _propagate_mean(ei_t, TAx_1, norm, num_nodes, valid)
        TAx_2 = 2.0 * TAx_2 - TAx_0
        out = out + jnp.matmul(TAx_2, weight[k])
        TAx_0, TAx_1 = TAx_1, TAx_2
    out = out + bias
    return out

if __name__ == "__main__":
    import jax
    _d = setup_inputs()
    print(jax.jit(kernel)(*tuple(_d.values())))

</pallas_src>

<mosaic_0001>
#map = affine_map<(d0, d1) -> (0, 0)>
#map1 = affine_map<(d0, d1) -> (0)>
module attributes {stable_mosaic.version = 14 : i64} {
  func.func @_build_m_body(%arg0: i32, %arg1: i32, %arg2: memref<2x32768xi32, #tpu.memory_space<hbm>>, %arg3: memref<4194304xf32, #tpu.memory_space<hbm>>, %arg4: memref<2048xf32, #tpu.memory_space<hbm>>, %arg5: memref<2048xf32, #tpu.memory_space<hbm>>, %arg6: memref<2048xi32, #tpu.memory_space<vmem>>, %arg7: memref<2048xi32, #tpu.memory_space<vmem>>, %arg8: memref<2048xf32, #tpu.memory_space<vmem>>, %arg9: memref<2064xi32, #tpu.memory_space<vmem>>, %arg10: memref<2064xf32, #tpu.memory_space<vmem>>, %arg11: memref<8x256xi32, #tpu.memory_space<vmem>>, %arg12: memref<2048xf32, #tpu.memory_space<vmem>>, %arg13: memref<2048xf32, #tpu.memory_space<vmem>>, %arg14: memref<2048xf32, #tpu.memory_space<vmem>>, %arg15: memref<8192xf32, #tpu.memory_space<vmem>>, %arg16: memref<128xf32, #tpu.memory_space<vmem>>, %arg17: memref<2048xf32, #tpu.memory_space<vmem_shared>>, %arg18: memref<2048xf32, #tpu.memory_space<vmem_shared>>, %arg19: memref<1048592xf32, #tpu.memory_space<vmem_shared>>, %arg20: memref<!tpu.dma_semaphore, #tpu.memory_space<semaphore_mem>>) attributes {dimension_semantics = [#tpu.dimension_semantics<core_parallel>, #tpu.dimension_semantics<subcore_parallel>], iteration_bounds = array<i64: 2, 16>, scalar_prefetch = 0 : i64, scratch_operands = 15 : i64, tpu.core_type = #tpu.core_type<sc_vector_subcore>, window_params = [{transform_indices = #map}, {transform_indices = #map1}, {transform_indices = #map1}, {transform_indices = #map1}]} {
    %mul3A = arith.constant 2048 : i32
    %mul3A_0 = arith.muli %arg1, %mul3A : i32
    %run_scoped3A = arith.constant 0 : i32
    "tpu.trace_start"() <{level = 10 : i32, message = "sc_load_edges"}> : () -> ()
    "tpu.region"() ({
      %run_scoped3A_434 = tpu.sem_alloc : memref<!tpu.dma_semaphore, #tpu.memory_space<semaphore_mem>>
      %dma_start3A_435 = tpu.memref_slice %arg2[%run_scoped3A, %mul3A_0] : memref<2x32768xi32, #tpu.memory_space<hbm>> -> memref<1x2048xi32, #tpu.memory_space<hbm>>
      %dma_start3A_436 = tpu.memref_squeeze %dma_start3A_435 : memref<1x2048xi32, #tpu.memory_space<hbm>> -> memref<2048xi32, #tpu.memory_space<hbm>>
      %dma_start3A_437 = tpu.memref_slice %arg2[%run_scoped3A, %mul3A_0] : memref<2x32768xi32, #tpu.memory_space<hbm>> -> memref<1x2048xi32, #tpu.memory_space<hbm>>
      %dma_start3A_438 = tpu.memref_squeeze %dma_start3A_437 : memref<1x2048xi32, #tpu.memory_space<hbm>> -> memref<2048xi32, #tpu.memory_space<hbm>>
      tpu.enqueue_dma source(%dma_start3A_438 : memref<2048xi32, #tpu.memory_space<hbm>>) target(%arg6 : memref<2048xi32, #tpu.memory_space<vmem>>) target_semaphore(%run_scoped3A_434 : memref<!tpu.dma_semaphore, #tpu.memory_space<semaphore_mem>>)
      %dma_wait3A_439 = tpu.memref_slice %arg2[%run_scoped3A, %mul3A_0] : memref<2x32768xi32, #tpu.memory_space<hbm>> -> memref<1x2048xi32, #tpu.memory_space<hbm>>
      %dma_wait3A_440 = tpu.memref_squeeze %dma_wait3A_439 : memref<1x2048xi32, #tpu.memory_space<hbm>> -> memref<2048xi32, #tpu.memory_space<hbm>>
      %dma_wait3A_441 = tpu.memref_slice %arg2[%run_scoped3A, %mul3A_0] : memref<2x32768xi32, #tpu.memory_space<hbm>> -> memref<1x2048xi32, #tpu.memory_space<hbm>>
      %dma_wait3A_442 = tpu.memref_squeeze %dma_wait3A_441 : memref<1x2048xi32, #tpu.memory_space<hbm>> -> memref<2048xi32, #tpu.memory_space<hbm>>
      tpu.wait_dma2 semaphore(%run_scoped3A_434 : memref<!tpu.dma_semaphore, #tpu.memory_space<semaphore_mem>>) src(%dma_wait3A_442 : memref<2048xi32, #tpu.memory_space<hbm>>) dst(%arg6 : memref<2048xi32, #tpu.memory_space<vmem>>)
      tpu.yield
    }) : () -> ()
    %run_scoped3A_1 = arith.constant 1 : i32
    "tpu.region"() ({
      %run_scoped3A_434 = tpu.sem_alloc : memref<!tpu.dma_semaphore, #tpu.memory_space<semaphore_mem>>
      %dma_start3A_435 = tpu.memref_slice %arg2[%run_scoped3A_1, %mul3A_0] : memref<2x32768xi32, #tpu.memory_space<hbm>> -> memref<1x2048xi32, #tpu.memory_space<hbm>>
      %dma_start3A_436 = tpu.memref_squeeze %dma_start3A_435 : memref<1x2048xi32, #tpu.memory_space<hbm>> -> memref<2048xi32, #tpu.memory_space<hbm>>
      %dma_start3A_437 = tpu.memref_slice %arg2[%run_scoped3A_1, %mul3A_0] : memref<2x32768xi32, #tpu.memory_space<hbm>> -> memref<1x2048xi32, #tpu.memory_space<hbm>>
      %dma_start3A_438 = tpu.memref_squeeze %dma_start3A_437 : memref<1x2048xi32, #tpu.memory_space<hbm>> -> memref<2048xi32, #tpu.memory_space<hbm>>
      tpu.enqueue_dma source(%dma_start3A_438 : memref<2048xi32, #tpu.memory_space<hbm>>) target(%arg7 : memref<2048xi32, #tpu.memory_space<vmem>>) target_semaphore(%run_scoped3A_434 : memref<!tpu.dma_semaphore, #tpu.memory_space<semaphore_mem>>)
      %dma_wait3A_439 = tpu.memref_slice %arg2[%run_scoped3A_1, %mul3A_0] : memref<2x32768xi32, #tpu.memory_space<hbm>> -> memref<1x2048xi32, #tpu.memory_space<hbm>>
      %dma_wait3A_440 = tpu.memref_squeeze %dma_wait3A_439 : memref<1x2048xi32, #tpu.memory_space<hbm>> -> memref<2048xi32, #tpu.memory_space<hbm>>
      %dma_wait3A_441 = tpu.memref_slice %arg2[%run_scoped3A_1, %mul3A_0] : memref<2x32768xi32, #tpu.memory_space<hbm>> -> memref<1x2048xi32, #tpu.memory_space<hbm>>
      %dma_wait3A_442 = tpu.memref_squeeze %dma_wait3A_441 : memref<1x2048xi32, #tpu.memory_space<hbm>> -> memref<2048xi32, #tpu.memory_space<hbm>>
      tpu.wait_dma2 semaphore(%run_scoped3A_434 : memref<!tpu.dma_semaphore, #tpu.memory_space<semaphore_mem>>) src(%dma_wait3A_442 : memref<2048xi32, #tpu.memory_space<hbm>>) dst(%arg7 : memref<2048xi32, #tpu.memory_space<vmem>>)
      tpu.yield
    }) : () -> ()
    %scan3A = arith.constant 0 : i32
    %scan3A_2 = arith.constant 0 : i32
    %scan3A_3 = arith.constant 512 : i32
    %scan3A_4 = arith.addi %scan3A_2, %scan3A_3 : i32
    %scan3A_5 = arith.constant 1 : i32
    %scan3A_6 = scf.for %scan3A_434 = %scan3A_2 to %scan3A_4 step %scan3A_5 iter_args(%scan3A_435 = %scan3A) -> (i32)  : i32 {
      %broadcast_in_dim3A_436 = arith.constant 0.000000e+00 : f32
      %broadcast_in_dim3A_437 = vector.broadcast %broadcast_in_dim3A_436 : f32 to vector<16xf32>
      %mul3A_438 = arith.constant 16 : i32
      %mul3A_439 = arith.muli %scan3A_434, %mul3A_438 : i32
      %swap3A_440 = arith.index_cast %mul3A_439 : i32 to index
      %swap3A_441 = tpu.vector_load %arg15[%swap3A_440] {strides = array<i32>} : memref<8192xf32, #tpu.memory_space<vmem>>, vector<16xf32>,
      tpu.vector_store %arg15[%swap3A_440], %broadcast_in_dim3A_437 {strides = array<i32>} : memref<8192xf32, #tpu.memory_space<vmem>>, vector<16xf32>,
      %scan3A_442 = arith.constant 0 : i32
      scf.yield %scan3A_442 : i32
    }
    %scan3A_7 = arith.constant 512 : i32
    %scan3A_8 = arith.constant 0 : i32
    %scan3A_9 = arith.constant 0 : i32
    %scan3A_10 = arith.constant 8 : i32
    %scan3A_11 = arith.addi %scan3A_9, %scan3A_10 : i32
    %scan3A_12 = arith.constant 1 : i32
    %scan3A_13 = scf.for %scan3A_434 = %scan3A_9 to %scan3A_11 step %scan3A_12 iter_args(%scan3A_435 = %scan3A_8) -> (i32)  : i32 {
      %broadcast_in_dim3A_436 = arith.constant 0.000000e+00 : f32
      %broadcast_in_dim3A_437 = vector.broadcast %broadcast_in_dim3A_436 : f32 to vector<16xf32>
      %mul3A_438 = arith.constant 16 : i32
      %mul3A_439 = arith.muli %scan3A_434, %mul3A_438 : i32
      %swap3A_440 = arith.index_cast %mul3A_439 : i32 to index
      %swap3A_441 = tpu.vector_load %arg16[%swap3A_440] {strides = array<i32>} : memref<128xf32, #tpu.memory_space<vmem>>, vector<16xf32>,
      tpu.vector_store %arg16[%swap3A_440], %broadcast_in_dim3A_437 {strides = array<i32>} : memref<128xf32, #tpu.memory_space<vmem>>, vector<16xf32>,
      %scan3A_442 = arith.constant 0 : i32
      scf.yield %scan3A_442 : i32
    }
    %scan3A_14 = arith.constant 8 : i32
    "tpu.trace_stop"() : () -> ()
    "tpu.trace_start"() <{level = 10 : i32, message = "sc_deg"}> : () -> ()
    %mul3A_15 = arith.constant 128 : i32
    %mul3A_16 = arith.muli %arg1, %mul3A_15 : i32
    "tpu.region"() ({
      %run_scoped3A_434 = tpu.sem_alloc : memref<!tpu.dma_semaphore, #tpu.memory_space<semaphore_mem>>
      %dma_start3A_435 = tpu.memref_slice %arg17[%mul3A_16] : memref<2048xf32, #tpu.memory_space<vmem_shared>> -> memref<128xf32, #tpu.memory_space<vmem_shared>>
      %dma_start3A_436 = tpu.memref_slice %arg17[%mul3A_16] : memref<2048xf32, #tpu.memory_space<vmem_shared>> -> memref<128xf32, #tpu.memory_space<vmem_shared>>
      tpu.enqueue_dma source(%arg16 : memref<128xf32, #tpu.memory_space<vmem>>) target(%dma_start3A_436 : memref<128xf32, #tpu.memory_space<vmem_shared>>) target_semaphore(%run_scoped3A_434 : memref<!tpu.dma_semaphore, #tpu.memory_space<semaphore_mem>>)
      %dma_wait3A_437 = tpu.memref_slice %arg17[%mul3A_16] : memref<2048xf32, #tpu.memory_space<vmem_shared>> -> memref<128xf32, #tpu.memory_space<vmem_shared>>
      %dma_wait3A_438 = tpu.memref_slice %arg17[%mul3A_16] : memref<2048xf32, #tpu.memory_space<vmem_shared>> -> memref<128xf32, #tpu.memory_space<vmem_shared>>
      tpu.wait_dma2 semaphore(%run_scoped3A_434 : memref<!tpu.dma_semaphore, #tpu.memory_space<semaphore_mem>>) src(%arg16 : memref<128xf32, #tpu.memory_space<vmem>>) dst(%dma_wait3A_438 : memref<128xf32, #tpu.memory_space<vmem_shared>>)
      tpu.yield
    }) : () -> ()
    %barrier3A = arith.constant 0 : index
    tpu.barrier barrier_id(%barrier3A)
    %scan3A_17 = arith.constant 0 : i32
    %scan3A_18 = arith.constant 0 : i32
    %scan3A_19 = arith.constant 128 : i32
    %scan3A_20 = arith.addi %scan3A_18, %scan3A_19 : i32
    %scan3A_21 = arith.constant 1 : i32
    %scan3A_22 = scf.for %scan3A_434 = %scan3A_18 to %scan3A_20 step %scan3A_21 iter_args(%scan3A_435 = %scan3A_17) -> (i32)  : i32 {
      %mul3A_436 = arith.constant 16 : i32
      %mul3A_437 = arith.muli %scan3A_434, %mul3A_436 : i32
      %get3A = arith.index_cast %mul3A_437 : i32 to index
      %get3A_438 = tpu.vector_load %arg6[%get3A] {strides = array<i32>} : memref<2048xi32, #tpu.memory_space<vmem>>, vector<16xi32>,
      %mul3A_439 = arith.constant 16 : i32
      %mul3A_440 = arith.muli %scan3A_434, %mul3A_439 : i32
      %get3A_441 = arith.index_cast %mul3A_440 : i32 to index
      %get3A_442 = tpu.vector_load %arg7[%get3A_441] {strides = array<i32>} : memref<2048xi32, #tpu.memory_space<vmem>>, vector<16xi32>,
      %ne3A = arith.cmpi ne, %get3A_438, %get3A_442 : vector<16xi32>
      %jit3A = arith.constant 1.000000e+00 : f32
      %jit3A_443 = arith.constant 0.000000e+00 : f32
      %broadcast_in_dim3A_444 = vector.broadcast %jit3A : f32 to vector<16xf32>
      %broadcast_in_dim3A_445 = vector.broadcast %jit3A_443 : f32 to vector<16xf32>
      %select_n3A = arith.select %ne3A, %broadcast_in_dim3A_444, %broadcast_in_dim3A_445 : vector<16xi1>, vector<16xf32>
      %mul3A_446 = arith.constant 16 : i32
      %mul3A_447 = arith.muli %scan3A_434, %mul3A_446 : i32
      %swap3A_448 = arith.index_cast %mul3A_447 : i32 to index
      %swap3A_449 = tpu.vector_load %arg8[%swap3A_448] {strides = array<i32>} : memref<2048xf32, #tpu.memory_space<vmem>>, vector<16xf32>,
      tpu.vector_store %arg8[%swap3A_448], %select_n3A {strides = array<i32>} : memref<2048xf32, #tpu.memory_space<vmem>>, vector<16xf32>,
      %scan3A_450 = arith.constant 0 : i32
      scf.yield %scan3A_450 : i32
    }
    %scan3A_23 = arith.constant 128 : i32
    "tpu.region"() ({
      %run_scoped3A_434 = tpu.sem_alloc : memref<!tpu.dma_semaphore, #tpu.memory_space<semaphore_mem>>
      %dma_start3A_435 = arith.constant 0 : i32
      %dma_start3A_436 = tpu.memref_slice %arg17[%dma_start3A_435] : memref<2048xf32, #tpu.memory_space<vmem_shared>> -> memref<2048xf32, #tpu.memory_space<vmem_shared>>
      tpu.enqueue_indirect_dma source(%arg8 : memref<2048xf32, #tpu.memory_space<vmem>>) target(%dma_start3A_436 : memref<2048xf32, #tpu.memory_space<vmem_shared>>) offsets(%arg6 : memref<2048xi32, #tpu.memory_space<vmem>>) semaphore(%run_scoped3A_434 : memref<!tpu.dma_semaphore, #tpu.memory_space<semaphore_mem>>) {add = true}
      %dma_wait3A_437 = arith.constant 0 : i32
      %dma_wait3A_438 = tpu.memref_slice %arg17[%dma_wait3A_437] : memref<2048xf32, #tpu.memory_space<vmem_shared>> -> memref<2048xf32, #tpu.memory_space<vmem_shared>>
      tpu.wait_indirect_dma semaphore(%run_scoped3A_434 : memref<!tpu.dma_semaphore, #tpu.memory_space<semaphore_mem>>) src(%arg8 : memref<2048xf32, #tpu.memory_space<vmem>>) dst(%dma_wait3A_438 : memref<2048xf32, #tpu.memory_space<vmem_shared>>)
      tpu.yield
    }) : () -> ()
    %barrier3A_24 = arith.constant 0 : index
    tpu.barrier barrier_id(%barrier3A_24)
    "tpu.trace_stop"() : () -> ()
    "tpu.trace_start"() <{level = 10 : i32, message = "sc_dis"}> : () -> ()
    "tpu.region"() ({
      %run_scoped3A_434 = tpu.sem_alloc : memref<!tpu.dma_semaphore, #tpu.memory_space<semaphore_mem>>
      tpu.enqueue_dma source(%arg17 : memref<2048xf32, #tpu.memory_space<vmem_shared>>) target(%arg12 : memref<2048xf32, #tpu.memory_space<vmem>>) target_semaphore(%run_scoped3A_434 : memref<!tpu.dma_semaphore, #tpu.memory_space<semaphore_mem>>)
      tpu.wait_dma2 semaphore(%run_scoped3A_434 : memref<!tpu.dma_semaphore, #tpu.memory_space<semaphore_mem>>) src(%arg17 : memref<2048xf32, #tpu.memory_space<vmem_shared>>) dst(%arg12 : memref<2048xf32, #tpu.memory_space<vmem>>)
      tpu.yield
    }) : () -> ()
    %barrier3A_25 = arith.constant 0 : index
    tpu.barrier barrier_id(%barrier3A_25)
    %scan3A_26 = arith.constant 0 : i32
    %scan3A_27 = arith.constant 0 : i32
    %scan3A_28 = arith.constant 8 : i32
    %scan3A_29 = arith.addi %scan3A_27, %scan3A_28 : i32
    %scan3A_30 = arith.constant 1 : i32
    %scan3A_31 = scf.for %scan3A_434 = %scan3A_27 to %scan3A_29 step %scan3A_30 iter_args(%scan3A_435 = %scan3A_26) -> (i32)  : i32 {
      %mul3A_436 = arith.constant 128 : i32
      %mul3A_437 = arith.muli %arg1, %mul3A_436 : i32
      %mul3A_438 = arith.constant 16 : i32
      %mul3A_439 = arith.muli %scan3A_434, %mul3A_438 : i32
      %add3A_440 = arith.addi %mul3A_437, %mul3A_439 : i32
      %get3A = arith.index_cast %add3A_440 : i32 to index
      %get3A_441 = tpu.vector_load %arg12[%get3A] {strides = array<i32>} : memref<2048xf32, #tpu.memory_space<vmem>>, vector<16xf32>,
      %gt3A_442 = arith.constant 0.000000e+00 : f32
      %gt3A_443 = vector.broadcast %gt3A_442 : f32 to vector<16xf32>
      %gt3A_444 = arith.cmpf ogt, %get3A_441, %gt3A_443 : vector<16xf32>
      %jit3A = arith.constant 1.000000e+00 : f32
      %broadcast_in_dim3A_445 = vector.broadcast %jit3A : f32 to vector<16xf32>
      %select_n3A = arith.select %gt3A_444, %get3A_441, %broadcast_in_dim3A_445 : vector<16xi1>, vector<16xf32>
      %div3A_446 = arith.constant 1.000000e+00 : f32
      %div3A_447 = vector.broadcast %div3A_446 : f32 to vector<16xf32>
      %div3A_448 = arith.divf %div3A_447, %select_n3A : vector<16xf32>
      %mul3A_449 = arith.constant 5.000000e-01 : f32
      %mul3A_450 = vector.broadcast %mul3A_449 : f32 to vector<16xf32>
      %mul3A_451 = arith.mulf %mul3A_450, %select_n3A : vector<16xf32>
      %mul3A_452 = arith.mulf %mul3A_451, %div3A_448 : vector<16xf32>
      %mul3A_453 = arith.mulf %mul3A_452, %div3A_448 : vector<16xf32>
      %sub3A_454 = arith.constant 1.500000e+00 : f32
      %sub3A_455 = vector.broadcast %sub3A_454 : f32 to vector<16xf32>
      %sub3A_456 = arith.subf %sub3A_455, %mul3A_453 : vector<16xf32>
      %mul3A_457 = arith.mulf %div3A_448, %sub3A_456 : vector<16xf32>
      %mul3A_458 = arith.mulf %mul3A_451, %mul3A_457 : vector<16xf32>
      %mul3A_459 = arith.mulf %mul3A_458, %mul3A_457 : vector<16xf32>
      %sub3A_460 = arith.constant 1.500000e+00 : f32
      %sub3A_461 = vector.broadcast %sub3A_460 : f32 to vector<16xf32>
      %sub3A_462 = arith.subf %sub3A_461, %mul3A_459 : vector<16xf32>
      %mul3A_463 = arith.mulf %mul3A_457, %sub3A_462 : vector<16xf32>
      %mul3A_464 = arith.mulf %mul3A_451, %mul3A_463 : vector<16xf32>
      %mul3A_465 = arith.mulf %mul3A_464, %mul3A_463 : vector<16xf32>
      %sub3A_466 = arith.constant 1.500000e+00 : f32
      %sub3A_467 = vector.broadcast %sub3A_466 : f32 to vector<16xf32>
      %sub3A_468 = arith.subf %sub3A_467, %mul3A_465 : vector<16xf32>
      %mul3A_469 = arith.mulf %mul3A_463, %sub3A_468 : vector<16xf32>
      %mul3A_470 = arith.mulf %mul3A_451, %mul3A_469 : vector<16xf32>
      %mul3A_471 = arith.mulf %mul3A_470, %mul3A_469 : vector<16xf32>
      %sub3A_472 = arith.constant 1.500000e+00 : f32
      %sub3A_473 = vector.broadcast %sub3A_472 : f32 to vector<16xf32>
      %sub3A_474 = arith.subf %sub3A_473, %mul3A_471 : vector<16xf32>
      %mul3A_475 = arith.mulf %mul3A_469, %sub3A_474 : vector<16xf32>
      %mul3A_476 = arith.mulf %mul3A_451, %mul3A_475 : vector<16xf32>
      %mul3A_477 = arith.mulf %mul3A_476, %mul3A_475 : vector<16xf32>
      %sub3A_478 = arith.constant 1.500000e+00 : f32
      %sub3A_479 = vector.broadcast %sub3A_478 : f32 to vector<16xf32>
      %sub3A_480 = arith.subf %sub3A_479, %mul3A_477 : vector<16xf32>
      %mul3A_481 = arith.mulf %mul3A_475, %sub3A_480 : vector<16xf32>
      %mul3A_482 = arith.mulf %mul3A_451, %mul3A_481 : vector<16xf32>
      %mul3A_483 = arith.mulf %mul3A_482, %mul3A_481 : vector<16xf32>
      %sub3A_484 = arith.constant 1.500000e+00 : f32
      %sub3A_485 = vector.broadcast %sub3A_484 : f32 to vector<16xf32>
      %sub3A_486 = arith.subf %sub3A_485, %mul3A_483 : vector<16xf32>
      %mul3A_487 = arith.mulf %mul3A_481, %sub3A_486 : vector<16xf32>
      %mul3A_488 = arith.mulf %mul3A_451, %mul3A_487 : vector<16xf32>
      %mul3A_489 = arith.mulf %mul3A_488, %mul3A_487 : vector<16xf32>
      %sub3A_490 = arith.constant 1.500000e+00 : f32
      %sub3A_491 = vector.broadcast %sub3A_490 : f32 to vector<16xf32>
      %sub3A_492 = arith.subf %sub3A_491, %mul3A_489 : vector<16xf32>
      %mul3A_493 = arith.mulf %mul3A_487, %sub3A_492 : vector<16xf32>
      %mul3A_494 = arith.mulf %mul3A_451, %mul3A_493 : vector<16xf32>
      %mul3A_495 = arith.mulf %mul3A_494, %mul3A_493 : vector<16xf32>
      %sub3A_496 = arith.constant 1.500000e+00 : f32
      %sub3A_497 = vector.broadcast %sub3A_496 : f32 to vector<16xf32>
      %sub3A_498 = arith.subf %sub3A_497, %mul3A_495 : vector<16xf32>
      %mul3A_499 = arith.mulf %mul3A_493, %sub3A_498 : vector<16xf32>
      %mul3A_500 = arith.mulf %mul3A_451, %mul3A_499 : vector<16xf32>
      %mul3A_501 = arith.mulf %mul3A_500, %mul3A_499 : vector<16xf32>
      %sub3A_502 = arith.constant 1.500000e+00 : f32
      %sub3A_503 = vector.broadcast %sub3A_502 : f32 to vector<16xf32>
      %sub3A_504 = arith.subf %sub3A_503, %mul3A_501 : vector<16xf32>
      %mul3A_505 = arith.mulf %mul3A_499, %sub3A_504 : vector<16xf32>
      %mul3A_506 = arith.mulf %mul3A_451, %mul3A_505 : vector<16xf32>
      %mul3A_507 = arith.mulf %mul3A_506, %mul3A_505 : vector<16xf32>
      %sub3A_508 = arith.constant 1.500000e+00 : f32
      %sub3A_509 = vector.broadcast %sub3A_508 : f32 to vector<16xf32>
      %sub3A_510 = arith.subf %sub3A_509, %mul3A_507 : vector<16xf32>
      %mul3A_511 = arith.mulf %mul3A_505, %sub3A_510 : vector<16xf32>
      %mul3A_512 = arith.mulf %mul3A_451, %mul3A_511 : vector<16xf32>
      %mul3A_513 = arith.mulf %mul3A_512, %mul3A_511 : vector<16xf32>
      %sub3A_514 = arith.constant 1.500000e+00 : f32
      %sub3A_515 = vector.broadcast %sub3A_514 : f32 to vector<16xf32>
      %sub3A_516 = arith.subf %sub3A_515, %mul3A_513 : vector<16xf32>
      %mul3A_517 = arith.mulf %mul3A_511, %sub3A_516 : vector<16xf32>
      %mul3A_518 = arith.mulf %mul3A_451, %mul3A_517 : vector<16xf32>
      %mul3A_519 = arith.mulf %mul3A_518, %mul3A_517 : vector<16xf32>
      %sub3A_520 = arith.constant 1.500000e+00 : f32
      %sub3A_521 = vector.broadcast %sub3A_520 : f32 to vector<16xf32>
      %sub3A_522 = arith.subf %sub3A_521, %mul3A_519 : vector<16xf32>
      %mul3A_523 = arith.mulf %mul3A_517, %sub3A_522 : vector<16xf32>
      %mul3A_524 = arith.mulf %mul3A_451, %mul3A_523 : vector<16xf32>
      %mul3A_525 = arith.mulf %mul3A_524, %mul3A_523 : vector<16xf32>
      %sub3A_526 = arith.constant 1.500000e+00 : f32
      %sub3A_527 = vector.broadcast %sub3A_526 : f32 to vector<16xf32>
      %sub3A_528 = arith.subf %sub3A_527, %mul3A_525 : vector<16xf32>
      %mul3A_529 = arith.mulf %mul3A_523, %sub3A_528 : vector<16xf32>
      %mul3A_530 = arith.mulf %mul3A_451, %mul3A_529 : vector<16xf32>
      %mul3A_531 = arith.mulf %mul3A_530, %mul3A_529 : vector<16xf32>
      %sub3A_532 = arith.constant 1.500000e+00 : f32
      %sub3A_533 = vector.broadcast %sub3A_532 : f32 to vector<16xf32>
      %sub3A_534 = arith.subf %sub3A_533, %mul3A_531 : vector<16xf32>
      %mul3A_535 = arith.mulf %mul3A_529, %sub3A_534 : vector<16xf32>
      %mul3A_536 = arith.mulf %mul3A_451, %mul3A_535 : vector<16xf32>
      %mul3A_537 = arith.mulf %mul3A_536, %mul3A_535 : vector<16xf32>
      %sub3A_538 = arith.constant 1.500000e+00 : f32
      %sub3A_539 = vector.broadcast %sub3A_538 : f32 to vector<16xf32>
      %sub3A_540 = arith.subf %sub3A_539, %mul3A_537 : vector<16xf32>
      %mul3A_541 = arith.mulf %mul3A_535, %sub3A_540 : vector<16xf32>
      %mul3A_542 = arith.mulf %mul3A_451, %mul3A_541 : vector<16xf32>
      %mul3A_543 = arith.mulf %mul3A_542, %mul3A_541 : vector<16xf32>
      %sub3A_544 = arith.constant 1.500000e+00 : f32
      %sub3A_545 = vector.broadcast %sub3A_544 : f32 to vector<16xf32>
      %sub3A_546 = arith.subf %sub3A_545, %mul3A_543 : vector<16xf32>
      %mul3A_547 = arith.mulf %mul3A_541, %sub3A_546 : vector<16xf32>
      %mul3A_548 = arith.mulf %mul3A_451, %mul3A_547 : vector<16xf32>
      %mul3A_549 = arith.mulf %mul3A_548, %mul3A_547 : vector<16xf32>
      %sub3A_550 = arith.constant 1.500000e+00 : f32
      %sub3A_551 = vector.broadcast %sub3A_550 : f32 to vector<16xf32>
      %sub3A_552 = arith.subf %sub3A_551, %mul3A_549 : vector<16xf32>
      %mul3A_553 = arith.mulf %mul3A_547, %sub3A_552 : vector<16xf32>
      %mul3A_554 = arith.mulf %mul3A_451, %mul3A_553 : vector<16xf32>
      %mul3A_555 = arith.mulf %mul3A_554, %mul3A_553 : vector<16xf32>
      %sub3A_556 = arith.constant 1.500000e+00 : f32
      %sub3A_557 = vector.broadcast %sub3A_556 : f32 to vector<16xf32>
      %sub3A_558 = arith.subf %sub3A_557, %mul3A_555 : vector<16xf32>
      %mul3A_559 = arith.mulf %mul3A_553, %sub3A_558 : vector<16xf32>
      %jit3A_560 = arith.constant 0.000000e+00 : f32
      %broadcast_in_dim3A_561 = vector.broadcast %jit3A_560 : f32 to vector<16xf32>
      %select_n3A_562 = arith.select %gt3A_444, %mul3A_559, %broadcast_in_dim3A_561 : vector<16xi1>, vector<16xf32>
      %swap3A_563 = arith.index_cast %add3A_440 : i32 to index
      %swap3A_564 = tpu.vector_load %arg13[%swap3A_563] {strides = array<i32>} : memref<2048xf32, #tpu.memory_space<vmem>>, vector<16xf32>,
      tpu.vector_store %arg13[%swap3A_563], %select_n3A_562 {strides = array<i32>} : memref<2048xf32, #tpu.memory_space<vmem>>, vector<16xf32>,
      %add3A_565 = arith.constant 2.000000e+00 : f32
      %add3A_566 = vector.broadcast %add3A_565 : f32 to vector<16xf32>
      %add3A_567 = arith.addf %get3A_441, %add3A_566 : vector<16xf32>
      %div3A_568 = arith.constant 1.000000e+00 : f32
      %div3A_569 = vector.broadcast %div3A_568 : f32 to vector<16xf32>
      %div3A_570 = arith.divf %div3A_569, %add3A_567 : vector<16xf32>
      %swap3A_571 = arith.index_cast %add3A_440 : i32 to index
      %swap3A_572 = tpu.vector_load %arg14[%swap3A_571] {strides = array<i32>} : memref<2048xf32, #tpu.memory_space<vmem>>, vector<16xf32>,
      tpu.vector_store %arg14[%swap3A_571], %div3A_570 {strides = array<i32>} : memref<2048xf32, #tpu.memory_space<vmem>>, vector<16xf32>,
      %scan3A_573 = arith.constant 0 : i32
      scf.yield %scan3A_573 : i32
    }
    %scan3A_32 = arith.constant 8 : i32
    %mul3A_33 = arith.constant 128 : i32
    %mul3A_34 = arith.muli %arg1, %mul3A_33 : i32
    %mul3A_35 = arith.constant 128 : i32
    %mul3A_36 = arith.muli %arg1, %mul3A_35 : i32
    "tpu.region"() ({
      %run_scoped3A_434 = tpu.sem_alloc : memref<!tpu.dma_semaphore, #tpu.memory_space<semaphore_mem>>
      %dma_start3A_435 = tpu.memref_slice %arg13[%mul3A_34] : memref<2048xf32, #tpu.memory_space<vmem>> -> memref<128xf32, #tpu.memory_space<vmem>>
      %dma_start3A_436 = tpu.memref_slice %arg17[%mul3A_36] : memref<2048xf32, #tpu.memory_space<vmem_shared>> -> memref<128xf32, #tpu.memory_space<vmem_shared>>
      %dma_start3A_437 = tpu.memref_slice %arg17[%mul3A_36] : memref<2048xf32, #tpu.memory_space<vmem_shared>> -> memref<128xf32, #tpu.memory_space<vmem_shared>>
      %dma_start3A_438 = tpu.memref_slice %arg13[%mul3A_34] : memref<2048xf32, #tpu.memory_space<vmem>> -> memref<128xf32, #tpu.memory_space<vmem>>
      tpu.enqueue_dma source(%dma_start3A_438 : memref<128xf32, #tpu.memory_space<vmem>>) target(%dma_start3A_437 : memref<128xf32, #tpu.memory_space<vmem_shared>>) target_semaphore(%run_scoped3A_434 : memref<!tpu.dma_semaphore, #tpu.memory_space<semaphore_mem>>)
      %dma_wait3A_439 = tpu.memref_slice %arg13[%mul3A_34] : memref<2048xf32, #tpu.memory_space<vmem>> -> memref<128xf32, #tpu.memory_space<vmem>>
      %dma_wait3A_440 = tpu.memref_slice %arg17[%mul3A_36] : memref<2048xf32, #tpu.memory_space<vmem_shared>> -> memref<128xf32, #tpu.memory_space<vmem_shared>>
      %dma_wait3A_441 = tpu.memref_slice %arg17[%mul3A_36] : memref<2048xf32, #tpu.memory_space<vmem_shared>> -> memref<128xf32, #tpu.memory_space<vmem_shared>>
      %dma_wait3A_442 = tpu.memref_slice %arg13[%mul3A_34] : memref<2048xf32, #tpu.memory_space<vmem>> -> memref<128xf32, #tpu.memory_space<vmem>>
      tpu.wait_dma2 semaphore(%run_scoped3A_434 : memref<!tpu.dma_semaphore, #tpu.memory_space<semaphore_mem>>) src(%dma_wait3A_442 : memref<128xf32, #tpu.memory_space<vmem>>) dst(%dma_wait3A_441 : memref<128xf32, #tpu.memory_space<vmem_shared>>)
      tpu.yield
    }) : () -> ()
    %mul3A_37 = arith.constant 128 : i32
    %mul3A_38 = arith.muli %arg1, %mul3A_37 : i32
    %mul3A_39 = arith.constant 128 : i32
    %mul3A_40 = arith.muli %arg1, %mul3A_39 : i32
    "tpu.region"() ({
      %run_scoped3A_434 = tpu.sem_alloc : memref<!tpu.dma_semaphore, #tpu.memory_space<semaphore_mem>>
      %dma_start3A_435 = tpu.memref_slice %arg14[%mul3A_38] : memref<2048xf32, #tpu.memory_space<vmem>> -> memref<128xf32, #tpu.memory_space<vmem>>
      %dma_start3A_436 = tpu.memref_slice %arg18[%mul3A_40] : memref<2048xf32, #tpu.memory_space<vmem_shared>> -> memref<128xf32, #tpu.memory_space<vmem_shared>>
      %dma_start3A_437 = tpu.memref_slice %arg18[%mul3A_40] : memref<2048xf32, #tpu.memory_space<vmem_shared>> -> memref<128xf32, #tpu.memory_space<vmem_shared>>
      %dma_start3A_438 = tpu.memref_slice %arg14[%mul3A_38] : memref<2048xf32, #tpu.memory_space<vmem>> -> memref<128xf32, #tpu.memory_space<vmem>>
      tpu.enqueue_dma source(%dma_start3A_438 : memref<128xf32, #tpu.memory_space<vmem>>) target(%dma_start3A_437 : memref<128xf32, #tpu.memory_space<vmem_shared>>) target_semaphore(%run_scoped3A_434 : memref<!tpu.dma_semaphore, #tpu.memory_space<semaphore_mem>>)
      %dma_wait3A_439 = tpu.memref_slice %arg14[%mul3A_38] : memref<2048xf32, #tpu.memory_space<vmem>> -> memref<128xf32, #tpu.memory_space<vmem>>
      %dma_wait3A_440 = tpu.memref_slice %arg18[%mul3A_40] : memref<2048xf32, #tpu.memory_space<vmem_shared>> -> memref<128xf32, #tpu.memory_space<vmem_shared>>
      %dma_wait3A_441 = tpu.memref_slice %arg18[%mul3A_40] : memref<2048xf32, #tpu.memory_space<vmem_shared>> -> memref<128xf32, #tpu.memory_space<vmem_shared>>
      %dma_wait3A_442 = tpu.memref_slice %arg14[%mul3A_38] : memref<2048xf32, #tpu.memory_space<vmem>> -> memref<128xf32, #tpu.memory_space<vmem>>
      tpu.wait_dma2 semaphore(%run_scoped3A_434 : memref<!tpu.dma_semaphore, #tpu.memory_space<semaphore_mem>>) src(%dma_wait3A_442 : memref<128xf32, #tpu.memory_space<vmem>>) dst(%dma_wait3A_441 : memref<128xf32, #tpu.memory_space<vmem_shared>>)
      tpu.yield
    }) : () -> ()
    %barrier3A_41 = arith.constant 0 : index
    tpu.barrier barrier_id(%barrier3A_41)
    "tpu.region"() ({
      %run_scoped3A_434 = tpu.sem_alloc : memref<!tpu.dma_semaphore, #tpu.memory_space<semaphore_mem>>
      tpu.enqueue_dma source(%arg17 : memref<2048xf32, #tpu.memory_space<vmem_shared>>) target(%arg13 : memref<2048xf32, #tpu.memory_space<vmem>>) target_semaphore(%run_scoped3A_434 : memref<!tpu.dma_semaphore, #tpu.memory_space<semaphore_mem>>)
      tpu.wait_dma2 semaphore(%run_scoped3A_434 : memref<!tpu.dma_semaphore, #tpu.memory_space<semaphore_mem>>) src(%arg17 : memref<2048xf32, #tpu.memory_space<vmem_shared>>) dst(%arg13 : memref<2048xf32, #tpu.memory_space<vmem>>)
      tpu.yield
    }) : () -> ()
    %eq3A = arith.constant 0 : i32
    %eq3A_42 = arith.cmpi eq, %arg0, %eq3A : i32
    %eq3A_43 = arith.constant 0 : i32
    %eq3A_44 = arith.cmpi eq, %arg1, %eq3A_43 : i32
    %and3A = arith.andi %eq3A_42, %eq3A_44 : i1
    %convert_element_type3A = arith.extui %and3A : i1 to i32
    %cond3A = arith.constant 0 : i32
    %cond3A_45 = arith.cmpi ne, %convert_element_type3A, %cond3A : i32
    scf.if %cond3A_45 {
      "tpu.region"() ({
        %run_scoped3A_434 = tpu.sem_alloc : memref<!tpu.dma_semaphore, #tpu.memory_space<semaphore_mem>>
        tpu.enqueue_dma source(%arg12 : memref<2048xf32, #tpu.memory_space<vmem>>) target(%arg4 : memref<2048xf32, #tpu.memory_space<hbm>>) target_semaphore(%run_scoped3A_434 : memref<!tpu.dma_semaphore, #tpu.memory_space<semaphore_mem>>)
        tpu.wait_dma2 semaphore(%run_scoped3A_434 : memref<!tpu.dma_semaphore, #tpu.memory_space<semaphore_mem>>) src(%arg12 : memref<2048xf32, #tpu.memory_space<vmem>>) dst(%arg4 : memref<2048xf32, #tpu.memory_space<hbm>>)
        tpu.yield
      }) : () -> ()
      "tpu.region"() ({
        %run_scoped3A_434 = tpu.sem_alloc : memref<!tpu.dma_semaphore, #tpu.memory_space<semaphore_mem>>
        tpu.enqueue_dma source(%arg18 : memref<2048xf32, #tpu.memory_space<vmem_shared>>) target(%arg14 : memref<2048xf32, #tpu.memory_space<vmem>>) target_semaphore(%run_scoped3A_434 : memref<!tpu.dma_semaphore, #tpu.memory_space<semaphore_mem>>)
        tpu.wait_dma2 semaphore(%run_scoped3A_434 : memref<!tpu.dma_semaphore, #tpu.memory_space<semaphore_mem>>) src(%arg18 : memref<2048xf32, #tpu.memory_space<vmem_shared>>) dst(%arg14 : memref<2048xf32, #tpu.memory_space<vmem>>)
        tpu.yield
      }) : () -> ()
      "tpu.region"() ({
        %run_scoped3A_434 = tpu.sem_alloc : memref<!tpu.dma_semaphore, #tpu.memory_space<semaphore_mem>>
        tpu.enqueue_dma source(%arg14 : memref<2048xf32, #tpu.memory_space<vmem>>) target(%arg5 : memref<2048xf32, #tpu.memory_space<hbm>>) target_semaphore(%run_scoped3A_434 : memref<!tpu.dma_semaphore, #tpu.memory_space<semaphore_mem>>)
        tpu.wait_dma2 semaphore(%run_scoped3A_434 : memref<!tpu.dma_semaphore, #tpu.memory_space<semaphore_mem>>) src(%arg14 : memref<2048xf32, #tpu.memory_space<vmem>>) dst(%arg5 : memref<2048xf32, #tpu.memory_space<hbm>>)
        tpu.yield
      }) : () -> ()
    } else {
    }
    "tpu.trace_stop"() : () -> ()
    "tpu.trace_start"() <{level = 10 : i32, message = "sc_lap"}> : () -> ()
    %scan3A_46 = arith.constant 0 : i32
    %scan3A_47 = arith.constant 0 : i32
    %scan3A_48 = arith.constant 128 : i32
    %scan3A_49 = arith.addi %scan3A_47, %scan3A_48 : i32
    %scan3A_50 = arith.constant 1 : i32
    %scan3A_51 = scf.for %scan3A_434 = %scan3A_47 to %scan3A_49 step %scan3A_50 iter_args(%scan3A_435 = %scan3A_46) -> (i32)  : i32 {
      %mul3A_436 = arith.constant 16 : i32
      %mul3A_437 = arith.muli %scan3A_434, %mul3A_436 : i32
      %get3A = arith.index_cast %mul3A_437 : i32 to index
      %get3A_438 = tpu.vector_load %arg6[%get3A] {strides = array<i32>} : memref<2048xi32, #tpu.memory_space<vmem>>, vector<16xi32>,
      %mul3A_439 = arith.constant 16 : i32
      %mul3A_440 = arith.muli %scan3A_434, %mul3A_439 : i32
      %get3A_441 = arith.index_cast %mul3A_440 : i32 to index
      %get3A_442 = tpu.vector_load %arg7[%get3A_441] {strides = array<i32>} : memref<2048xi32, #tpu.memory_space<vmem>>, vector<16xi32>,
      %gather3A = tpu.vector_load_idx %arg13[%get3A_438] : memref<2048xf32, #tpu.memory_space<vmem>>[vector<16xi32>], vector<16xf32>,
      %gather3A_443 = tpu.vector_load_idx %arg13[%get3A_442] : memref<2048xf32, #tpu.memory_space<vmem>>[vector<16xi32>], vector<16xf32>,
      %ne3A = arith.cmpi ne, %get3A_438, %get3A_442 : vector<16xi32>
      %mul3A_444 = arith.mulf %gather3A, %gather3A_443 : vector<16xf32>
      %neg3A = arith.constant 0.000000e+00 : f32
      %neg3A_445 = vector.broadcast %neg3A : f32 to vector<16xf32>
      %neg3A_446 = arith.subf %neg3A_445, %mul3A_444 : vector<16xf32>
      %jit3A = arith.constant 0.000000e+00 : f32
      %broadcast_in_dim3A_447 = vector.broadcast %jit3A : f32 to vector<16xf32>
      %select_n3A = arith.select %ne3A, %neg3A_446, %broadcast_in_dim3A_447 : vector<16xi1>, vector<16xf32>
      %mul3A_448 = arith.constant 16 : i32
      %mul3A_449 = arith.muli %scan3A_434, %mul3A_448 : i32
      %swap3A_450 = arith.index_cast %mul3A_449 : i32 to index
      %swap3A_451 = tpu.vector_load %arg8[%swap3A_450] {strides = array<i32>} : memref<2048xf32, #tpu.memory_space<vmem>>, vector<16xf32>,
      tpu.vector_store %arg8[%swap3A_450], %select_n3A {strides = array<i32>} : memref<2048xf32, #tpu.memory_space<vmem>>, vector<16xf32>,
      %scan3A_452 = arith.constant 0 : i32
      scf.yield %scan3A_452 : i32
    }
    %scan3A_52 = arith.constant 128 : i32
    %broadcast_in_dim3A = arith.constant 1048576 : i32
    "tpu.trace_stop"() : () -> ()
    %broadcast_in_dim3A_53 = vector.broadcast %broadcast_in_dim3A : i32 to vector<16xi32>
    %broadcast_in_dim3A_54 = arith.constant 0.000000e+00 : f32
    %broadcast_in_dim3A_55 = vector.broadcast %broadcast_in_dim3A_54 : f32 to vector<16xf32>
    %mul3A_56 = arith.constant 2 : i32
    %mul3A_57 = arith.muli %arg0, %mul3A_56 : i32
    %add3A = arith.constant 0 : i32
    %add3A_58 = arith.addi %mul3A_57, %add3A : i32
    %mul3A_59 = arith.constant 512 : i32
    %mul3A_60 = arith.muli %add3A_58, %mul3A_59 : i32
    %mul3A_61 = arith.constant 2048 : i32
    %mul3A_62 = arith.muli %mul3A_60, %mul3A_61 : i32
    "tpu.trace_start"() <{level = 10 : i32, message = "sc_zero0"}> : () -> ()
    %mul3A_63 = arith.constant 65536 : i32
    %mul3A_64 = arith.muli %arg1, %mul3A_63 : i32
    %add3A_65 = arith.constant 0 : i32
    %add3A_66 = arith.addi %mul3A_64, %add3A_65 : i32
    %dma_start3A = tpu.memref_slice %arg19[%add3A_66] : memref<1048592xf32, #tpu.memory_space<vmem_shared>> -> memref<8192xf32, #tpu.memory_space<vmem_shared>>
    %dma_start3A_67 = tpu.memref_slice %arg19[%add3A_66] : memref<1048592xf32, #tpu.memory_space<vmem_shared>> -> memref<8192xf32, #tpu.memory_space<vmem_shared>>
    tpu.enqueue_dma source(%arg15 : memref<8192xf32, #tpu.memory_space<vmem>>) target(%dma_start3A_67 : memref<8192xf32, #tpu.memory_space<vmem_shared>>) target_semaphore(%arg20 : memref<!tpu.dma_semaphore, #tpu.memory_space<semaphore_mem>>)
    %mul3A_68 = arith.constant 65536 : i32
    %mul3A_69 = arith.muli %arg1, %mul3A_68 : i32
    %add3A_70 = arith.constant 8192 : i32
    %add3A_71 = arith.addi %mul3A_69, %add3A_70 : i32
    %dma_start3A_72 = tpu.memref_slice %arg19[%add3A_71] : memref<1048592xf32, #tpu.memory_space<vmem_shared>> -> memref<8192xf32, #tpu.memory_space<vmem_shared>>
    %dma_start3A_73 = tpu.memref_slice %arg19[%add3A_71] : memref<1048592xf32, #tpu.memory_space<vmem_shared>> -> memref<8192xf32, #tpu.memory_space<vmem_shared>>
    tpu.enqueue_dma source(%arg15 : memref<8192xf32, #tpu.memory_space<vmem>>) target(%dma_start3A_73 : memref<8192xf32, #tpu.memory_space<vmem_shared>>) target_semaphore(%arg20 : memref<!tpu.dma_semaphore, #tpu.memory_space<semaphore_mem>>)
    %mul3A_74 = arith.constant 65536 : i32
    %mul3A_75 = arith.muli %arg1, %mul3A_74 : i32
    %add3A_76 = arith.constant 16384 : i32
    %add3A_77 = arith.addi %mul3A_75, %add3A_76 : i32
    %dma_start3A_78 = tpu.memref_slice %arg19[%add3A_77] : memref<1048592xf32, #tpu.memory_space<vmem_shared>> -> memref<8192xf32, #tpu.memory_space<vmem_shared>>
    %dma_start3A_79 = tpu.memref_slice %arg19[%add3A_77] : memref<1048592xf32, #tpu.memory_space<vmem_shared>> -> memref<8192xf32, #tpu.memory_space<vmem_shared>>
    tpu.enqueue_dma source(%arg15 : memref<8192xf32, #tpu.memory_space<vmem>>) target(%dma_start3A_79 : memref<8192xf32, #tpu.memory_space<vmem_shared>>) target_semaphore(%arg20 : memref<!tpu.dma_semaphore, #tpu.memory_space<semaphore_mem>>)
    %mul3A_80 = arith.constant 65536 : i32
    %mul3A_81 = arith.muli %arg1, %mul3A_80 : i32
    %add3A_82 = arith.constant 24576 : i32
    %add3A_83 = arith.addi %mul3A_81, %add3A_82 : i32
    %dma_start3A_84 = tpu.memref_slice %arg19[%add3A_83] : memref<1048592xf32, #tpu.memory_space<vmem_shared>> -> memref<8192xf32, #tpu.memory_space<vmem_shared>>
    %dma_start3A_85 = tpu.memref_slice %arg19[%add3A_83] : memref<1048592xf32, #tpu.memory_space<vmem_shared>> -> memref<8192xf32, #tpu.memory_space<vmem_shared>>
    tpu.enqueue_dma source(%arg15 : memref<8192xf32, #tpu.memory_space<vmem>>) target(%dma_start3A_85 : memref<8192xf32, #tpu.memory_space<vmem_shared>>) target_semaphore(%arg20 : memref<!tpu.dma_semaphore, #tpu.memory_space<semaphore_mem>>)
    %mul3A_86 = arith.constant 65536 : i32
    %mul3A_87 = arith.muli %arg1, %mul3A_86 : i32
    %add3A_88 = arith.constant 32768 : i32
    %add3A_89 = arith.addi %mul3A_87, %add3A_88 : i32
    %dma_start3A_90 = tpu.memref_slice %arg19[%add3A_89] : memref<1048592xf32, #tpu.memory_space<vmem_shared>> -> memref<8192xf32, #tpu.memory_space<vmem_shared>>
    %dma_start3A_91 = tpu.memref_slice %arg19[%add3A_89] : memref<1048592xf32, #tpu.memory_space<vmem_shared>> -> memref<8192xf32, #tpu.memory_space<vmem_shared>>
    tpu.enqueue_dma source(%arg15 : memref<8192xf32, #tpu.memory_space<vmem>>) target(%dma_start3A_91 : memref<8192xf32, #tpu.memory_space<vmem_shared>>) target_semaphore(%arg20 : memref<!tpu.dma_semaphore, #tpu.memory_space<semaphore_mem>>)
    %mul3A_92 = arith.constant 65536 : i32
    %mul3A_93 = arith.muli %arg1, %mul3A_92 : i32
    %add3A_94 = arith.constant 40960 : i32
    %add3A_95 = arith.addi %mul3A_93, %add3A_94 : i32
    %dma_start3A_96 = tpu.memref_slice %arg19[%add3A_95] : memref<1048592xf32, #tpu.memory_space<vmem_shared>> -> memref<8192xf32, #tpu.memory_space<vmem_shared>>
    %dma_start3A_97 = tpu.memref_slice %arg19[%add3A_95] : memref<1048592xf32, #tpu.memory_space<vmem_shared>> -> memref<8192xf32, #tpu.memory_space<vmem_shared>>
    tpu.enqueue_dma source(%arg15 : memref<8192xf32, #tpu.memory_space<vmem>>) target(%dma_start3A_97 : memref<8192xf32, #tpu.memory_space<vmem_shared>>) target_semaphore(%arg20 : memref<!tpu.dma_semaphore, #tpu.memory_space<semaphore_mem>>)
    %mul3A_98 = arith.constant 65536 : i32
    %mul3A_99 = arith.muli %arg1, %mul3A_98 : i32
    %add3A_100 = arith.constant 49152 : i32
    %add3A_101 = arith.addi %mul3A_99, %add3A_100 : i32
    %dma_start3A_102 = tpu.memref_slice %arg19[%add3A_101] : memref<1048592xf32, #tpu.memory_space<vmem_shared>> -> memref<8192xf32, #tpu.memory_space<vmem_shared>>
    %dma_start3A_103 = tpu.memref_slice %arg19[%add3A_101] : memref<1048592xf32, #tpu.memory_space<vmem_shared>> -> memref<8192xf32, #tpu.memory_space<vmem_shared>>
    tpu.enqueue_dma source(%arg15 : memref<8192xf32, #tpu.memory_space<vmem>>) target(%dma_start3A_103 : memref<8192xf32, #tpu.memory_space<vmem_shared>>) target_semaphore(%arg20 : memref<!tpu.dma_semaphore, #tpu.memory_space<semaphore_mem>>)
    %mul3A_104 = arith.constant 65536 : i32
    %mul3A_105 = arith.muli %arg1, %mul3A_104 : i32
    %add3A_106 = arith.constant 57344 : i32
    %add3A_107 = arith.addi %mul3A_105, %add3A_106 : i32
    %dma_start3A_108 = tpu.memref_slice %arg19[%add3A_107] : memref<1048592xf32, #tpu.memory_space<vmem_shared>> -> memref<8192xf32, #tpu.memory_space<vmem_shared>>
    %dma_start3A_109 = tpu.memref_slice %arg19[%add3A_107] : memref<1048592xf32, #tpu.memory_space<vmem_shared>> -> memref<8192xf32, #tpu.memory_space<vmem_shared>>
    tpu.enqueue_dma source(%arg15 : memref<8192xf32, #tpu.memory_space<vmem>>) target(%dma_start3A_109 : memref<8192xf32, #tpu.memory_space<vmem_shared>>) target_semaphore(%arg20 : memref<!tpu.dma_semaphore, #tpu.memory_space<semaphore_mem>>)
    %dma_wait3A = tpu.memref_slice %arg19[%add3A_66] : memref<1048592xf32, #tpu.memory_space<vmem_shared>> -> memref<8192xf32, #tpu.memory_space<vmem_shared>>
    %dma_wait3A_110 = tpu.memref_slice %arg19[%add3A_66] : memref<1048592xf32, #tpu.memory_space<vmem_shared>> -> memref<8192xf32, #tpu.memory_space<vmem_shared>>
    tpu.wait_dma2 semaphore(%arg20 : memref<!tpu.dma_semaphore, #tpu.memory_space<semaphore_mem>>) src(%arg15 : memref<8192xf32, #tpu.memory_space<vmem>>) dst(%dma_wait3A_110 : memref<8192xf32, #tpu.memory_space<vmem_shared>>)
    %dma_wait3A_111 = tpu.memref_slice %arg19[%add3A_71] : memref<1048592xf32, #tpu.memory_space<vmem_shared>> -> memref<8192xf32, #tpu.memory_space<vmem_shared>>
    %dma_wait3A_112 = tpu.memref_slice %arg19[%add3A_71] : memref<1048592xf32, #tpu.memory_space<vmem_shared>> -> memref<8192xf32, #tpu.memory_space<vmem_shared>>
    tpu.wait_dma2 semaphore(%arg20 : memref<!tpu.dma_semaphore, #tpu.memory_space<semaphore_mem>>) src(%arg15 : memref<8192xf32, #tpu.memory_space<vmem>>) dst(%dma_wait3A_112 : memref<8192xf32, #tpu.memory_space<vmem_shared>>)
    %dma_wait3A_113 = tpu.memref_slice %arg19[%add3A_77] : memref<1048592xf32, #tpu.memory_space<vmem_shared>> -> memref<8192xf32, #tpu.memory_space<vmem_shared>>
    %dma_wait3A_114 = tpu.memref_slice %arg19[%add3A_77] : memref<1048592xf32, #tpu.memory_space<vmem_shared>> -> memref<8192xf32, #tpu.memory_space<vmem_shared>>
    tpu.wait_dma2 semaphore(%arg20 : memref<!tpu.dma_semaphore, #tpu.memory_space<semaphore_mem>>) src(%arg15 : memref<8192xf32, #tpu.memory_space<vmem>>) dst(%dma_wait3A_114 : memref<8192xf32, #tpu.memory_space<vmem_shared>>)
    %dma_wait3A_115 = tpu.memref_slice %arg19[%add3A_83] : memref<1048592xf32, #tpu.memory_space<vmem_shared>> -> memref<8192xf32, #tpu.memory_space<vmem_shared>>
    %dma_wait3A_116 = tpu.memref_slice %arg19[%add3A_83] : memref<1048592xf32, #tpu.memory_space<vmem_shared>> -> memref<8192xf32, #tpu.memory_space<vmem_shared>>
    tpu.wait_dma2 semaphore(%arg20 : memref<!tpu.dma_semaphore, #tpu.memory_space<semaphore_mem>>) src(%arg15 : memref<8192xf32, #tpu.memory_space<vmem>>) dst(%dma_wait3A_116 : memref<8192xf32, #tpu.memory_space<vmem_shared>>)
    %dma_wait3A_117 = tpu.memref_slice %arg19[%add3A_89] : memref<1048592xf32, #tpu.memory_space<vmem_shared>> -> memref<8192xf32, #tpu.memory_space<vmem_shared>>
    %dma_wait3A_118 = tpu.memref_slice %arg19[%add3A_89] : memref<1048592xf32, #tpu.memory_space<vmem_shared>> -> memref<8192xf32, #tpu.memory_space<vmem_shared>>
    tpu.wait_dma2 semaphore(%arg20 : memref<!tpu.dma_semaphore, #tpu.memory_space<semaphore_mem>>) src(%arg15 : memref<8192xf32, #tpu.memory_space<vmem>>) dst(%dma_wait3A_118 : memref<8192xf32, #tpu.memory_space<vmem_shared>>)
    %dma_wait3A_119 = tpu.memref_slice %arg19[%add3A_95] : memref<1048592xf32, #tpu.memory_space<vmem_shared>> -> memref<8192xf32, #tpu.memory_space<vmem_shared>>
    %dma_wait3A_120 = tpu.memref_slice %arg19[%add3A_95] : memref<1048592xf32, #tpu.memory_space<vmem_shared>> -> memref<8192xf32, #tpu.memory_space<vmem_shared>>
    tpu.wait_dma2 semaphore(%arg20 : memref<!tpu.dma_semaphore, #tpu.memory_space<semaphore_mem>>) src(%arg15 : memref<8192xf32, #tpu.memory_space<vmem>>) dst(%dma_wait3A_120 : memref<8192xf32, #tpu.memory_space<vmem_shared>>)
    %dma_wait3A_121 = tpu.memref_slice %arg19[%add3A_101] : memref<1048592xf32, #tpu.memory_space<vmem_shared>> -> memref<8192xf32, #tpu.memory_space<vmem_shared>>
    %dma_wait3A_122 = tpu.memref_slice %arg19[%add3A_101] : memref<1048592xf32, #tpu.memory_space<vmem_shared>> -> memref<8192xf32, #tpu.memory_space<vmem_shared>>
    tpu.wait_dma2 semaphore(%arg20 : memref<!tpu.dma_semaphore, #tpu.memory_space<semaphore_mem>>) src(%arg15 : memref<8192xf32, #tpu.memory_space<vmem>>) dst(%dma_wait3A_122 : memref<8192xf32, #tpu.memory_space<vmem_shared>>)
    %dma_wait3A_123 = tpu.memref_slice %arg19[%add3A_107] : memref<1048592xf32, #tpu.memory_space<vmem_shared>> -> memref<8192xf32, #tpu.memory_space<vmem_shared>>
    %dma_wait3A_124 = tpu.memref_slice %arg19[%add3A_107] : memref<1048592xf32, #tpu.memory_space<vmem_shared>> -> memref<8192xf32, #tpu.memory_space<vmem_shared>>
    tpu.wait_dma2 semaphore(%arg20 : memref<!tpu.dma_semaphore, #tpu.memory_space<semaphore_mem>>) src(%arg15 : memref<8192xf32, #tpu.memory_space<vmem>>) dst(%dma_wait3A_124 : memref<8192xf32, #tpu.memory_space<vmem_shared>>)
    "tpu.trace_stop"() : () -> ()
    "tpu.trace_start"() <{level = 10 : i32, message = "sc_compact0"}> : () -> ()
    %scan3A_125 = arith.constant 0 : i32
    %scan3A_126 = arith.constant 0 : i32
    %scan3A_127 = arith.constant 128 : i32
    %scan3A_128 = arith.addi %scan3A_126, %scan3A_127 : i32
    %scan3A_129 = arith.constant 1 : i32
    %scan3A_130 = scf.for %scan3A_434 = %scan3A_126 to %scan3A_128 step %scan3A_129 iter_args(%scan3A_435 = %scan3A_125) -> (i32)  : i32 {
      %mul3A_436 = arith.constant 16 : i32
      %mul3A_437 = arith.muli %scan3A_434, %mul3A_436 : i32
      %get3A = arith.index_cast %mul3A_437 : i32 to index
      %get3A_438 = tpu.vector_load %arg6[%get3A] {strides = array<i32>} : memref<2048xi32, #tpu.memory_space<vmem>>, vector<16xi32>,
      %mul3A_439 = arith.constant 16 : i32
      %mul3A_440 = arith.muli %scan3A_434, %mul3A_439 : i32
      %get3A_441 = arith.index_cast %mul3A_440 : i32 to index
      %get3A_442 = tpu.vector_load %arg7[%get3A_441] {strides = array<i32>} : memref<2048xi32, #tpu.memory_space<vmem>>, vector<16xi32>,
      %mul3A_443 = arith.constant 16 : i32
      %mul3A_444 = arith.muli %scan3A_434, %mul3A_443 : i32
      %get3A_445 = arith.index_cast %mul3A_444 : i32 to index
      %get3A_446 = tpu.vector_load %arg8[%get3A_445] {strides = array<i32>} : memref<2048xf32, #tpu.memory_space<vmem>>, vector<16xf32>,
      %mul3A_447 = arith.constant 2048 : i32
      %mul3A_448 = vector.broadcast %mul3A_447 : i32 to vector<16xi32>
      %mul3A_449 = arith.muli %get3A_438, %mul3A_448 : vector<16xi32>
      %add3A_450 = arith.addi %mul3A_449, %get3A_442 : vector<16xi32>
      %sub3A_451 = vector.broadcast %mul3A_62 : i32 to vector<16xi32>
      %sub3A_452 = arith.subi %add3A_450, %sub3A_451 : vector<16xi32>
      %ge3A = vector.broadcast %mul3A_60 : i32 to vector<16xi32>
      %ge3A_453 = arith.cmpi sge, %get3A_438, %ge3A : vector<16xi32>
      %add3A_454 = arith.constant 512 : i32
      %add3A_455 = arith.addi %mul3A_60, %add3A_454 : i32
      %lt3A = vector.broadcast %add3A_455 : i32 to vector<16xi32>
      %lt3A_456 = arith.cmpi slt, %get3A_438, %lt3A : vector<16xi32>
      %and3A_457 = arith.andi %ge3A_453, %lt3A_456 : vector<16xi1>
      %swap3A_458 = arith.index_cast %scan3A_435 : i32 to index
      %swap3A_459 = tpu.vector_load %arg9[%swap3A_458] masked %and3A_457 {strides = array<i32>} : memref<2064xi32, #tpu.memory_space<vmem>>, vector<16xi32>, vector<16xi1>
      tpu.vector_store %arg9[%swap3A_458], %sub3A_452 masked %and3A_457 {strides = array<i32>} : memref<2064xi32, #tpu.memory_space<vmem>>, vector<16xi32>, vector<16xi1>
      %swap3A_460 = arith.index_cast %scan3A_435 : i32 to index
      %swap3A_461 = tpu.vector_load %arg10[%swap3A_460] masked %and3A_457 {strides = array<i32>} : memref<2064xf32, #tpu.memory_space<vmem>>, vector<16xf32>, vector<16xi1>
      tpu.vector_store %arg10[%swap3A_460], %get3A_446 masked %and3A_457 {strides = array<i32>} : memref<2064xf32, #tpu.memory_space<vmem>>, vector<16xf32>, vector<16xi1>
      %all_reduce_population_count3A = tpu.all_reduce %and3A_457 {dim = 0 : i64, kind = #tpu.reduction_kind<sum>} : vector<16xi1> -> vector<16xi32>
      %slice3A = vector.extract_strided_slice %all_reduce_population_count3A {offsets = [0], sizes = [1], strides = [1]} : vector<16xi32> to vector<1xi32>
      %squeeze3A = vector.extract %slice3A[0] : i32 from vector<1xi32>
      %add3A_462 = arith.addi %scan3A_435, %squeeze3A : i32
      scf.yield %add3A_462 : i32
    }
    %scan3A_131 = arith.constant 128 : i32
    %swap3A = arith.index_cast %scan3A_130 : i32 to index
    %swap3A_132 = tpu.vector_load %arg9[%swap3A] {strides = array<i32>} : memref<2064xi32, #tpu.memory_space<vmem>>, vector<16xi32>,
    tpu.vector_store %arg9[%swap3A], %broadcast_in_dim3A_53 {strides = array<i32>} : memref<2064xi32, #tpu.memory_space<vmem>>, vector<16xi32>,
    %swap3A_133 = arith.index_cast %scan3A_130 : i32 to index
    %swap3A_134 = tpu.vector_load %arg10[%swap3A_133] {strides = array<i32>} : memref<2064xf32, #tpu.memory_space<vmem>>, vector<16xf32>,
    tpu.vector_store %arg10[%swap3A_133], %broadcast_in_dim3A_55 {strides = array<i32>} : memref<2064xf32, #tpu.memory_space<vmem>>, vector<16xf32>,
    %add3A_135 = arith.constant 256 : i32
    %add3A_136 = arith.addi %scan3A_130, %add3A_135 : i32
    %sub3A = arith.constant 1 : i32
    %sub3A_137 = arith.subi %add3A_136, %sub3A : i32
    %div3A = arith.constant 256 : i32
    %div3A_138 = arith.divsi %sub3A_137, %div3A : i32
    %add3A_139 = arith.constant 16 : i32
    %add3A_140 = arith.addi %scan3A_130, %add3A_139 : i32
    %div3A_141 = arith.constant 16 : i32
    %div3A_142 = arith.divsi %add3A_140, %div3A_141 : i32
    %mul3A_143 = arith.constant 16 : i32
    %mul3A_144 = arith.muli %div3A_138, %mul3A_143 : i32
    %while3A = arith.constant 0 : i32
    %while3A_145 = arith.subi %mul3A_144, %div3A_142 : i32
    %while3A_146 = arith.addi %div3A_142, %while3A_145 : i32
    %while3A_147 = arith.constant 1 : i32
    %while3A_148 = arith.divsi %while3A_145, %while3A_147 : i32
    %while3A_149 = arith.muli %while3A_148, %while3A_147 : i32
    %while3A_150 = arith.addi %div3A_142, %while3A_149 : i32
    %while3A_151 = arith.constant 1 : i32
    %while3A_152 = scf.for %while3A_434 = %div3A_142 to %while3A_150 step %while3A_151 iter_args(%while3A_435 = %while3A) -> (i32)  : i32 {
      %mul3A_436 = arith.constant 16 : i32
      %mul3A_437 = arith.muli %while3A_434, %mul3A_436 : i32
      %swap3A_438 = arith.index_cast %mul3A_437 : i32 to index
      %swap3A_439 = tpu.vector_load %arg9[%swap3A_438] {strides = array<i32>} : memref<2064xi32, #tpu.memory_space<vmem>>, vector<16xi32>,
      tpu.vector_store %arg9[%swap3A_438], %broadcast_in_dim3A_53 {strides = array<i32>} : memref<2064xi32, #tpu.memory_space<vmem>>, vector<16xi32>,
      %mul3A_440 = arith.constant 16 : i32
      %mul3A_441 = arith.muli %while3A_434, %mul3A_440 : i32
      %swap3A_442 = arith.index_cast %mul3A_441 : i32 to index
      %swap3A_443 = tpu.vector_load %arg10[%swap3A_442] {strides = array<i32>} : memref<2064xf32, #tpu.memory_space<vmem>>, vector<16xf32>,
      tpu.vector_store %arg10[%swap3A_442], %broadcast_in_dim3A_55 {strides = array<i32>} : memref<2064xf32, #tpu.memory_space<vmem>>, vector<16xf32>,
      %while3A_444 = arith.constant 0 : i32
      scf.yield %while3A_444 : i32
    }
    %while3A_153 = arith.constant 1 : i32
    %while3A_154 = scf.for %while3A_434 = %while3A_150 to %while3A_146 step %while3A_153 iter_args(%while3A_435 = %while3A_152) -> (i32)  : i32 {
      %mul3A_436 = arith.constant 16 : i32
      %mul3A_437 = arith.muli %while3A_434, %mul3A_436 : i32
      %swap3A_438 = arith.index_cast %mul3A_437 : i32 to index
      %swap3A_439 = tpu.vector_load %arg9[%swap3A_438] {strides = array<i32>} : memref<2064xi32, #tpu.memory_space<vmem>>, vector<16xi32>,
      tpu.vector_store %arg9[%swap3A_438], %broadcast_in_dim3A_53 {strides = array<i32>} : memref<2064xi32, #tpu.memory_space<vmem>>, vector<16xi32>,
      %mul3A_440 = arith.constant 16 : i32
      %mul3A_441 = arith.muli %while3A_434, %mul3A_440 : i32
      %swap3A_442 = arith.index_cast %mul3A_441 : i32 to index
      %swap3A_443 = tpu.vector_load %arg10[%swap3A_442] {strides = array<i32>} : memref<2064xf32, #tpu.memory_space<vmem>>, vector<16xf32>,
      tpu.vector_store %arg10[%swap3A_442], %broadcast_in_dim3A_55 {strides = array<i32>} : memref<2064xf32, #tpu.memory_space<vmem>>, vector<16xf32>,
      %while3A_444 = arith.constant 0 : i32
      scf.yield %while3A_444 : i32
    }
    %gt3A = arith.constant 0 : i32
    %gt3A_155 = arith.cmpi sgt, %scan3A_130, %gt3A : i32
    %convert_element_type3A_156 = arith.extui %gt3A_155 : i1 to i32
    %cond3A_157 = arith.constant 0 : i32
    %cond3A_158 = arith.cmpi ne, %convert_element_type3A_156, %cond3A_157 : i32
    scf.if %cond3A_158 {
      %scan3A_434 = arith.constant 0 : i32
      %scan3A_435 = arith.constant 0 : i32
      %scan3A_436 = arith.constant 16 : i32
      %scan3A_437 = arith.addi %scan3A_435, %scan3A_436 : i32
      %scan3A_438 = arith.constant 1 : i32
      %scan3A_439 = scf.for %scan3A_441 = %scan3A_435 to %scan3A_437 step %scan3A_438 iter_args(%scan3A_442 = %scan3A_434) -> (i32)  : i32 {
        %mul3A_443 = arith.constant 16 : i32
        %mul3A_444 = arith.muli %scan3A_441, %mul3A_443 : i32
        %add3A_445 = arith.constant 0 : i32
        %add3A_446 = arith.addi %add3A_445, %mul3A_444 : i32
        %get3A = arith.index_cast %add3A_446 : i32 to index
        %get3A_447 = tpu.vector_load %arg9[%get3A] {strides = array<i32>} : memref<2064xi32, #tpu.memory_space<vmem>>, vector<16xi32>,
        %mul3A_448 = arith.constant 16 : i32
        %mul3A_449 = arith.muli %scan3A_441, %mul3A_448 : i32
        %swap3A_450 = arith.constant 0 : i32
        %swap3A_451 = arith.index_cast %swap3A_450 : i32 to index
        %swap3A_452 = arith.index_cast %mul3A_449 : i32 to index
        %swap3A_453 = tpu.vector_load %arg11[%swap3A_451, %swap3A_452] {strides = array<i32>} : memref<8x256xi32, #tpu.memory_space<vmem>>, vector<16xi32>,
        tpu.vector_store %arg11[%swap3A_451, %swap3A_452], %get3A_447 {strides = array<i32>} : memref<8x256xi32, #tpu.memory_space<vmem>>, vector<16xi32>,
        %scan3A_454 = arith.constant 0 : i32
        scf.yield %scan3A_454 : i32
      }
      %scan3A_440 = arith.constant 16 : i32
    } else {
    }
    %gt3A_159 = arith.constant 256 : i32
    %gt3A_160 = arith.cmpi sgt, %scan3A_130, %gt3A_159 : i32
    %convert_element_type3A_161 = arith.extui %gt3A_160 : i1 to i32
    %cond3A_162 = arith.constant 0 : i32
    %cond3A_163 = arith.cmpi ne, %convert_element_type3A_161, %cond3A_162 : i32
    scf.if %cond3A_163 {
      %scan3A_434 = arith.constant 0 : i32
      %scan3A_435 = arith.constant 0 : i32
      %scan3A_436 = arith.constant 16 : i32
      %scan3A_437 = arith.addi %scan3A_435, %scan3A_436 : i32
      %scan3A_438 = arith.constant 1 : i32
      %scan3A_439 = scf.for %scan3A_441 = %scan3A_435 to %scan3A_437 step %scan3A_438 iter_args(%scan3A_442 = %scan3A_434) -> (i32)  : i32 {
        %mul3A_443 = arith.constant 16 : i32
        %mul3A_444 = arith.muli %scan3A_441, %mul3A_443 : i32
        %add3A_445 = arith.constant 256 : i32
        %add3A_446 = arith.addi %add3A_445, %mul3A_444 : i32
        %get3A = arith.index_cast %add3A_446 : i32 to index
        %get3A_447 = tpu.vector_load %arg9[%get3A] {strides = array<i32>} : memref<2064xi32, #tpu.memory_space<vmem>>, vector<16xi32>,
        %mul3A_448 = arith.constant 16 : i32
        %mul3A_449 = arith.muli %scan3A_441, %mul3A_448 : i32
        %swap3A_450 = arith.constant 1 : i32
        %swap3A_451 = arith.index_cast %swap3A_450 : i32 to index
        %swap3A_452 = arith.index_cast %mul3A_449 : i32 to index
        %swap3A_453 = tpu.vector_load %arg11[%swap3A_451, %swap3A_452] {strides = array<i32>} : memref<8x256xi32, #tpu.memory_space<vmem>>, vector<16xi32>,
        tpu.vector_store %arg11[%swap3A_451, %swap3A_452], %get3A_447 {strides = array<i32>} : memref<8x256xi32, #tpu.memory_space<vmem>>, vector<16xi32>,
        %scan3A_454 = arith.constant 0 : i32
        scf.yield %scan3A_454 : i32
      }
      %scan3A_440 = arith.constant 16 : i32
    } else {
    }
    %gt3A_164 = arith.constant 512 : i32
    %gt3A_165 = arith.cmpi sgt, %scan3A_130, %gt3A_164 : i32
    %convert_element_type3A_166 = arith.extui %gt3A_165 : i1 to i32
    %cond3A_167 = arith.constant 0 : i32
    %cond3A_168 = arith.cmpi ne, %convert_element_type3A_166, %cond3A_167 : i32
    scf.if %cond3A_168 {
      %scan3A_434 = arith.constant 0 : i32
      %scan3A_435 = arith.constant 0 : i32
      %scan3A_436 = arith.constant 16 : i32
      %scan3A_437 = arith.addi %scan3A_435, %scan3A_436 : i32
      %scan3A_438 = arith.constant 1 : i32
      %scan3A_439 = scf.for %scan3A_441 = %scan3A_435 to %scan3A_437 step %scan3A_438 iter_args(%scan3A_442 = %scan3A_434) -> (i32)  : i32 {
        %mul3A_443 = arith.constant 16 : i32
        %mul3A_444 = arith.muli %scan3A_441, %mul3A_443 : i32
        %add3A_445 = arith.constant 512 : i32
        %add3A_446 = arith.addi %add3A_445, %mul3A_444 : i32
        %get3A = arith.index_cast %add3A_446 : i32 to index
        %get3A_447 = tpu.vector_load %arg9[%get3A] {strides = array<i32>} : memref<2064xi32, #tpu.memory_space<vmem>>, vector<16xi32>,
        %mul3A_448 = arith.constant 16 : i32
        %mul3A_449 = arith.muli %scan3A_441, %mul3A_448 : i32
        %swap3A_450 = arith.constant 2 : i32
        %swap3A_451 = arith.index_cast %swap3A_450 : i32 to index
        %swap3A_452 = arith.index_cast %mul3A_449 : i32 to index
        %swap3A_453 = tpu.vector_load %arg11[%swap3A_451, %swap3A_452] {strides = array<i32>} : memref<8x256xi32, #tpu.memory_space<vmem>>, vector<16xi32>,
        tpu.vector_store %arg11[%swap3A_451, %swap3A_452], %get3A_447 {strides = array<i32>} : memref<8x256xi32, #tpu.memory_space<vmem>>, vector<16xi32>,
        %scan3A_454 = arith.constant 0 : i32
        scf.yield %scan3A_454 : i32
      }
      %scan3A_440 = arith.constant 16 : i32
    } else {
    }
    %gt3A_169 = arith.constant 768 : i32
    %gt3A_170 = arith.cmpi sgt, %scan3A_130, %gt3A_169 : i32
    %convert_element_type3A_171 = arith.extui %gt3A_170 : i1 to i32
    %cond3A_172 = arith.constant 0 : i32
    %cond3A_173 = arith.cmpi ne, %convert_element_type3A_171, %cond3A_172 : i32
    scf.if %cond3A_173 {
      %scan3A_434 = arith.constant 0 : i32
      %scan3A_435 = arith.constant 0 : i32
      %scan3A_436 = arith.constant 16 : i32
      %scan3A_437 = arith.addi %scan3A_435, %scan3A_436 : i32
      %scan3A_438 = arith.constant 1 : i32
      %scan3A_439 = scf.for %scan3A_441 = %scan3A_435 to %scan3A_437 step %scan3A_438 iter_args(%scan3A_442 = %scan3A_434) -> (i32)  : i32 {
        %mul3A_443 = arith.constant 16 : i32
        %mul3A_444 = arith.muli %scan3A_441, %mul3A_443 : i32
        %add3A_445 = arith.constant 768 : i32
        %add3A_446 = arith.addi %add3A_445, %mul3A_444 : i32
        %get3A = arith.index_cast %add3A_446 : i32 to index
        %get3A_447 = tpu.vector_load %arg9[%get3A] {strides = array<i32>} : memref<2064xi32, #tpu.memory_space<vmem>>, vector<16xi32>,
        %mul3A_448 = arith.constant 16 : i32
        %mul3A_449 = arith.muli %scan3A_441, %mul3A_448 : i32
        %swap3A_450 = arith.constant 3 : i32
        %swap3A_451 = arith.index_cast %swap3A_450 : i32 to index
        %swap3A_452 = arith.index_cast %mul3A_449 : i32 to index
        %swap3A_453 = tpu.vector_load %arg11[%swap3A_451, %swap3A_452] {strides = array<i32>} : memref<8x256xi32, #tpu.memory_space<vmem>>, vector<16xi32>,
        tpu.vector_store %arg11[%swap3A_451, %swap3A_452], %get3A_447 {strides = array<i32>} : memref<8x256xi32, #tpu.memory_space<vmem>>, vector<16xi32>,
        %scan3A_454 = arith.constant 0 : i32
        scf.yield %scan3A_454 : i32
      }
      %scan3A_440 = arith.constant 16 : i32
    } else {
    }
    %gt3A_174 = arith.constant 1024 : i32
    %gt3A_175 = arith.cmpi sgt, %scan3A_130, %gt3A_174 : i32
    %convert_element_type3A_176 = arith.extui %gt3A_175 : i1 to i32
    %cond3A_177 = arith.constant 0 : i32
    %cond3A_178 = arith.cmpi ne, %convert_element_type3A_176, %cond3A_177 : i32
    scf.if %cond3A_178 {
      %scan3A_434 = arith.constant 0 : i32
      %scan3A_435 = arith.constant 0 : i32
      %scan3A_436 = arith.constant 16 : i32
      %scan3A_437 = arith.addi %scan3A_435, %scan3A_436 : i32
      %scan3A_438 = arith.constant 1 : i32
      %scan3A_439 = scf.for %scan3A_441 = %scan3A_435 to %scan3A_437 step %scan3A_438 iter_args(%scan3A_442 = %scan3A_434) -> (i32)  : i32 {
        %mul3A_443 = arith.constant 16 : i32
        %mul3A_444 = arith.muli %scan3A_441, %mul3A_443 : i32
        %add3A_445 = arith.constant 1024 : i32
        %add3A_446 = arith.addi %add3A_445, %mul3A_444 : i32
        %get3A = arith.index_cast %add3A_446 : i32 to index
        %get3A_447 = tpu.vector_load %arg9[%get3A] {strides = array<i32>} : memref<2064xi32, #tpu.memory_space<vmem>>, vector<16xi32>,
        %mul3A_448 = arith.constant 16 : i32
        %mul3A_449 = arith.muli %scan3A_441, %mul3A_448 : i32
        %swap3A_450 = arith.constant 4 : i32
        %swap3A_451 = arith.index_cast %swap3A_450 : i32 to index
        %swap3A_452 = arith.index_cast %mul3A_449 : i32 to index
        %swap3A_453 = tpu.vector_load %arg11[%swap3A_451, %swap3A_452] {strides = array<i32>} : memref<8x256xi32, #tpu.memory_space<vmem>>, vector<16xi32>,
        tpu.vector_store %arg11[%swap3A_451, %swap3A_452], %get3A_447 {strides = array<i32>} : memref<8x256xi32, #tpu.memory_space<vmem>>, vector<16xi32>,
        %scan3A_454 = arith.constant 0 : i32
        scf.yield %scan3A_454 : i32
      }
      %scan3A_440 = arith.constant 16 : i32
    } else {
    }
    %gt3A_179 = arith.constant 1280 : i32
    %gt3A_180 = arith.cmpi sgt, %scan3A_130, %gt3A_179 : i32
    %convert_element_type3A_181 = arith.extui %gt3A_180 : i1 to i32
    %cond3A_182 = arith.constant 0 : i32
    %cond3A_183 = arith.cmpi ne, %convert_element_type3A_181, %cond3A_182 : i32
    scf.if %cond3A_183 {
      %scan3A_434 = arith.constant 0 : i32
      %scan3A_435 = arith.constant 0 : i32
      %scan3A_436 = arith.constant 16 : i32
      %scan3A_437 = arith.addi %scan3A_435, %scan3A_436 : i32
      %scan3A_438 = arith.constant 1 : i32
      %scan3A_439 = scf.for %scan3A_441 = %scan3A_435 to %scan3A_437 step %scan3A_438 iter_args(%scan3A_442 = %scan3A_434) -> (i32)  : i32 {
        %mul3A_443 = arith.constant 16 : i32
        %mul3A_444 = arith.muli %scan3A_441, %mul3A_443 : i32
        %add3A_445 = arith.constant 1280 : i32
        %add3A_446 = arith.addi %add3A_445, %mul3A_444 : i32
        %get3A = arith.index_cast %add3A_446 : i32 to index
        %get3A_447 = tpu.vector_load %arg9[%get3A] {strides = array<i32>} : memref<2064xi32, #tpu.memory_space<vmem>>, vector<16xi32>,
        %mul3A_448 = arith.constant 16 : i32
        %mul3A_449 = arith.muli %scan3A_441, %mul3A_448 : i32
        %swap3A_450 = arith.constant 5 : i32
        %swap3A_451 = arith.index_cast %swap3A_450 : i32 to index
        %swap3A_452 = arith.index_cast %mul3A_449 : i32 to index
        %swap3A_453 = tpu.vector_load %arg11[%swap3A_451, %swap3A_452] {strides = array<i32>} : memref<8x256xi32, #tpu.memory_space<vmem>>, vector<16xi32>,
        tpu.vector_store %arg11[%swap3A_451, %swap3A_452], %get3A_447 {strides = array<i32>} : memref<8x256xi32, #tpu.memory_space<vmem>>, vector<16xi32>,
        %scan3A_454 = arith.constant 0 : i32
        scf.yield %scan3A_454 : i32
      }
      %scan3A_440 = arith.constant 16 : i32
    } else {
    }
    %gt3A_184 = arith.constant 1536 : i32
    %gt3A_185 = arith.cmpi sgt, %scan3A_130, %gt3A_184 : i32
    %convert_element_type3A_186 = arith.extui %gt3A_185 : i1 to i32
    %cond3A_187 = arith.constant 0 : i32
    %cond3A_188 = arith.cmpi ne, %convert_element_type3A_186, %cond3A_187 : i32
    scf.if %cond3A_188 {
      %scan3A_434 = arith.constant 0 : i32
      %scan3A_435 = arith.constant 0 : i32
      %scan3A_436 = arith.constant 16 : i32
      %scan3A_437 = arith.addi %scan3A_435, %scan3A_436 : i32
      %scan3A_438 = arith.constant 1 : i32
      %scan3A_439 = scf.for %scan3A_441 = %scan3A_435 to %scan3A_437 step %scan3A_438 iter_args(%scan3A_442 = %scan3A_434) -> (i32)  : i32 {
        %mul3A_443 = arith.constant 16 : i32
        %mul3A_444 = arith.muli %scan3A_441, %mul3A_443 : i32
        %add3A_445 = arith.constant 1536 : i32
        %add3A_446 = arith.addi %add3A_445, %mul3A_444 : i32
        %get3A = arith.index_cast %add3A_446 : i32 to index
        %get3A_447 = tpu.vector_load %arg9[%get3A] {strides = array<i32>} : memref<2064xi32, #tpu.memory_space<vmem>>, vector<16xi32>,
        %mul3A_448 = arith.constant 16 : i32
        %mul3A_449 = arith.muli %scan3A_441, %mul3A_448 : i32
        %swap3A_450 = arith.constant 6 : i32
        %swap3A_451 = arith.index_cast %swap3A_450 : i32 to index
        %swap3A_452 = arith.index_cast %mul3A_449 : i32 to index
        %swap3A_453 = tpu.vector_load %arg11[%swap3A_451, %swap3A_452] {strides = array<i32>} : memref<8x256xi32, #tpu.memory_space<vmem>>, vector<16xi32>,
        tpu.vector_store %arg11[%swap3A_451, %swap3A_452], %get3A_447 {strides = array<i32>} : memref<8x256xi32, #tpu.memory_space<vmem>>, vector<16xi32>,
        %scan3A_454 = arith.constant 0 : i32
        scf.yield %scan3A_454 : i32
      }
      %scan3A_440 = arith.constant 16 : i32
    } else {
    }
    %gt3A_189 = arith.constant 1792 : i32
    %gt3A_190 = arith.cmpi sgt, %scan3A_130, %gt3A_189 : i32
    %convert_element_type3A_191 = arith.extui %gt3A_190 : i1 to i32
    %cond3A_192 = arith.constant 0 : i32
    %cond3A_193 = arith.cmpi ne, %convert_element_type3A_191, %cond3A_192 : i32
    scf.if %cond3A_193 {
      %scan3A_434 = arith.constant 0 : i32
      %scan3A_435 = arith.constant 0 : i32
      %scan3A_436 = arith.constant 16 : i32
      %scan3A_437 = arith.addi %scan3A_435, %scan3A_436 : i32
      %scan3A_438 = arith.constant 1 : i32
      %scan3A_439 = scf.for %scan3A_441 = %scan3A_435 to %scan3A_437 step %scan3A_438 iter_args(%scan3A_442 = %scan3A_434) -> (i32)  : i32 {
        %mul3A_443 = arith.constant 16 : i32
        %mul3A_444 = arith.muli %scan3A_441, %mul3A_443 : i32
        %add3A_445 = arith.constant 1792 : i32
        %add3A_446 = arith.addi %add3A_445, %mul3A_444 : i32
        %get3A = arith.index_cast %add3A_446 : i32 to index
        %get3A_447 = tpu.vector_load %arg9[%get3A] {strides = array<i32>} : memref<2064xi32, #tpu.memory_space<vmem>>, vector<16xi32>,
        %mul3A_448 = arith.constant 16 : i32
        %mul3A_449 = arith.muli %scan3A_441, %mul3A_448 : i32
        %swap3A_450 = arith.constant 7 : i32
        %swap3A_451 = arith.index_cast %swap3A_450 : i32 to index
        %swap3A_452 = arith.index_cast %mul3A_449 : i32 to index
        %swap3A_453 = tpu.vector_load %arg11[%swap3A_451, %swap3A_452] {strides = array<i32>} : memref<8x256xi32, #tpu.memory_space<vmem>>, vector<16xi32>,
        tpu.vector_store %arg11[%swap3A_451, %swap3A_452], %get3A_447 {strides = array<i32>} : memref<8x256xi32, #tpu.memory_space<vmem>>, vector<16xi32>,
        %scan3A_454 = arith.constant 0 : i32
        scf.yield %scan3A_454 : i32
      }
      %scan3A_440 = arith.constant 16 : i32
    } else {
    }
    %barrier3A_194 = arith.constant 0 : index
    tpu.barrier barrier_id(%barrier3A_194)
    %gt3A_195 = arith.constant 0 : i32
    "tpu.trace_stop"() : () -> ()
    "tpu.trace_start"() <{level = 10 : i32, message = "sc_scatter0"}> : () -> ()
    %gt3A_196 = arith.cmpi sgt, %scan3A_130, %gt3A_195 : i32
    %convert_element_type3A_197 = arith.extui %gt3A_196 : i1 to i32
    %cond3A_198 = arith.constant 0 : i32
    %cond3A_199 = arith.cmpi ne, %convert_element_type3A_197, %cond3A_198 : i32
    scf.if %cond3A_199 {
      %run_scoped3A_434 = arith.constant 0 : i32
      "tpu.region"() ({
        %run_scoped3A_435 = tpu.sem_alloc : memref<!tpu.dma_semaphore, #tpu.memory_space<semaphore_mem>>
        %dma_start3A_436 = arith.constant 0 : i32
        %dma_start3A_437 = tpu.memref_slice %arg10[%dma_start3A_436] : memref<2064xf32, #tpu.memory_space<vmem>> -> memref<256xf32, #tpu.memory_space<vmem>>
        %dma_start3A_438 = arith.constant 0 : i32
        %dma_start3A_439 = tpu.memref_slice %arg11[%run_scoped3A_434, %dma_start3A_438] : memref<8x256xi32, #tpu.memory_space<vmem>> -> memref<1x256xi32, #tpu.memory_space<vmem>>
        %dma_start3A_440 = tpu.memref_squeeze %dma_start3A_439 : memref<1x256xi32, #tpu.memory_space<vmem>> -> memref<256xi32, #tpu.memory_space<vmem>>
        %dma_start3A_441 = arith.constant 0 : i32
        %dma_start3A_442 = tpu.memref_slice %arg19[%dma_start3A_441] : memref<1048592xf32, #tpu.memory_space<vmem_shared>> -> memref<1048592xf32, #tpu.memory_space<vmem_shared>>
        tpu.enqueue_indirect_dma source(%dma_start3A_437 : memref<256xf32, #tpu.memory_space<vmem>>) target(%dma_start3A_442 : memref<1048592xf32, #tpu.memory_space<vmem_shared>>) offsets(%dma_start3A_440 : memref<256xi32, #tpu.memory_space<vmem>>) semaphore(%run_scoped3A_435 : memref<!tpu.dma_semaphore, #tpu.memory_space<semaphore_mem>>) {add = true}
        %dma_wait3A_443 = arith.constant 0 : i32
        %dma_wait3A_444 = tpu.memref_slice %arg10[%dma_wait3A_443] : memref<2064xf32, #tpu.memory_space<vmem>> -> memref<256xf32, #tpu.memory_space<vmem>>
        %dma_wait3A_445 = arith.constant 0 : i32
        %dma_wait3A_446 = tpu.memref_slice %arg11[%run_scoped3A_434, %dma_wait3A_445] : memref<8x256xi32, #tpu.memory_space<vmem>> -> memref<1x256xi32, #tpu.memory_space<vmem>>
        %dma_wait3A_447 = tpu.memref_squeeze %dma_wait3A_446 : memref<1x256xi32, #tpu.memory_space<vmem>> -> memref<256xi32, #tpu.memory_space<vmem>>
        %dma_wait3A_448 = arith.constant 0 : i32
        %dma_wait3A_449 = tpu.memref_slice %arg19[%dma_wait3A_448] : memref<1048592xf32, #tpu.memory_space<vmem_shared>> -> memref<1048592xf32, #tpu.memory_space<vmem_shared>>
        tpu.wait_indirect_dma semaphore(%run_scoped3A_435 : memref<!tpu.dma_semaphore, #tpu.memory_space<semaphore_mem>>) src(%dma_wait3A_444 : memref<256xf32, #tpu.memory_space<vmem>>) dst(%dma_wait3A_449 : memref<1048592xf32, #tpu.memory_space<vmem_shared>>)
        tpu.yield
      }) : () -> ()
    } else {
    }
    %gt3A_200 = arith.constant 256 : i32
    %gt3A_201 = arith.cmpi sgt, %scan3A_130, %gt3A_200 : i32
    %convert_element_type3A_202 = arith.extui %gt3A_201 : i1 to i32
    %cond3A_203 = arith.constant 0 : i32
    %cond3A_204 = arith.cmpi ne, %convert_element_type3A_202, %cond3A_203 : i32
    scf.if %cond3A_204 {
      %run_scoped3A_434 = arith.constant 1 : i32
      "tpu.region"() ({
        %run_scoped3A_435 = tpu.sem_alloc : memref<!tpu.dma_semaphore, #tpu.memory_space<semaphore_mem>>
        %dma_start3A_436 = arith.constant 256 : i32
        %dma_start3A_437 = tpu.memref_slice %arg10[%dma_start3A_436] : memref<2064xf32, #tpu.memory_space<vmem>> -> memref<256xf32, #tpu.memory_space<vmem>>
        %dma_start3A_438 = arith.constant 0 : i32
        %dma_start3A_439 = tpu.memref_slice %arg11[%run_scoped3A_434, %dma_start3A_438] : memref<8x256xi32, #tpu.memory_space<vmem>> -> memref<1x256xi32, #tpu.memory_space<vmem>>
        %dma_start3A_440 = tpu.memref_squeeze %dma_start3A_439 : memref<1x256xi32, #tpu.memory_space<vmem>> -> memref<256xi32, #tpu.memory_space<vmem>>
        %dma_start3A_441 = arith.constant 0 : i32
        %dma_start3A_442 = tpu.memref_slice %arg19[%dma_start3A_441] : memref<1048592xf32, #tpu.memory_space<vmem_shared>> -> memref<1048592xf32, #tpu.memory_space<vmem_shared>>
        tpu.enqueue_indirect_dma source(%dma_start3A_437 : memref<256xf32, #tpu.memory_space<vmem>>) target(%dma_start3A_442 : memref<1048592xf32, #tpu.memory_space<vmem_shared>>) offsets(%dma_start3A_440 : memref<256xi32, #tpu.memory_space<vmem>>) semaphore(%run_scoped3A_435 : memref<!tpu.dma_semaphore, #tpu.memory_space<semaphore_mem>>) {add = true}
        %dma_wait3A_443 = arith.constant 256 : i32
        %dma_wait3A_444 = tpu.memref_slice %arg10[%dma_wait3A_443] : memref<2064xf32, #tpu.memory_space<vmem>> -> memref<256xf32, #tpu.memory_space<vmem>>
        %dma_wait3A_445 = arith.constant 0 : i32
        %dma_wait3A_446 = tpu.memref_slice %arg11[%run_scoped3A_434, %dma_wait3A_445] : memref<8x256xi32, #tpu.memory_space<vmem>> -> memref<1x256xi32, #tpu.memory_space<vmem>>
        %dma_wait3A_447 = tpu.memref_squeeze %dma_wait3A_446 : memref<1x256xi32, #tpu.memory_space<vmem>> -> memref<256xi32, #tpu.memory_space<vmem>>
        %dma_wait3A_448 = arith.constant 0 : i32
        %dma_wait3A_449 = tpu.memref_slice %arg19[%dma_wait3A_448] : memref<1048592xf32, #tpu.memory_space<vmem_shared>> -> memref<1048592xf32, #tpu.memory_space<vmem_shared>>
        tpu.wait_indirect_dma semaphore(%run_scoped3A_435 : memref<!tpu.dma_semaphore, #tpu.memory_space<semaphore_mem>>) src(%dma_wait3A_444 : memref<256xf32, #tpu.memory_space<vmem>>) dst(%dma_wait3A_449 : memref<1048592xf32, #tpu.memory_space<vmem_shared>>)
        tpu.yield
      }) : () -> ()
    } else {
    }
    %gt3A_205 = arith.constant 512 : i32
    %gt3A_206 = arith.cmpi sgt, %scan3A_130, %gt3A_205 : i32
    %convert_element_type3A_207 = arith.extui %gt3A_206 : i1 to i32
    %cond3A_208 = arith.constant 0 : i32
    %cond3A_209 = arith.cmpi ne, %convert_element_type3A_207, %cond3A_208 : i32
    scf.if %cond3A_209 {
      %run_scoped3A_434 = arith.constant 2 : i32
      "tpu.region"() ({
        %run_scoped3A_435 = tpu.sem_alloc : memref<!tpu.dma_semaphore, #tpu.memory_space<semaphore_mem>>
        %dma_start3A_436 = arith.constant 512 : i32
        %dma_start3A_437 = tpu.memref_slice %arg10[%dma_start3A_436] : memref<2064xf32, #tpu.memory_space<vmem>> -> memref<256xf32, #tpu.memory_space<vmem>>
        %dma_start3A_438 = arith.constant 0 : i32
        %dma_start3A_439 = tpu.memref_slice %arg11[%run_scoped3A_434, %dma_start3A_438] : memref<8x256xi32, #tpu.memory_space<vmem>> -> memref<1x256xi32, #tpu.memory_space<vmem>>
        %dma_start3A_440 = tpu.memref_squeeze %dma_start3A_439 : memref<1x256xi32, #tpu.memory_space<vmem>> -> memref<256xi32, #tpu.memory_space<vmem>>
        %dma_start3A_441 = arith.constant 0 : i32
        %dma_start3A_442 = tpu.memref_slice %arg19[%dma_start3A_441] : memref<1048592xf32, #tpu.memory_space<vmem_shared>> -> memref<1048592xf32, #tpu.memory_space<vmem_shared>>
        tpu.enqueue_indirect_dma source(%dma_start3A_437 : memref<256xf32, #tpu.memory_space<vmem>>) target(%dma_start3A_442 : memref<1048592xf32, #tpu.memory_space<vmem_shared>>) offsets(%dma_start3A_440 : memref<256xi32, #tpu.memory_space<vmem>>) semaphore(%run_scoped3A_435 : memref<!tpu.dma_semaphore, #tpu.memory_space<semaphore_mem>>) {add = true}
        %dma_wait3A_443 = arith.constant 512 : i32
        %dma_wait3A_444 = tpu.memref_slice %arg10[%dma_wait3A_443] : memref<2064xf32, #tpu.memory_space<vmem>> -> memref<256xf32, #tpu.memory_space<vmem>>
        %dma_wait3A_445 = arith.constant 0 : i32
        %dma_wait3A_446 = tpu.memref_slice %arg11[%run_scoped3A_434, %dma_wait3A_445] : memref<8x256xi32, #tpu.memory_space<vmem>> -> memref<1x256xi32, #tpu.memory_space<vmem>>
        %dma_wait3A_447 = tpu.memref_squeeze %dma_wait3A_446 : memref<1x256xi32, #tpu.memory_space<vmem>> -> memref<256xi32, #tpu.memory_space<vmem>>
        %dma_wait3A_448 = arith.constant 0 : i32
        %dma_wait3A_449 = tpu.memref_slice %arg19[%dma_wait3A_448] : memref<1048592xf32, #tpu.memory_space<vmem_shared>> -> memref<1048592xf32, #tpu.memory_space<vmem_shared>>
        tpu.wait_indirect_dma semaphore(%run_scoped3A_435 : memref<!tpu.dma_semaphore, #tpu.memory_space<semaphore_mem>>) src(%dma_wait3A_444 : memref<256xf32, #tpu.memory_space<vmem>>) dst(%dma_wait3A_449 : memref<1048592xf32, #tpu.memory_space<vmem_shared>>)
        tpu.yield
      }) : () -> ()
    } else {
    }
    %gt3A_210 = arith.constant 768 : i32
    %gt3A_211 = arith.cmpi sgt, %scan3A_130, %gt3A_210 : i32
    %convert_element_type3A_212 = arith.extui %gt3A_211 : i1 to i32
    %cond3A_213 = arith.constant 0 : i32
    %cond3A_214 = arith.cmpi ne, %convert_element_type3A_212, %cond3A_213 : i32
    scf.if %cond3A_214 {
      %run_scoped3A_434 = arith.constant 3 : i32
      "tpu.region"() ({
        %run_scoped3A_435 = tpu.sem_alloc : memref<!tpu.dma_semaphore, #tpu.memory_space<semaphore_mem>>
        %dma_start3A_436 = arith.constant 768 : i32
        %dma_start3A_437 = tpu.memref_slice %arg10[%dma_start3A_436] : memref<2064xf32, #tpu.memory_space<vmem>> -> memref<256xf32, #tpu.memory_space<vmem>>
        %dma_start3A_438 = arith.constant 0 : i32
        %dma_start3A_439 = tpu.memref_slice %arg11[%run_scoped3A_434, %dma_start3A_438] : memref<8x256xi32, #tpu.memory_space<vmem>> -> memref<1x256xi32, #tpu.memory_space<vmem>>
        %dma_start3A_440 = tpu.memref_squeeze %dma_start3A_439 : memref<1x256xi32, #tpu.memory_space<vmem>> -> memref<256xi32, #tpu.memory_space<vmem>>
        %dma_start3A_441 = arith.constant 0 : i32
        %dma_start3A_442 = tpu.memref_slice %arg19[%dma_start3A_441] : memref<1048592xf32, #tpu.memory_space<vmem_shared>> -> memref<1048592xf32, #tpu.memory_space<vmem_shared>>
        tpu.enqueue_indirect_dma source(%dma_start3A_437 : memref<256xf32, #tpu.memory_space<vmem>>) target(%dma_start3A_442 : memref<1048592xf32, #tpu.memory_space<vmem_shared>>) offsets(%dma_start3A_440 : memref<256xi32, #tpu.memory_space<vmem>>) semaphore(%run_scoped3A_435 : memref<!tpu.dma_semaphore, #tpu.memory_space<semaphore_mem>>) {add = true}
        %dma_wait3A_443 = arith.constant 768 : i32
        %dma_wait3A_444 = tpu.memref_slice %arg10[%dma_wait3A_443] : memref<2064xf32, #tpu.memory_space<vmem>> -> memref<256xf32, #tpu.memory_space<vmem>>
        %dma_wait3A_445 = arith.constant 0 : i32
        %dma_wait3A_446 = tpu.memref_slice %arg11[%run_scoped3A_434, %dma_wait3A_445] : memref<8x256xi32, #tpu.memory_space<vmem>> -> memref<1x256xi32, #tpu.memory_space<vmem>>
        %dma_wait3A_447 = tpu.memref_squeeze %dma_wait3A_446 : memref<1x256xi32, #tpu.memory_space<vmem>> -> memref<256xi32, #tpu.memory_space<vmem>>
        %dma_wait3A_448 = arith.constant 0 : i32
        %dma_wait3A_449 = tpu.memref_slice %arg19[%dma_wait3A_448] : memref<1048592xf32, #tpu.memory_space<vmem_shared>> -> memref<1048592xf32, #tpu.memory_space<vmem_shared>>
        tpu.wait_indirect_dma semaphore(%run_scoped3A_435 : memref<!tpu.dma_semaphore, #tpu.memory_space<semaphore_mem>>) src(%dma_wait3A_444 : memref<256xf32, #tpu.memory_space<vmem>>) dst(%dma_wait3A_449 : memref<1048592xf32, #tpu.memory_space<vmem_shared>>)
        tpu.yield
      }) : () -> ()
    } else {
    }
    %gt3A_215 = arith.constant 1024 : i32
    %gt3A_216 = arith.cmpi sgt, %scan3A_130, %gt3A_215 : i32
    %convert_element_type3A_217 = arith.extui %gt3A_216 : i1 to i32
    %cond3A_218 = arith.constant 0 : i32
    %cond3A_219 = arith.cmpi ne, %convert_element_type3A_217, %cond3A_218 : i32
    scf.if %cond3A_219 {
      %run_scoped3A_434 = arith.constant 4 : i32
      "tpu.region"() ({
        %run_scoped3A_435 = tpu.sem_alloc : memref<!tpu.dma_semaphore, #tpu.memory_space<semaphore_mem>>
        %dma_start3A_436 = arith.constant 1024 : i32
        %dma_start3A_437 = tpu.memref_slice %arg10[%dma_start3A_436] : memref<2064xf32, #tpu.memory_space<vmem>> -> memref<256xf32, #tpu.memory_space<vmem>>
        %dma_start3A_438 = arith.constant 0 : i32
        %dma_start3A_439 = tpu.memref_slice %arg11[%run_scoped3A_434, %dma_start3A_438] : memref<8x256xi32, #tpu.memory_space<vmem>> -> memref<1x256xi32, #tpu.memory_space<vmem>>
        %dma_start3A_440 = tpu.memref_squeeze %dma_start3A_439 : memref<1x256xi32, #tpu.memory_space<vmem>> -> memref<256xi32, #tpu.memory_space<vmem>>
        %dma_start3A_441 = arith.constant 0 : i32
        %dma_start3A_442 = tpu.memref_slice %arg19[%dma_start3A_441] : memref<1048592xf32, #tpu.memory_space<vmem_shared>> -> memref<1048592xf32, #tpu.memory_space<vmem_shared>>
        tpu.enqueue_indirect_dma source(%dma_start3A_437 : memref<256xf32, #tpu.memory_space<vmem>>) target(%dma_start3A_442 : memref<1048592xf32, #tpu.memory_space<vmem_shared>>) offsets(%dma_start3A_440 : memref<256xi32, #tpu.memory_space<vmem>>) semaphore(%run_scoped3A_435 : memref<!tpu.dma_semaphore, #tpu.memory_space<semaphore_mem>>) {add = true}
        %dma_wait3A_443 = arith.constant 1024 : i32
        %dma_wait3A_444 = tpu.memref_slice %arg10[%dma_wait3A_443] : memref<2064xf32, #tpu.memory_space<vmem>> -> memref<256xf32, #tpu.memory_space<vmem>>
        %dma_wait3A_445 = arith.constant 0 : i32
        %dma_wait3A_446 = tpu.memref_slice %arg11[%run_scoped3A_434, %dma_wait3A_445] : memref<8x256xi32, #tpu.memory_space<vmem>> -> memref<1x256xi32, #tpu.memory_space<vmem>>
        %dma_wait3A_447 = tpu.memref_squeeze %dma_wait3A_446 : memref<1x256xi32, #tpu.memory_space<vmem>> -> memref<256xi32, #tpu.memory_space<vmem>>
        %dma_wait3A_448 = arith.constant 0 : i32
        %dma_wait3A_449 = tpu.memref_slice %arg19[%dma_wait3A_448] : memref<1048592xf32, #tpu.memory_space<vmem_shared>> -> memref<1048592xf32, #tpu.memory_space<vmem_shared>>
        tpu.wait_indirect_dma semaphore(%run_scoped3A_435 : memref<!tpu.dma_semaphore, #tpu.memory_space<semaphore_mem>>) src(%dma_wait3A_444 : memref<256xf32, #tpu.memory_space<vmem>>) dst(%dma_wait3A_449 : memref<1048592xf32, #tpu.memory_space<vmem_shared>>)
        tpu.yield
      }) : () -> ()
    } else {
    }
    %gt3A_220 = arith.constant 1280 : i32
    %gt3A_221 = arith.cmpi sgt, %scan3A_130, %gt3A_220 : i32
    %convert_element_type3A_222 = arith.extui %gt3A_221 : i1 to i32
    %cond3A_223 = arith.constant 0 : i32
    %cond3A_224 = arith.cmpi ne, %convert_element_type3A_222, %cond3A_223 : i32
    scf.if %cond3A_224 {
      %run_scoped3A_434 = arith.constant 5 : i32
      "tpu.region"() ({
        %run_scoped3A_435 = tpu.sem_alloc : memref<!tpu.dma_semaphore, #tpu.memory_space<semaphore_mem>>
        %dma_start3A_436 = arith.constant 1280 : i32
        %dma_start3A_437 = tpu.memref_slice %arg10[%dma_start3A_436] : memref<2064xf32, #tpu.memory_space<vmem>> -> memref<256xf32, #tpu.memory_space<vmem>>
        %dma_start3A_438 = arith.constant 0 : i32
        %dma_start3A_439 = tpu.memref_slice %arg11[%run_scoped3A_434, %dma_start3A_438] : memref<8x256xi32, #tpu.memory_space<vmem>> -> memref<1x256xi32, #tpu.memory_space<vmem>>
        %dma_start3A_440 = tpu.memref_squeeze %dma_start3A_439 : memref<1x256xi32, #tpu.memory_space<vmem>> -> memref<256xi32, #tpu.memory_space<vmem>>
        %dma_start3A_441 = arith.constant 0 : i32
        %dma_start3A_442 = tpu.memref_slice %arg19[%dma_start3A_441] : memref<1048592xf32, #tpu.memory_space<vmem_shared>> -> memref<1048592xf32, #tpu.memory_space<vmem_shared>>
        tpu.enqueue_indirect_dma source(%dma_start3A_437 : memref<256xf32, #tpu.memory_space<vmem>>) target(%dma_start3A_442 : memref<1048592xf32, #tpu.memory_space<vmem_shared>>) offsets(%dma_start3A_440 : memref<256xi32, #tpu.memory_space<vmem>>) semaphore(%run_scoped3A_435 : memref<!tpu.dma_semaphore, #tpu.memory_space<semaphore_mem>>) {add = true}
        %dma_wait3A_443 = arith.constant 1280 : i32
        %dma_wait3A_444 = tpu.memref_slice %arg10[%dma_wait3A_443] : memref<2064xf32, #tpu.memory_space<vmem>> -> memref<256xf32, #tpu.memory_space<vmem>>
        %dma_wait3A_445 = arith.constant 0 : i32
        %dma_wait3A_446 = tpu.memref_slice %arg11[%run_scoped3A_434, %dma_wait3A_445] : memref<8x256xi32, #tpu.memory_space<vmem>> -> memref<1x256xi32, #tpu.memory_space<vmem>>
        %dma_wait3A_447 = tpu.memref_squeeze %dma_wait3A_446 : memref<1x256xi32, #tpu.memory_space<vmem>> -> memref<256xi32, #tpu.memory_space<vmem>>
        %dma_wait3A_448 = arith.constant 0 : i32
        %dma_wait3A_449 = tpu.memref_slice %arg19[%dma_wait3A_448] : memref<1048592xf32, #tpu.memory_space<vmem_shared>> -> memref<1048592xf32, #tpu.memory_space<vmem_shared>>
        tpu.wait_indirect_dma semaphore(%run_scoped3A_435 : memref<!tpu.dma_semaphore, #tpu.memory_space<semaphore_mem>>) src(%dma_wait3A_444 : memref<256xf32, #tpu.memory_space<vmem>>) dst(%dma_wait3A_449 : memref<1048592xf32, #tpu.memory_space<vmem_shared>>)
        tpu.yield
      }) : () -> ()
    } else {
    }
    %gt3A_225 = arith.constant 1536 : i32
    %gt3A_226 = arith.cmpi sgt, %scan3A_130, %gt3A_225 : i32
    %convert_element_type3A_227 = arith.extui %gt3A_226 : i1 to i32
    %cond3A_228 = arith.constant 0 : i32
    %cond3A_229 = arith.cmpi ne, %convert_element_type3A_227, %cond3A_228 : i32
    scf.if %cond3A_229 {
      %run_scoped3A_434 = arith.constant 6 : i32
      "tpu.region"() ({
        %run_scoped3A_435 = tpu.sem_alloc : memref<!tpu.dma_semaphore, #tpu.memory_space<semaphore_mem>>
        %dma_start3A_436 = arith.constant 1536 : i32
        %dma_start3A_437 = tpu.memref_slice %arg10[%dma_start3A_436] : memref<2064xf32, #tpu.memory_space<vmem>> -> memref<256xf32, #tpu.memory_space<vmem>>
        %dma_start3A_438 = arith.constant 0 : i32
        %dma_start3A_439 = tpu.memref_slice %arg11[%run_scoped3A_434, %dma_start3A_438] : memref<8x256xi32, #tpu.memory_space<vmem>> -> memref<1x256xi32, #tpu.memory_space<vmem>>
        %dma_start3A_440 = tpu.memref_squeeze %dma_start3A_439 : memref<1x256xi32, #tpu.memory_space<vmem>> -> memref<256xi32, #tpu.memory_space<vmem>>
        %dma_start3A_441 = arith.constant 0 : i32
        %dma_start3A_442 = tpu.memref_slice %arg19[%dma_start3A_441] : memref<1048592xf32, #tpu.memory_space<vmem_shared>> -> memref<1048592xf32, #tpu.memory_space<vmem_shared>>
        tpu.enqueue_indirect_dma source(%dma_start3A_437 : memref<256xf32, #tpu.memory_space<vmem>>) target(%dma_start3A_442 : memref<1048592xf32, #tpu.memory_space<vmem_shared>>) offsets(%dma_start3A_440 : memref<256xi32, #tpu.memory_space<vmem>>) semaphore(%run_scoped3A_435 : memref<!tpu.dma_semaphore, #tpu.memory_space<semaphore_mem>>) {add = true}
        %dma_wait3A_443 = arith.constant 1536 : i32
        %dma_wait3A_444 = tpu.memref_slice %arg10[%dma_wait3A_443] : memref<2064xf32, #tpu.memory_space<vmem>> -> memref<256xf32, #tpu.memory_space<vmem>>
        %dma_wait3A_445 = arith.constant 0 : i32
        %dma_wait3A_446 = tpu.memref_slice %arg11[%run_scoped3A_434, %dma_wait3A_445] : memref<8x256xi32, #tpu.memory_space<vmem>> -> memref<1x256xi32, #tpu.memory_space<vmem>>
        %dma_wait3A_447 = tpu.memref_squeeze %dma_wait3A_446 : memref<1x256xi32, #tpu.memory_space<vmem>> -> memref<256xi32, #tpu.memory_space<vmem>>
        %dma_wait3A_448 = arith.constant 0 : i32
        %dma_wait3A_449 = tpu.memref_slice %arg19[%dma_wait3A_448] : memref<1048592xf32, #tpu.memory_space<vmem_shared>> -> memref<1048592xf32, #tpu.memory_space<vmem_shared>>
        tpu.wait_indirect_dma semaphore(%run_scoped3A_435 : memref<!tpu.dma_semaphore, #tpu.memory_space<semaphore_mem>>) src(%dma_wait3A_444 : memref<256xf32, #tpu.memory_space<vmem>>) dst(%dma_wait3A_449 : memref<1048592xf32, #tpu.memory_space<vmem_shared>>)
        tpu.yield
      }) : () -> ()
    } else {
    }
    %gt3A_230 = arith.constant 1792 : i32
    %gt3A_231 = arith.cmpi sgt, %scan3A_130, %gt3A_230 : i32
    %convert_element_type3A_232 = arith.extui %gt3A_231 : i1 to i32
    %cond3A_233 = arith.constant 0 : i32
    %cond3A_234 = arith.cmpi ne, %convert_element_type3A_232, %cond3A_233 : i32
    scf.if %cond3A_234 {
      %run_scoped3A_434 = arith.constant 7 : i32
      "tpu.region"() ({
        %run_scoped3A_435 = tpu.sem_alloc : memref<!tpu.dma_semaphore, #tpu.memory_space<semaphore_mem>>
        %dma_start3A_436 = arith.constant 1792 : i32
        %dma_start3A_437 = tpu.memref_slice %arg10[%dma_start3A_436] : memref<2064xf32, #tpu.memory_space<vmem>> -> memref<256xf32, #tpu.memory_space<vmem>>
        %dma_start3A_438 = arith.constant 0 : i32
        %dma_start3A_439 = tpu.memref_slice %arg11[%run_scoped3A_434, %dma_start3A_438] : memref<8x256xi32, #tpu.memory_space<vmem>> -> memref<1x256xi32, #tpu.memory_space<vmem>>
        %dma_start3A_440 = tpu.memref_squeeze %dma_start3A_439 : memref<1x256xi32, #tpu.memory_space<vmem>> -> memref<256xi32, #tpu.memory_space<vmem>>
        %dma_start3A_441 = arith.constant 0 : i32
        %dma_start3A_442 = tpu.memref_slice %arg19[%dma_start3A_441] : memref<1048592xf32, #tpu.memory_space<vmem_shared>> -> memref<1048592xf32, #tpu.memory_space<vmem_shared>>
        tpu.enqueue_indirect_dma source(%dma_start3A_437 : memref<256xf32, #tpu.memory_space<vmem>>) target(%dma_start3A_442 : memref<1048592xf32, #tpu.memory_space<vmem_shared>>) offsets(%dma_start3A_440 : memref<256xi32, #tpu.memory_space<vmem>>) semaphore(%run_scoped3A_435 : memref<!tpu.dma_semaphore, #tpu.memory_space<semaphore_mem>>) {add = true}
        %dma_wait3A_443 = arith.constant 1792 : i32
        %dma_wait3A_444 = tpu.memref_slice %arg10[%dma_wait3A_443] : memref<2064xf32, #tpu.memory_space<vmem>> -> memref<256xf32, #tpu.memory_space<vmem>>
        %dma_wait3A_445 = arith.constant 0 : i32
        %dma_wait3A_446 = tpu.memref_slice %arg11[%run_scoped3A_434, %dma_wait3A_445] : memref<8x256xi32, #tpu.memory_space<vmem>> -> memref<1x256xi32, #tpu.memory_space<vmem>>
        %dma_wait3A_447 = tpu.memref_squeeze %dma_wait3A_446 : memref<1x256xi32, #tpu.memory_space<vmem>> -> memref<256xi32, #tpu.memory_space<vmem>>
        %dma_wait3A_448 = arith.constant 0 : i32
        %dma_wait3A_449 = tpu.memref_slice %arg19[%dma_wait3A_448] : memref<1048592xf32, #tpu.memory_space<vmem_shared>> -> memref<1048592xf32, #tpu.memory_space<vmem_shared>>
        tpu.wait_indirect_dma semaphore(%run_scoped3A_435 : memref<!tpu.dma_semaphore, #tpu.memory_space<semaphore_mem>>) src(%dma_wait3A_444 : memref<256xf32, #tpu.memory_space<vmem>>) dst(%dma_wait3A_449 : memref<1048592xf32, #tpu.memory_space<vmem_shared>>)
        tpu.yield
      }) : () -> ()
    } else {
    }
    %barrier3A_235 = arith.constant 0 : index
    tpu.barrier barrier_id(%barrier3A_235)
    "tpu.trace_stop"() : () -> ()
    "tpu.trace_start"() <{level = 10 : i32, message = "sc_wb0"}> : () -> ()
    %mul3A_236 = arith.constant 65536 : i32
    %mul3A_237 = arith.muli %arg1, %mul3A_236 : i32
    %mul3A_238 = arith.constant 65536 : i32
    %mul3A_239 = arith.muli %arg1, %mul3A_238 : i32
    %add3A_240 = arith.addi %mul3A_62, %mul3A_239 : i32
    "tpu.region"() ({
      %run_scoped3A_434 = tpu.sem_alloc : memref<!tpu.dma_semaphore, #tpu.memory_space<semaphore_mem>>
      %dma_start3A_435 = tpu.memref_slice %arg3[%add3A_240] : memref<4194304xf32, #tpu.memory_space<hbm>> -> memref<65536xf32, #tpu.memory_space<hbm>>
      %dma_start3A_436 = tpu.memref_slice %arg19[%mul3A_237] : memref<1048592xf32, #tpu.memory_space<vmem_shared>> -> memref<65536xf32, #tpu.memory_space<vmem_shared>>
      tpu.enqueue_dma source(%dma_start3A_436 : memref<65536xf32, #tpu.memory_space<vmem_shared>>) target(%dma_start3A_435 : memref<65536xf32, #tpu.memory_space<hbm>>) target_semaphore(%run_scoped3A_434 : memref<!tpu.dma_semaphore, #tpu.memory_space<semaphore_mem>>)
      %dma_wait3A_437 = tpu.memref_slice %arg3[%add3A_240] : memref<4194304xf32, #tpu.memory_space<hbm>> -> memref<65536xf32, #tpu.memory_space<hbm>>
      %dma_wait3A_438 = tpu.memref_slice %arg19[%mul3A_237] : memref<1048592xf32, #tpu.memory_space<vmem_shared>> -> memref<65536xf32, #tpu.memory_space<vmem_shared>>
      tpu.wait_dma2 semaphore(%run_scoped3A_434 : memref<!tpu.dma_semaphore, #tpu.memory_space<semaphore_mem>>) src(%dma_wait3A_438 : memref<65536xf32, #tpu.memory_space<vmem_shared>>) dst(%dma_wait3A_437 : memref<65536xf32, #tpu.memory_space<hbm>>)
      tpu.yield
    }) : () -> ()
    "tpu.trace_stop"() : () -> ()
    %mul3A_241 = arith.constant 2 : i32
    %mul3A_242 = arith.muli %arg0, %mul3A_241 : i32
    %add3A_243 = arith.constant 1 : i32
    %add3A_244 = arith.addi %mul3A_242, %add3A_243 : i32
    %mul3A_245 = arith.constant 512 : i32
    %mul3A_246 = arith.muli %add3A_244, %mul3A_245 : i32
    %mul3A_247 = arith.constant 2048 : i32
    %mul3A_248 = arith.muli %mul3A_246, %mul3A_247 : i32
    "tpu.trace_start"() <{level = 10 : i32, message = "sc_zero1"}> : () -> ()
    %mul3A_249 = arith.constant 65536 : i32
    %mul3A_250 = arith.muli %arg1, %mul3A_249 : i32
    %add3A_251 = arith.constant 0 : i32
    %add3A_252 = arith.addi %mul3A_250, %add3A_251 : i32
    %dma_start3A_253 = tpu.memref_slice %arg19[%add3A_252] : memref<1048592xf32, #tpu.memory_space<vmem_shared>> -> memref<8192xf32, #tpu.memory_space<vmem_shared>>
    %dma_start3A_254 = tpu.memref_slice %arg19[%add3A_252] : memref<1048592xf32, #tpu.memory_space<vmem_shared>> -> memref<8192xf32, #tpu.memory_space<vmem_shared>>
    tpu.enqueue_dma source(%arg15 : memref<8192xf32, #tpu.memory_space<vmem>>) target(%dma_start3A_254 : memref<8192xf32, #tpu.memory_space<vmem_shared>>) target_semaphore(%arg20 : memref<!tpu.dma_semaphore, #tpu.memory_space<semaphore_mem>>)
    %mul3A_255 = arith.constant 65536 : i32
    %mul3A_256 = arith.muli %arg1, %mul3A_255 : i32
    %add3A_257 = arith.constant 8192 : i32
    %add3A_258 = arith.addi %mul3A_256, %add3A_257 : i32
    %dma_start3A_259 = tpu.memref_slice %arg19[%add3A_258] : memref<1048592xf32, #tpu.memory_space<vmem_shared>> -> memref<8192xf32, #tpu.memory_space<vmem_shared>>
    %dma_start3A_260 = tpu.memref_slice %arg19[%add3A_258] : memref<1048592xf32, #tpu.memory_space<vmem_shared>> -> memref<8192xf32, #tpu.memory_space<vmem_shared>>
    tpu.enqueue_dma source(%arg15 : memref<8192xf32, #tpu.memory_space<vmem>>) target(%dma_start3A_260 : memref<8192xf32, #tpu.memory_space<vmem_shared>>) target_semaphore(%arg20 : memref<!tpu.dma_semaphore, #tpu.memory_space<semaphore_mem>>)
    %mul3A_261 = arith.constant 65536 : i32
    %mul3A_262 = arith.muli %arg1, %mul3A_261 : i32
    %add3A_263 = arith.constant 16384 : i32
    %add3A_264 = arith.addi %mul3A_262, %add3A_263 : i32
    %dma_start3A_265 = tpu.memref_slice %arg19[%add3A_264] : memref<1048592xf32, #tpu.memory_space<vmem_shared>> -> memref<8192xf32, #tpu.memory_space<vmem_shared>>
    %dma_start3A_266 = tpu.memref_slice %arg19[%add3A_264] : memref<1048592xf32, #tpu.memory_space<vmem_shared>> -> memref<8192xf32, #tpu.memory_space<vmem_shared>>
    tpu.enqueue_dma source(%arg15 : memref<8192xf32, #tpu.memory_space<vmem>>) target(%dma_start3A_266 : memref<8192xf32, #tpu.memory_space<vmem_shared>>) target_semaphore(%arg20 : memref<!tpu.dma_semaphore, #tpu.memory_space<semaphore_mem>>)
    %mul3A_267 = arith.constant 65536 : i32
    %mul3A_268 = arith.muli %arg1, %mul3A_267 : i32
    %add3A_269 = arith.constant 24576 : i32
    %add3A_270 = arith.addi %mul3A_268, %add3A_269 : i32
    %dma_start3A_271 = tpu.memref_slice %arg19[%add3A_270] : memref<1048592xf32, #tpu.memory_space<vmem_shared>> -> memref<8192xf32, #tpu.memory_space<vmem_shared>>
    %dma_start3A_272 = tpu.memref_slice %arg19[%add3A_270] : memref<1048592xf32, #tpu.memory_space<vmem_shared>> -> memref<8192xf32, #tpu.memory_space<vmem_shared>>
    tpu.enqueue_dma source(%arg15 : memref<8192xf32, #tpu.memory_space<vmem>>) target(%dma_start3A_272 : memref<8192xf32, #tpu.memory_space<vmem_shared>>) target_semaphore(%arg20 : memref<!tpu.dma_semaphore, #tpu.memory_space<semaphore_mem>>)
    %mul3A_273 = arith.constant 65536 : i32
    %mul3A_274 = arith.muli %arg1, %mul3A_273 : i32
    %add3A_275 = arith.constant 32768 : i32
    %add3A_276 = arith.addi %mul3A_274, %add3A_275 : i32
    %dma_start3A_277 = tpu.memref_slice %arg19[%add3A_276] : memref<1048592xf32, #tpu.memory_space<vmem_shared>> -> memref<8192xf32, #tpu.memory_space<vmem_shared>>
    %dma_start3A_278 = tpu.memref_slice %arg19[%add3A_276] : memref<1048592xf32, #tpu.memory_space<vmem_shared>> -> memref<8192xf32, #tpu.memory_space<vmem_shared>>
    tpu.enqueue_dma source(%arg15 : memref<8192xf32, #tpu.memory_space<vmem>>) target(%dma_start3A_278 : memref<8192xf32, #tpu.memory_space<vmem_shared>>) target_semaphore(%arg20 : memref<!tpu.dma_semaphore, #tpu.memory_space<semaphore_mem>>)
    %mul3A_279 = arith.constant 65536 : i32
    %mul3A_280 = arith.muli %arg1, %mul3A_279 : i32
    %add3A_281 = arith.constant 40960 : i32
    %add3A_282 = arith.addi %mul3A_280, %add3A_281 : i32
    %dma_start3A_283 = tpu.memref_slice %arg19[%add3A_282] : memref<1048592xf32, #tpu.memory_space<vmem_shared>> -> memref<8192xf32, #tpu.memory_space<vmem_shared>>
    %dma_start3A_284 = tpu.memref_slice %arg19[%add3A_282] : memref<1048592xf32, #tpu.memory_space<vmem_shared>> -> memref<8192xf32, #tpu.memory_space<vmem_shared>>
    tpu.enqueue_dma source(%arg15 : memref<8192xf32, #tpu.memory_space<vmem>>) target(%dma_start3A_284 : memref<8192xf32, #tpu.memory_space<vmem_shared>>) target_semaphore(%arg20 : memref<!tpu.dma_semaphore, #tpu.memory_space<semaphore_mem>>)
    %mul3A_285 = arith.constant 65536 : i32
    %mul3A_286 = arith.muli %arg1, %mul3A_285 : i32
    %add3A_287 = arith.constant 49152 : i32
    %add3A_288 = arith.addi %mul3A_286, %add3A_287 : i32
    %dma_start3A_289 = tpu.memref_slice %arg19[%add3A_288] : memref<1048592xf32, #tpu.memory_space<vmem_shared>> -> memref<8192xf32, #tpu.memory_space<vmem_shared>>
    %dma_start3A_290 = tpu.memref_slice %arg19[%add3A_288] : memref<1048592xf32, #tpu.memory_space<vmem_shared>> -> memref<8192xf32, #tpu.memory_space<vmem_shared>>
    tpu.enqueue_dma source(%arg15 : memref<8192xf32, #tpu.memory_space<vmem>>) target(%dma_start3A_290 : memref<8192xf32, #tpu.memory_space<vmem_shared>>) target_semaphore(%arg20 : memref<!tpu.dma_semaphore, #tpu.memory_space<semaphore_mem>>)
    %mul3A_291 = arith.constant 65536 : i32
    %mul3A_292 = arith.muli %arg1, %mul3A_291 : i32
    %add3A_293 = arith.constant 57344 : i32
    %add3A_294 = arith.addi %mul3A_292, %add3A_293 : i32
    %dma_start3A_295 = tpu.memref_slice %arg19[%add3A_294] : memref<1048592xf32, #tpu.memory_space<vmem_shared>> -> memref<8192xf32, #tpu.memory_space<vmem_shared>>
    %dma_start3A_296 = tpu.memref_slice %arg19[%add3A_294] : memref<1048592xf32, #tpu.memory_space<vmem_shared>> -> memref<8192xf32, #tpu.memory_space<vmem_shared>>
    tpu.enqueue_dma source(%arg15 : memref<8192xf32, #tpu.memory_space<vmem>>) target(%dma_start3A_296 : memref<8192xf32, #tpu.memory_space<vmem_shared>>) target_semaphore(%arg20 : memref<!tpu.dma_semaphore, #tpu.memory_space<semaphore_mem>>)
    %dma_wait3A_297 = tpu.memref_slice %arg19[%add3A_252] : memref<1048592xf32, #tpu.memory_space<vmem_shared>> -> memref<8192xf32, #tpu.memory_space<vmem_shared>>
    %dma_wait3A_298 = tpu.memref_slice %arg19[%add3A_252] : memref<1048592xf32, #tpu.memory_space<vmem_shared>> -> memref<8192xf32, #tpu.memory_space<vmem_shared>>
    tpu.wait_dma2 semaphore(%arg20 : memref<!tpu.dma_semaphore, #tpu.memory_space<semaphore_mem>>) src(%arg15 : memref<8192xf32, #tpu.memory_space<vmem>>) dst(%dma_wait3A_298 : memref<8192xf32, #tpu.memory_space<vmem_shared>>)
    %dma_wait3A_299 = tpu.memref_slice %arg19[%add3A_258] : memref<1048592xf32, #tpu.memory_space<vmem_shared>> -> memref<8192xf32, #tpu.memory_space<vmem_shared>>
    %dma_wait3A_300 = tpu.memref_slice %arg19[%add3A_258] : memref<1048592xf32, #tpu.memory_space<vmem_shared>> -> memref<8192xf32, #tpu.memory_space<vmem_shared>>
    tpu.wait_dma2 semaphore(%arg20 : memref<!tpu.dma_semaphore, #tpu.memory_space<semaphore_mem>>) src(%arg15 : memref<8192xf32, #tpu.memory_space<vmem>>) dst(%dma_wait3A_300 : memref<8192xf32, #tpu.memory_space<vmem_shared>>)
    %dma_wait3A_301 = tpu.memref_slice %arg19[%add3A_264] : memref<1048592xf32, #tpu.memory_space<vmem_shared>> -> memref<8192xf32, #tpu.memory_space<vmem_shared>>
    %dma_wait3A_302 = tpu.memref_slice %arg19[%add3A_264] : memref<1048592xf32, #tpu.memory_space<vmem_shared>> -> memref<8192xf32, #tpu.memory_space<vmem_shared>>
    tpu.wait_dma2 semaphore(%arg20 : memref<!tpu.dma_semaphore, #tpu.memory_space<semaphore_mem>>) src(%arg15 : memref<8192xf32, #tpu.memory_space<vmem>>) dst(%dma_wait3A_302 : memref<8192xf32, #tpu.memory_space<vmem_shared>>)
    %dma_wait3A_303 = tpu.memref_slice %arg19[%add3A_270] : memref<1048592xf32, #tpu.memory_space<vmem_shared>> -> memref<8192xf32, #tpu.memory_space<vmem_shared>>
    %dma_wait3A_304 = tpu.memref_slice %arg19[%add3A_270] : memref<1048592xf32, #tpu.memory_space<vmem_shared>> -> memref<8192xf32, #tpu.memory_space<vmem_shared>>
    tpu.wait_dma2 semaphore(%arg20 : memref<!tpu.dma_semaphore, #tpu.memory_space<semaphore_mem>>) src(%arg15 : memref<8192xf32, #tpu.memory_space<vmem>>) dst(%dma_wait3A_304 : memref<8192xf32, #tpu.memory_space<vmem_shared>>)
    %dma_wait3A_305 = tpu.memref_slice %arg19[%add3A_276] : memref<1048592xf32, #tpu.memory_space<vmem_shared>> -> memref<8192xf32, #tpu.memory_space<vmem_shared>>
    %dma_wait3A_306 = tpu.memref_slice %arg19[%add3A_276] : memref<1048592xf32, #tpu.memory_space<vmem_shared>> -> memref<8192xf32, #tpu.memory_space<vmem_shared>>
    tpu.wait_dma2 semaphore(%arg20 : memref<!tpu.dma_semaphore, #tpu.memory_space<semaphore_mem>>) src(%arg15 : memref<8192xf32, #tpu.memory_space<vmem>>) dst(%dma_wait3A_306 : memref<8192xf32, #tpu.memory_space<vmem_shared>>)
    %dma_wait3A_307 = tpu.memref_slice %arg19[%add3A_282] : memref<1048592xf32, #tpu.memory_space<vmem_shared>> -> memref<8192xf32, #tpu.memory_space<vmem_shared>>
    %dma_wait3A_308 = tpu.memref_slice %arg19[%add3A_282] : memref<1048592xf32, #tpu.memory_space<vmem_shared>> -> memref<8192xf32, #tpu.memory_space<vmem_shared>>
    tpu.wait_dma2 semaphore(%arg20 : memref<!tpu.dma_semaphore, #tpu.memory_space<semaphore_mem>>) src(%arg15 : memref<8192xf32, #tpu.memory_space<vmem>>) dst(%dma_wait3A_308 : memref<8192xf32, #tpu.memory_space<vmem_shared>>)
    %dma_wait3A_309 = tpu.memref_slice %arg19[%add3A_288] : memref<1048592xf32, #tpu.memory_space<vmem_shared>> -> memref<8192xf32, #tpu.memory_space<vmem_shared>>
    %dma_wait3A_310 = tpu.memref_slice %arg19[%add3A_288] : memref<1048592xf32, #tpu.memory_space<vmem_shared>> -> memref<8192xf32, #tpu.memory_space<vmem_shared>>
    tpu.wait_dma2 semaphore(%arg20 : memref<!tpu.dma_semaphore, #tpu.memory_space<semaphore_mem>>) src(%arg15 : memref<8192xf32, #tpu.memory_space<vmem>>) dst(%dma_wait3A_310 : memref<8192xf32, #tpu.memory_space<vmem_shared>>)
    %dma_wait3A_311 = tpu.memref_slice %arg19[%add3A_294] : memref<1048592xf32, #tpu.memory_space<vmem_shared>> -> memref<8192xf32, #tpu.memory_space<vmem_shared>>
    %dma_wait3A_312 = tpu.memref_slice %arg19[%add3A_294] : memref<1048592xf32, #tpu.memory_space<vmem_shared>> -> memref<8192xf32, #tpu.memory_space<vmem_shared>>
    tpu.wait_dma2 semaphore(%arg20 : memref<!tpu.dma_semaphore, #tpu.memory_space<semaphore_mem>>) src(%arg15 : memref<8192xf32, #tpu.memory_space<vmem>>) dst(%dma_wait3A_312 : memref<8192xf32, #tpu.memory_space<vmem_shared>>)
    "tpu.trace_stop"() : () -> ()
    "tpu.trace_start"() <{level = 10 : i32, message = "sc_compact1"}> : () -> ()
    %scan3A_313 = arith.constant 0 : i32
    %scan3A_314 = arith.constant 0 : i32
    %scan3A_315 = arith.constant 128 : i32
    %scan3A_316 = arith.addi %scan3A_314, %scan3A_315 : i32
    %scan3A_317 = arith.constant 1 : i32
    %scan3A_318 = scf.for %scan3A_434 = %scan3A_314 to %scan3A_316 step %scan3A_317 iter_args(%scan3A_435 = %scan3A_313) -> (i32)  : i32 {
      %mul3A_436 = arith.constant 16 : i32
      %mul3A_437 = arith.muli %scan3A_434, %mul3A_436 : i32
      %get3A = arith.index_cast %mul3A_437 : i32 to index
      %get3A_438 = tpu.vector_load %arg6[%get3A] {strides = array<i32>} : memref<2048xi32, #tpu.memory_space<vmem>>, vector<16xi32>,
      %mul3A_439 = arith.constant 16 : i32
      %mul3A_440 = arith.muli %scan3A_434, %mul3A_439 : i32
      %get3A_441 = arith.index_cast %mul3A_440 : i32 to index
      %get3A_442 = tpu.vector_load %arg7[%get3A_441] {strides = array<i32>} : memref<2048xi32, #tpu.memory_space<vmem>>, vector<16xi32>,
      %mul3A_443 = arith.constant 16 : i32
      %mul3A_444 = arith.muli %scan3A_434, %mul3A_443 : i32
      %get3A_445 = arith.index_cast %mul3A_444 : i32 to index
      %get3A_446 = tpu.vector_load %arg8[%get3A_445] {strides = array<i32>} : memref<2048xf32, #tpu.memory_space<vmem>>, vector<16xf32>,
      %mul3A_447 = arith.constant 2048 : i32
      %mul3A_448 = vector.broadcast %mul3A_447 : i32 to vector<16xi32>
      %mul3A_449 = arith.muli %get3A_438, %mul3A_448 : vector<16xi32>
      %add3A_450 = arith.addi %mul3A_449, %get3A_442 : vector<16xi32>
      %sub3A_451 = vector.broadcast %mul3A_248 : i32 to vector<16xi32>
      %sub3A_452 = arith.subi %add3A_450, %sub3A_451 : vector<16xi32>
      %ge3A = vector.broadcast %mul3A_246 : i32 to vector<16xi32>
      %ge3A_453 = arith.cmpi sge, %get3A_438, %ge3A : vector<16xi32>
      %add3A_454 = arith.constant 512 : i32
      %add3A_455 = arith.addi %mul3A_246, %add3A_454 : i32
      %lt3A = vector.broadcast %add3A_455 : i32 to vector<16xi32>
      %lt3A_456 = arith.cmpi slt, %get3A_438, %lt3A : vector<16xi32>
      %and3A_457 = arith.andi %ge3A_453, %lt3A_456 : vector<16xi1>
      %swap3A_458 = arith.index_cast %scan3A_435 : i32 to index
      %swap3A_459 = tpu.vector_load %arg9[%swap3A_458] masked %and3A_457 {strides = array<i32>} : memref<2064xi32, #tpu.memory_space<vmem>>, vector<16xi32>, vector<16xi1>
      tpu.vector_store %arg9[%swap3A_458], %sub3A_452 masked %and3A_457 {strides = array<i32>} : memref<2064xi32, #tpu.memory_space<vmem>>, vector<16xi32>, vector<16xi1>
      %swap3A_460 = arith.index_cast %scan3A_435 : i32 to index
      %swap3A_461 = tpu.vector_load %arg10[%swap3A_460] masked %and3A_457 {strides = array<i32>} : memref<2064xf32, #tpu.memory_space<vmem>>, vector<16xf32>, vector<16xi1>
      tpu.vector_store %arg10[%swap3A_460], %get3A_446 masked %and3A_457 {strides = array<i32>} : memref<2064xf32, #tpu.memory_space<vmem>>, vector<16xf32>, vector<16xi1>
      %all_reduce_population_count3A = tpu.all_reduce %and3A_457 {dim = 0 : i64, kind = #tpu.reduction_kind<sum>} : vector<16xi1> -> vector<16xi32>
      %slice3A = vector.extract_strided_slice %all_reduce_population_count3A {offsets = [0], sizes = [1], strides = [1]} : vector<16xi32> to vector<1xi32>
      %squeeze3A = vector.extract %slice3A[0] : i32 from vector<1xi32>
      %add3A_462 = arith.addi %scan3A_435, %squeeze3A : i32
      scf.yield %add3A_462 : i32
    }
    %scan3A_319 = arith.constant 128 : i32
    %swap3A_320 = arith.index_cast %scan3A_318 : i32 to index
    %swap3A_321 = tpu.vector_load %arg9[%swap3A_320] {strides = array<i32>} : memref<2064xi32, #tpu.memory_space<vmem>>, vector<16xi32>,
    tpu.vector_store %arg9[%swap3A_320], %broadcast_in_dim3A_53 {strides = array<i32>} : memref<2064xi32, #tpu.memory_space<vmem>>, vector<16xi32>,
    %swap3A_322 = arith.index_cast %scan3A_318 : i32 to index
    %swap3A_323 = tpu.vector_load %arg10[%swap3A_322] {strides = array<i32>} : memref<2064xf32, #tpu.memory_space<vmem>>, vector<16xf32>,
    tpu.vector_store %arg10[%swap3A_322], %broadcast_in_dim3A_55 {strides = array<i32>} : memref<2064xf32, #tpu.memory_space<vmem>>, vector<16xf32>,
    %add3A_324 = arith.constant 256 : i32
    %add3A_325 = arith.addi %scan3A_318, %add3A_324 : i32
    %sub3A_326 = arith.constant 1 : i32
    %sub3A_327 = arith.subi %add3A_325, %sub3A_326 : i32
    %div3A_328 = arith.constant 256 : i32
    %div3A_329 = arith.divsi %sub3A_327, %div3A_328 : i32
    %add3A_330 = arith.constant 16 : i32
    %add3A_331 = arith.addi %scan3A_318, %add3A_330 : i32
    %div3A_332 = arith.constant 16 : i32
    %div3A_333 = arith.divsi %add3A_331, %div3A_332 : i32
    %mul3A_334 = arith.constant 16 : i32
    %mul3A_335 = arith.muli %div3A_329, %mul3A_334 : i32
    %while3A_336 = arith.constant 0 : i32
    %while3A_337 = arith.subi %mul3A_335, %div3A_333 : i32
    %while3A_338 = arith.addi %div3A_333, %while3A_337 : i32
    %while3A_339 = arith.constant 1 : i32
    %while3A_340 = arith.divsi %while3A_337, %while3A_339 : i32
    %while3A_341 = arith.muli %while3A_340, %while3A_339 : i32
    %while3A_342 = arith.addi %div3A_333, %while3A_341 : i32
    %while3A_343 = arith.constant 1 : i32
    %while3A_344 = scf.for %while3A_434 = %div3A_333 to %while3A_342 step %while3A_343 iter_args(%while3A_435 = %while3A_336) -> (i32)  : i32 {
      %mul3A_436 = arith.constant 16 : i32
      %mul3A_437 = arith.muli %while3A_434, %mul3A_436 : i32
      %swap3A_438 = arith.index_cast %mul3A_437 : i32 to index
      %swap3A_439 = tpu.vector_load %arg9[%swap3A_438] {strides = array<i32>} : memref<2064xi32, #tpu.memory_space<vmem>>, vector<16xi32>,
      tpu.vector_store %arg9[%swap3A_438], %broadcast_in_dim3A_53 {strides = array<i32>} : memref<2064xi32, #tpu.memory_space<vmem>>, vector<16xi32>,
      %mul3A_440 = arith.constant 16 : i32
      %mul3A_441 = arith.muli %while3A_434, %mul3A_440 : i32
      %swap3A_442 = arith.index_cast %mul3A_441 : i32 to index
      %swap3A_443 = tpu.vector_load %arg10[%swap3A_442] {strides = array<i32>} : memref<2064xf32, #tpu.memory_space<vmem>>, vector<16xf32>,
      tpu.vector_store %arg10[%swap3A_442], %broadcast_in_dim3A_55 {strides = array<i32>} : memref<2064xf32, #tpu.memory_space<vmem>>, vector<16xf32>,
      %while3A_444 = arith.constant 0 : i32
      scf.yield %while3A_444 : i32
    }
    %while3A_345 = arith.constant 1 : i32
    %while3A_346 = scf.for %while3A_434 = %while3A_342 to %while3A_338 step %while3A_345 iter_args(%while3A_435 = %while3A_344) -> (i32)  : i32 {
      %mul3A_436 = arith.constant 16 : i32
      %mul3A_437 = arith.muli %while3A_434, %mul3A_436 : i32
      %swap3A_438 = arith.index_cast %mul3A_437 : i32 to index
      %swap3A_439 = tpu.vector_load %arg9[%swap3A_438] {strides = array<i32>} : memref<2064xi32, #tpu.memory_space<vmem>>, vector<16xi32>,
      tpu.vector_store %arg9[%swap3A_438], %broadcast_in_dim3A_53 {strides = array<i32>} : memref<2064xi32, #tpu.memory_space<vmem>>, vector<16xi32>,
      %mul3A_440 = arith.constant 16 : i32
      %mul3A_441 = arith.muli %while3A_434, %mul3A_440 : i32
      %swap3A_442 = arith.index_cast %mul3A_441 : i32 to index
      %swap3A_443 = tpu.vector_load %arg10[%swap3A_442] {strides = array<i32>} : memref<2064xf32, #tpu.memory_space<vmem>>, vector<16xf32>,
      tpu.vector_store %arg10[%swap3A_442], %broadcast_in_dim3A_55 {strides = array<i32>} : memref<2064xf32, #tpu.memory_space<vmem>>, vector<16xf32>,
      %while3A_444 = arith.constant 0 : i32
      scf.yield %while3A_444 : i32
    }
    %gt3A_347 = arith.constant 0 : i32
    %gt3A_348 = arith.cmpi sgt, %scan3A_318, %gt3A_347 : i32
    %convert_element_type3A_349 = arith.extui %gt3A_348 : i1 to i32
    %cond3A_350 = arith.constant 0 : i32
    %cond3A_351 = arith.cmpi ne, %convert_element_type3A_349, %cond3A_350 : i32
    scf.if %cond3A_351 {
      %scan3A_434 = arith.constant 0 : i32
      %scan3A_435 = arith.constant 0 : i32
      %scan3A_436 = arith.constant 16 : i32
      %scan3A_437 = arith.addi %scan3A_435, %scan3A_436 : i32
      %scan3A_438 = arith.constant 1 : i32
      %scan3A_439 = scf.for %scan3A_441 = %scan3A_435 to %scan3A_437 step %scan3A_438 iter_args(%scan3A_442 = %scan3A_434) -> (i32)  : i32 {
        %mul3A_443 = arith.constant 16 : i32
        %mul3A_444 = arith.muli %scan3A_441, %mul3A_443 : i32
        %add3A_445 = arith.constant 0 : i32
        %add3A_446 = arith.addi %add3A_445, %mul3A_444 : i32
        %get3A = arith.index_cast %add3A_446 : i32 to index
        %get3A_447 = tpu.vector_load %arg9[%get3A] {strides = array<i32>} : memref<2064xi32, #tpu.memory_space<vmem>>, vector<16xi32>,
        %mul3A_448 = arith.constant 16 : i32
        %mul3A_449 = arith.muli %scan3A_441, %mul3A_448 : i32
        %swap3A_450 = arith.constant 0 : i32
        %swap3A_451 = arith.index_cast %swap3A_450 : i32 to index
        %swap3A_452 = arith.index_cast %mul3A_449 : i32 to index
        %swap3A_453 = tpu.vector_load %arg11[%swap3A_451, %swap3A_452] {strides = array<i32>} : memref<8x256xi32, #tpu.memory_space<vmem>>, vector<16xi32>,
        tpu.vector_store %arg11[%swap3A_451, %swap3A_452], %get3A_447 {strides = array<i32>} : memref<8x256xi32, #tpu.memory_space<vmem>>, vector<16xi32>,
        %scan3A_454 = arith.constant 0 : i32
        scf.yield %scan3A_454 : i32
      }
      %scan3A_440 = arith.constant 16 : i32
    } else {
    }
    %gt3A_352 = arith.constant 256 : i32
    %gt3A_353 = arith.cmpi sgt, %scan3A_318, %gt3A_352 : i32
    %convert_element_type3A_354 = arith.extui %gt3A_353 : i1 to i32
    %cond3A_355 = arith.constant 0 : i32
    %cond3A_356 = arith.cmpi ne, %convert_element_type3A_354, %cond3A_355 : i32
    scf.if %cond3A_356 {
      %scan3A_434 = arith.constant 0 : i32
      %scan3A_435 = arith.constant 0 : i32
      %scan3A_436 = arith.constant 16 : i32
      %scan3A_437 = arith.addi %scan3A_435, %scan3A_436 : i32
      %scan3A_438 = arith.constant 1 : i32
      %scan3A_439 = scf.for %scan3A_441 = %scan3A_435 to %scan3A_437 step %scan3A_438 iter_args(%scan3A_442 = %scan3A_434) -> (i32)  : i32 {
        %mul3A_443 = arith.constant 16 : i32
        %mul3A_444 = arith.muli %scan3A_441, %mul3A_443 : i32
        %add3A_445 = arith.constant 256 : i32
        %add3A_446 = arith.addi %add3A_445, %mul3A_444 : i32
        %get3A = arith.index_cast %add3A_446 : i32 to index
        %get3A_447 = tpu.vector_load %arg9[%get3A] {strides = array<i32>} : memref<2064xi32, #tpu.memory_space<vmem>>, vector<16xi32>,
        %mul3A_448 = arith.constant 16 : i32
        %mul3A_449 = arith.muli %scan3A_441, %mul3A_448 : i32
        %swap3A_450 = arith.constant 1 : i32
        %swap3A_451 = arith.index_cast %swap3A_450 : i32 to index
        %swap3A_452 = arith.index_cast %mul3A_449 : i32 to index
        %swap3A_453 = tpu.vector_load %arg11[%swap3A_451, %swap3A_452] {strides = array<i32>} : memref<8x256xi32, #tpu.memory_space<vmem>>, vector<16xi32>,
        tpu.vector_store %arg11[%swap3A_451, %swap3A_452], %get3A_447 {strides = array<i32>} : memref<8x256xi32, #tpu.memory_space<vmem>>, vector<16xi32>,
        %scan3A_454 = arith.constant 0 : i32
        scf.yield %scan3A_454 : i32
      }
      %scan3A_440 = arith.constant 16 : i32
    } else {
    }
    %gt3A_357 = arith.constant 512 : i32
    %gt3A_358 = arith.cmpi sgt, %scan3A_318, %gt3A_357 : i32
    %convert_element_type3A_359 = arith.extui %gt3A_358 : i1 to i32
    %cond3A_360 = arith.constant 0 : i32
    %cond3A_361 = arith.cmpi ne, %convert_element_type3A_359, %cond3A_360 : i32
    scf.if %cond3A_361 {
      %scan3A_434 = arith.constant 0 : i32
      %scan3A_435 = arith.constant 0 : i32
      %scan3A_436 = arith.constant 16 : i32
      %scan3A_437 = arith.addi %scan3A_435, %scan3A_436 : i32
      %scan3A_438 = arith.constant 1 : i32
      %scan3A_439 = scf.for %scan3A_441 = %scan3A_435 to %scan3A_437 step %scan3A_438 iter_args(%scan3A_442 = %scan3A_434) -> (i32)  : i32 {
        %mul3A_443 = arith.constant 16 : i32
        %mul3A_444 = arith.muli %scan3A_441, %mul3A_443 : i32
        %add3A_445 = arith.constant 512 : i32
        %add3A_446 = arith.addi %add3A_445, %mul3A_444 : i32
        %get3A = arith.index_cast %add3A_446 : i32 to index
        %get3A_447 = tpu.vector_load %arg9[%get3A] {strides = array<i32>} : memref<2064xi32, #tpu.memory_space<vmem>>, vector<16xi32>,
        %mul3A_448 = arith.constant 16 : i32
        %mul3A_449 = arith.muli %scan3A_441, %mul3A_448 : i32
        %swap3A_450 = arith.constant 2 : i32
        %swap3A_451 = arith.index_cast %swap3A_450 : i32 to index
        %swap3A_452 = arith.index_cast %mul3A_449 : i32 to index
        %swap3A_453 = tpu.vector_load %arg11[%swap3A_451, %swap3A_452] {strides = array<i32>} : memref<8x256xi32, #tpu.memory_space<vmem>>, vector<16xi32>,
        tpu.vector_store %arg11[%swap3A_451, %swap3A_452], %get3A_447 {strides = array<i32>} : memref<8x256xi32, #tpu.memory_space<vmem>>, vector<16xi32>,
        %scan3A_454 = arith.constant 0 : i32
        scf.yield %scan3A_454 : i32
      }
      %scan3A_440 = arith.constant 16 : i32
    } else {
    }
    %gt3A_362 = arith.constant 768 : i32
    %gt3A_363 = arith.cmpi sgt, %scan3A_318, %gt3A_362 : i32
    %convert_element_type3A_364 = arith.extui %gt3A_363 : i1 to i32
    %cond3A_365 = arith.constant 0 : i32
    %cond3A_366 = arith.cmpi ne, %convert_element_type3A_364, %cond3A_365 : i32
    scf.if %cond3A_366 {
      %scan3A_434 = arith.constant 0 : i32
      %scan3A_435 = arith.constant 0 : i32
      %scan3A_436 = arith.constant 16 : i32
      %scan3A_437 = arith.addi %scan3A_435, %scan3A_436 : i32
      %scan3A_438 = arith.constant 1 : i32
      %scan3A_439 = scf.for %scan3A_441 = %scan3A_435 to %scan3A_437 step %scan3A_438 iter_args(%scan3A_442 = %scan3A_434) -> (i32)  : i32 {
        %mul3A_443 = arith.constant 16 : i32
        %mul3A_444 = arith.muli %scan3A_441, %mul3A_443 : i32
        %add3A_445 = arith.constant 768 : i32
        %add3A_446 = arith.addi %add3A_445, %mul3A_444 : i32
        %get3A = arith.index_cast %add3A_446 : i32 to index
        %get3A_447 = tpu.vector_load %arg9[%get3A] {strides = array<i32>} : memref<2064xi32, #tpu.memory_space<vmem>>, vector<16xi32>,
        %mul3A_448 = arith.constant 16 : i32
        %mul3A_449 = arith.muli %scan3A_441, %mul3A_448 : i32
        %swap3A_450 = arith.constant 3 : i32
        %swap3A_451 = arith.index_cast %swap3A_450 : i32 to index
        %swap3A_452 = arith.index_cast %mul3A_449 : i32 to index
        %swap3A_453 = tpu.vector_load %arg11[%swap3A_451, %swap3A_452] {strides = array<i32>} : memref<8x256xi32, #tpu.memory_space<vmem>>, vector<16xi32>,
        tpu.vector_store %arg11[%swap3A_451, %swap3A_452], %get3A_447 {strides = array<i32>} : memref<8x256xi32, #tpu.memory_space<vmem>>, vector<16xi32>,
        %scan3A_454 = arith.constant 0 : i32
        scf.yield %scan3A_454 : i32
      }
      %scan3A_440 = arith.constant 16 : i32
    } else {
    }
    %gt3A_367 = arith.constant 1024 : i32
    %gt3A_368 = arith.cmpi sgt, %scan3A_318, %gt3A_367 : i32
    %convert_element_type3A_369 = arith.extui %gt3A_368 : i1 to i32
    %cond3A_370 = arith.constant 0 : i32
    %cond3A_371 = arith.cmpi ne, %convert_element_type3A_369, %cond3A_370 : i32
    scf.if %cond3A_371 {
      %scan3A_434 = arith.constant 0 : i32
      %scan3A_435 = arith.constant 0 : i32
      %scan3A_436 = arith.constant 16 : i32
      %scan3A_437 = arith.addi %scan3A_435, %scan3A_436 : i32
      %scan3A_438 = arith.constant 1 : i32
      %scan3A_439 = scf.for %scan3A_441 = %scan3A_435 to %scan3A_437 step %scan3A_438 iter_args(%scan3A_442 = %scan3A_434) -> (i32)  : i32 {
        %mul3A_443 = arith.constant 16 : i32
        %mul3A_444 = arith.muli %scan3A_441, %mul3A_443 : i32
        %add3A_445 = arith.constant 1024 : i32
        %add3A_446 = arith.addi %add3A_445, %mul3A_444 : i32
        %get3A = arith.index_cast %add3A_446 : i32 to index
        %get3A_447 = tpu.vector_load %arg9[%get3A] {strides = array<i32>} : memref<2064xi32, #tpu.memory_space<vmem>>, vector<16xi32>,
        %mul3A_448 = arith.constant 16 : i32
        %mul3A_449 = arith.muli %scan3A_441, %mul3A_448 : i32
        %swap3A_450 = arith.constant 4 : i32
        %swap3A_451 = arith.index_cast %swap3A_450 : i32 to index
        %swap3A_452 = arith.index_cast %mul3A_449 : i32 to index
        %swap3A_453 = tpu.vector_load %arg11[%swap3A_451, %swap3A_452] {strides = array<i32>} : memref<8x256xi32, #tpu.memory_space<vmem>>, vector<16xi32>,
        tpu.vector_store %arg11[%swap3A_451, %swap3A_452], %get3A_447 {strides = array<i32>} : memref<8x256xi32, #tpu.memory_space<vmem>>, vector<16xi32>,
        %scan3A_454 = arith.constant 0 : i32
        scf.yield %scan3A_454 : i32
      }
      %scan3A_440 = arith.constant 16 : i32
    } else {
    }
    %gt3A_372 = arith.constant 1280 : i32
    %gt3A_373 = arith.cmpi sgt, %scan3A_318, %gt3A_372 : i32
    %convert_element_type3A_374 = arith.extui %gt3A_373 : i1 to i32
    %cond3A_375 = arith.constant 0 : i32
    %cond3A_376 = arith.cmpi ne, %convert_element_type3A_374, %cond3A_375 : i32
    scf.if %cond3A_376 {
      %scan3A_434 = arith.constant 0 : i32
      %scan3A_435 = arith.constant 0 : i32
      %scan3A_436 = arith.constant 16 : i32
      %scan3A_437 = arith.addi %scan3A_435, %scan3A_436 : i32
      %scan3A_438 = arith.constant 1 : i32
      %scan3A_439 = scf.for %scan3A_441 = %scan3A_435 to %scan3A_437 step %scan3A_438 iter_args(%scan3A_442 = %scan3A_434) -> (i32)  : i32 {
        %mul3A_443 = arith.constant 16 : i32
        %mul3A_444 = arith.muli %scan3A_441, %mul3A_443 : i32
        %add3A_445 = arith.constant 1280 : i32
        %add3A_446 = arith.addi %add3A_445, %mul3A_444 : i32
        %get3A = arith.index_cast %add3A_446 : i32 to index
        %get3A_447 = tpu.vector_load %arg9[%get3A] {strides = array<i32>} : memref<2064xi32, #tpu.memory_space<vmem>>, vector<16xi32>,
        %mul3A_448 = arith.constant 16 : i32
        %mul3A_449 = arith.muli %scan3A_441, %mul3A_448 : i32
        %swap3A_450 = arith.constant 5 : i32
        %swap3A_451 = arith.index_cast %swap3A_450 : i32 to index
        %swap3A_452 = arith.index_cast %mul3A_449 : i32 to index
        %swap3A_453 = tpu.vector_load %arg11[%swap3A_451, %swap3A_452] {strides = array<i32>} : memref<8x256xi32, #tpu.memory_space<vmem>>, vector<16xi32>,
        tpu.vector_store %arg11[%swap3A_451, %swap3A_452], %get3A_447 {strides = array<i32>} : memref<8x256xi32, #tpu.memory_space<vmem>>, vector<16xi32>,
        %scan3A_454 = arith.constant 0 : i32
        scf.yield %scan3A_454 : i32
      }
      %scan3A_440 = arith.constant 16 : i32
    } else {
    }
    %gt3A_377 = arith.constant 1536 : i32
    %gt3A_378 = arith.cmpi sgt, %scan3A_318, %gt3A_377 : i32
    %convert_element_type3A_379 = arith.extui %gt3A_378 : i1 to i32
    %cond3A_380 = arith.constant 0 : i32
    %cond3A_381 = arith.cmpi ne, %convert_element_type3A_379, %cond3A_380 : i32
    scf.if %cond3A_381 {
      %scan3A_434 = arith.constant 0 : i32
      %scan3A_435 = arith.constant 0 : i32
      %scan3A_436 = arith.constant 16 : i32
      %scan3A_437 = arith.addi %scan3A_435, %scan3A_436 : i32
      %scan3A_438 = arith.constant 1 : i32
      %scan3A_439 = scf.for %scan3A_441 = %scan3A_435 to %scan3A_437 step %scan3A_438 iter_args(%scan3A_442 = %scan3A_434) -> (i32)  : i32 {
        %mul3A_443 = arith.constant 16 : i32
        %mul3A_444 = arith.muli %scan3A_441, %mul3A_443 : i32
        %add3A_445 = arith.constant 1536 : i32
        %add3A_446 = arith.addi %add3A_445, %mul3A_444 : i32
        %get3A = arith.index_cast %add3A_446 : i32 to index
        %get3A_447 = tpu.vector_load %arg9[%get3A] {strides = array<i32>} : memref<2064xi32, #tpu.memory_space<vmem>>, vector<16xi32>,
        %mul3A_448 = arith.constant 16 : i32
        %mul3A_449 = arith.muli %scan3A_441, %mul3A_448 : i32
        %swap3A_450 = arith.constant 6 : i32
        %swap3A_451 = arith.index_cast %swap3A_450 : i32 to index
        %swap3A_452 = arith.index_cast %mul3A_449 : i32 to index
        %swap3A_453 = tpu.vector_load %arg11[%swap3A_451, %swap3A_452] {strides = array<i32>} : memref<8x256xi32, #tpu.memory_space<vmem>>, vector<16xi32>,
        tpu.vector_store %arg11[%swap3A_451, %swap3A_452], %get3A_447 {strides = array<i32>} : memref<8x256xi32, #tpu.memory_space<vmem>>, vector<16xi32>,
        %scan3A_454 = arith.constant 0 : i32
        scf.yield %scan3A_454 : i32
      }
      %scan3A_440 = arith.constant 16 : i32
    } else {
    }
    %gt3A_382 = arith.constant 1792 : i32
    %gt3A_383 = arith.cmpi sgt, %scan3A_318, %gt3A_382 : i32
    %convert_element_type3A_384 = arith.extui %gt3A_383 : i1 to i32
    %cond3A_385 = arith.constant 0 : i32
    %cond3A_386 = arith.cmpi ne, %convert_element_type3A_384, %cond3A_385 : i32
    scf.if %cond3A_386 {
      %scan3A_434 = arith.constant 0 : i32
      %scan3A_435 = arith.constant 0 : i32
      %scan3A_436 = arith.constant 16 : i32
      %scan3A_437 = arith.addi %scan3A_435, %scan3A_436 : i32
      %scan3A_438 = arith.constant 1 : i32
      %scan3A_439 = scf.for %scan3A_441 = %scan3A_435 to %scan3A_437 step %scan3A_438 iter_args(%scan3A_442 = %scan3A_434) -> (i32)  : i32 {
        %mul3A_443 = arith.constant 16 : i32
        %mul3A_444 = arith.muli %scan3A_441, %mul3A_443 : i32
        %add3A_445 = arith.constant 1792 : i32
        %add3A_446 = arith.addi %add3A_445, %mul3A_444 : i32
        %get3A = arith.index_cast %add3A_446 : i32 to index
        %get3A_447 = tpu.vector_load %arg9[%get3A] {strides = array<i32>} : memref<2064xi32, #tpu.memory_space<vmem>>, vector<16xi32>,
        %mul3A_448 = arith.constant 16 : i32
        %mul3A_449 = arith.muli %scan3A_441, %mul3A_448 : i32
        %swap3A_450 = arith.constant 7 : i32
        %swap3A_451 = arith.index_cast %swap3A_450 : i32 to index
        %swap3A_452 = arith.index_cast %mul3A_449 : i32 to index
        %swap3A_453 = tpu.vector_load %arg11[%swap3A_451, %swap3A_452] {strides = array<i32>} : memref<8x256xi32, #tpu.memory_space<vmem>>, vector<16xi32>,
        tpu.vector_store %arg11[%swap3A_451, %swap3A_452], %get3A_447 {strides = array<i32>} : memref<8x256xi32, #tpu.memory_space<vmem>>, vector<16xi32>,
        %scan3A_454 = arith.constant 0 : i32
        scf.yield %scan3A_454 : i32
      }
      %scan3A_440 = arith.constant 16 : i32
    } else {
    }
    %barrier3A_387 = arith.constant 0 : index
    tpu.barrier barrier_id(%barrier3A_387)
    %gt3A_388 = arith.constant 0 : i32
    "tpu.trace_stop"() : () -> ()
    "tpu.trace_start"() <{level = 10 : i32, message = "sc_scatter1"}> : () -> ()
    %gt3A_389 = arith.cmpi sgt, %scan3A_318, %gt3A_388 : i32
    %convert_element_type3A_390 = arith.extui %gt3A_389 : i1 to i32
    %cond3A_391 = arith.constant 0 : i32
    %cond3A_392 = arith.cmpi ne, %convert_element_type3A_390, %cond3A_391 : i32
    scf.if %cond3A_392 {
      %run_scoped3A_434 = arith.constant 0 : i32
      "tpu.region"() ({
        %run_scoped3A_435 = tpu.sem_alloc : memref<!tpu.dma_semaphore, #tpu.memory_space<semaphore_mem>>
        %dma_start3A_436 = arith.constant 0 : i32
        %dma_start3A_437 = tpu.memref_slice %arg10[%dma_start3A_436] : memref<2064xf32, #tpu.memory_space<vmem>> -> memref<256xf32, #tpu.memory_space<vmem>>
        %dma_start3A_438 = arith.constant 0 : i32
        %dma_start3A_439 = tpu.memref_slice %arg11[%run_scoped3A_434, %dma_start3A_438] : memref<8x256xi32, #tpu.memory_space<vmem>> -> memref<1x256xi32, #tpu.memory_space<vmem>>
        %dma_start3A_440 = tpu.memref_squeeze %dma_start3A_439 : memref<1x256xi32, #tpu.memory_space<vmem>> -> memref<256xi32, #tpu.memory_space<vmem>>
        %dma_start3A_441 = arith.constant 0 : i32
        %dma_start3A_442 = tpu.memref_slice %arg19[%dma_start3A_441] : memref<1048592xf32, #tpu.memory_space<vmem_shared>> -> memref<1048592xf32, #tpu.memory_space<vmem_shared>>
        tpu.enqueue_indirect_dma source(%dma_start3A_437 : memref<256xf32, #tpu.memory_space<vmem>>) target(%dma_start3A_442 : memref<1048592xf32, #tpu.memory_space<vmem_shared>>) offsets(%dma_start3A_440 : memref<256xi32, #tpu.memory_space<vmem>>) semaphore(%run_scoped3A_435 : memref<!tpu.dma_semaphore, #tpu.memory_space<semaphore_mem>>) {add = true}
        %dma_wait3A_443 = arith.constant 0 : i32
        %dma_wait3A_444 = tpu.memref_slice %arg10[%dma_wait3A_443] : memref<2064xf32, #tpu.memory_space<vmem>> -> memref<256xf32, #tpu.memory_space<vmem>>
        %dma_wait3A_445 = arith.constant 0 : i32
        %dma_wait3A_446 = tpu.memref_slice %arg11[%run_scoped3A_434, %dma_wait3A_445] : memref<8x256xi32, #tpu.memory_space<vmem>> -> memref<1x256xi32, #tpu.memory_space<vmem>>
        %dma_wait3A_447 = tpu.memref_squeeze %dma_wait3A_446 : memref<1x256xi32, #tpu.memory_space<vmem>> -> memref<256xi32, #tpu.memory_space<vmem>>
        %dma_wait3A_448 = arith.constant 0 : i32
        %dma_wait3A_449 = tpu.memref_slice %arg19[%dma_wait3A_448] : memref<1048592xf32, #tpu.memory_space<vmem_shared>> -> memref<1048592xf32, #tpu.memory_space<vmem_shared>>
        tpu.wait_indirect_dma semaphore(%run_scoped3A_435 : memref<!tpu.dma_semaphore, #tpu.memory_space<semaphore_mem>>) src(%dma_wait3A_444 : memref<256xf32, #tpu.memory_space<vmem>>) dst(%dma_wait3A_449 : memref<1048592xf32, #tpu.memory_space<vmem_shared>>)
        tpu.yield
      }) : () -> ()
    } else {
    }
    %gt3A_393 = arith.constant 256 : i32
    %gt3A_394 = arith.cmpi sgt, %scan3A_318, %gt3A_393 : i32
    %convert_element_type3A_395 = arith.extui %gt3A_394 : i1 to i32
    %cond3A_396 = arith.constant 0 : i32
    %cond3A_397 = arith.cmpi ne, %convert_element_type3A_395, %cond3A_396 : i32
    scf.if %cond3A_397 {
      %run_scoped3A_434 = arith.constant 1 : i32
      "tpu.region"() ({
        %run_scoped3A_435 = tpu.sem_alloc : memref<!tpu.dma_semaphore, #tpu.memory_space<semaphore_mem>>
        %dma_start3A_436 = arith.constant 256 : i32
        %dma_start3A_437 = tpu.memref_slice %arg10[%dma_start3A_436] : memref<2064xf32, #tpu.memory_space<vmem>> -> memref<256xf32, #tpu.memory_space<vmem>>
        %dma_start3A_438 = arith.constant 0 : i32
        %dma_start3A_439 = tpu.memref_slice %arg11[%run_scoped3A_434, %dma_start3A_438] : memref<8x256xi32, #tpu.memory_space<vmem>> -> memref<1x256xi32, #tpu.memory_space<vmem>>
        %dma_start3A_440 = tpu.memref_squeeze %dma_start3A_439 : memref<1x256xi32, #tpu.memory_space<vmem>> -> memref<256xi32, #tpu.memory_space<vmem>>
        %dma_start3A_441 = arith.constant 0 : i32
        %dma_start3A_442 = tpu.memref_slice %arg19[%dma_start3A_441] : memref<1048592xf32, #tpu.memory_space<vmem_shared>> -> memref<1048592xf32, #tpu.memory_space<vmem_shared>>
        tpu.enqueue_indirect_dma source(%dma_start3A_437 : memref<256xf32, #tpu.memory_space<vmem>>) target(%dma_start3A_442 : memref<1048592xf32, #tpu.memory_space<vmem_shared>>) offsets(%dma_start3A_440 : memref<256xi32, #tpu.memory_space<vmem>>) semaphore(%run_scoped3A_435 : memref<!tpu.dma_semaphore, #tpu.memory_space<semaphore_mem>>) {add = true}
        %dma_wait3A_443 = arith.constant 256 : i32
        %dma_wait3A_444 = tpu.memref_slice %arg10[%dma_wait3A_443] : memref<2064xf32, #tpu.memory_space<vmem>> -> memref<256xf32, #tpu.memory_space<vmem>>
        %dma_wait3A_445 = arith.constant 0 : i32
        %dma_wait3A_446 = tpu.memref_slice %arg11[%run_scoped3A_434, %dma_wait3A_445] : memref<8x256xi32, #tpu.memory_space<vmem>> -> memref<1x256xi32, #tpu.memory_space<vmem>>
        %dma_wait3A_447 = tpu.memref_squeeze %dma_wait3A_446 : memref<1x256xi32, #tpu.memory_space<vmem>> -> memref<256xi32, #tpu.memory_space<vmem>>
        %dma_wait3A_448 = arith.constant 0 : i32
        %dma_wait3A_449 = tpu.memref_slice %arg19[%dma_wait3A_448] : memref<1048592xf32, #tpu.memory_space<vmem_shared>> -> memref<1048592xf32, #tpu.memory_space<vmem_shared>>
        tpu.wait_indirect_dma semaphore(%run_scoped3A_435 : memref<!tpu.dma_semaphore, #tpu.memory_space<semaphore_mem>>) src(%dma_wait3A_444 : memref<256xf32, #tpu.memory_space<vmem>>) dst(%dma_wait3A_449 : memref<1048592xf32, #tpu.memory_space<vmem_shared>>)
        tpu.yield
      }) : () -> ()
    } else {
    }
    %gt3A_398 = arith.constant 512 : i32
    %gt3A_399 = arith.cmpi sgt, %scan3A_318, %gt3A_398 : i32
    %convert_element_type3A_400 = arith.extui %gt3A_399 : i1 to i32
    %cond3A_401 = arith.constant 0 : i32
    %cond3A_402 = arith.cmpi ne, %convert_element_type3A_400, %cond3A_401 : i32
    scf.if %cond3A_402 {
      %run_scoped3A_434 = arith.constant 2 : i32
      "tpu.region"() ({
        %run_scoped3A_435 = tpu.sem_alloc : memref<!tpu.dma_semaphore, #tpu.memory_space<semaphore_mem>>
        %dma_start3A_436 = arith.constant 512 : i32
        %dma_start3A_437 = tpu.memref_slice %arg10[%dma_start3A_436] : memref<2064xf32, #tpu.memory_space<vmem>> -> memref<256xf32, #tpu.memory_space<vmem>>
        %dma_start3A_438 = arith.constant 0 : i32
        %dma_start3A_439 = tpu.memref_slice %arg11[%run_scoped3A_434, %dma_start3A_438] : memref<8x256xi32, #tpu.memory_space<vmem>> -> memref<1x256xi32, #tpu.memory_space<vmem>>
        %dma_start3A_440 = tpu.memref_squeeze %dma_start3A_439 : memref<1x256xi32, #tpu.memory_space<vmem>> -> memref<256xi32, #tpu.memory_space<vmem>>
        %dma_start3A_441 = arith.constant 0 : i32
        %dma_start3A_442 = tpu.memref_slice %arg19[%dma_start3A_441] : memref<1048592xf32, #tpu.memory_space<vmem_shared>> -> memref<1048592xf32, #tpu.memory_space<vmem_shared>>
        tpu.enqueue_indirect_dma source(%dma_start3A_437 : memref<256xf32, #tpu.memory_space<vmem>>) target(%dma_start3A_442 : memref<1048592xf32, #tpu.memory_space<vmem_shared>>) offsets(%dma_start3A_440 : memref<256xi32, #tpu.memory_space<vmem>>) semaphore(%run_scoped3A_435 : memref<!tpu.dma_semaphore, #tpu.memory_space<semaphore_mem>>) {add = true}
        %dma_wait3A_443 = arith.constant 512 : i32
        %dma_wait3A_444 = tpu.memref_slice %arg10[%dma_wait3A_443] : memref<2064xf32, #tpu.memory_space<vmem>> -> memref<256xf32, #tpu.memory_space<vmem>>
        %dma_wait3A_445 = arith.constant 0 : i32
        %dma_wait3A_446 = tpu.memref_slice %arg11[%run_scoped3A_434, %dma_wait3A_445] : memref<8x256xi32, #tpu.memory_space<vmem>> -> memref<1x256xi32, #tpu.memory_space<vmem>>
        %dma_wait3A_447 = tpu.memref_squeeze %dma_wait3A_446 : memref<1x256xi32, #tpu.memory_space<vmem>> -> memref<256xi32, #tpu.memory_space<vmem>>
        %dma_wait3A_448 = arith.constant 0 : i32
        %dma_wait3A_449 = tpu.memref_slice %arg19[%dma_wait3A_448] : memref<1048592xf32, #tpu.memory_space<vmem_shared>> -> memref<1048592xf32, #tpu.memory_space<vmem_shared>>
        tpu.wait_indirect_dma semaphore(%run_scoped3A_435 : memref<!tpu.dma_semaphore, #tpu.memory_space<semaphore_mem>>) src(%dma_wait3A_444 : memref<256xf32, #tpu.memory_space<vmem>>) dst(%dma_wait3A_449 : memref<1048592xf32, #tpu.memory_space<vmem_shared>>)
        tpu.yield
      }) : () -> ()
    } else {
    }
    %gt3A_403 = arith.constant 768 : i32
    %gt3A_404 = arith.cmpi sgt, %scan3A_318, %gt3A_403 : i32
    %convert_element_type3A_405 = arith.extui %gt3A_404 : i1 to i32
    %cond3A_406 = arith.constant 0 : i32
    %cond3A_407 = arith.cmpi ne, %convert_element_type3A_405, %cond3A_406 : i32
    scf.if %cond3A_407 {
      %run_scoped3A_434 = arith.constant 3 : i32
      "tpu.region"() ({
        %run_scoped3A_435 = tpu.sem_alloc : memref<!tpu.dma_semaphore, #tpu.memory_space<semaphore_mem>>
        %dma_start3A_436 = arith.constant 768 : i32
        %dma_start3A_437 = tpu.memref_slice %arg10[%dma_start3A_436] : memref<2064xf32, #tpu.memory_space<vmem>> -> memref<256xf32, #tpu.memory_space<vmem>>
        %dma_start3A_438 = arith.constant 0 : i32
        %dma_start3A_439 = tpu.memref_slice %arg11[%run_scoped3A_434, %dma_start3A_438] : memref<8x256xi32, #tpu.memory_space<vmem>> -> memref<1x256xi32, #tpu.memory_space<vmem>>
        %dma_start3A_440 = tpu.memref_squeeze %dma_start3A_439 : memref<1x256xi32, #tpu.memory_space<vmem>> -> memref<256xi32, #tpu.memory_space<vmem>>
        %dma_start3A_441 = arith.constant 0 : i32
        %dma_start3A_442 = tpu.memref_slice %arg19[%dma_start3A_441] : memref<1048592xf32, #tpu.memory_space<vmem_shared>> -> memref<1048592xf32, #tpu.memory_space<vmem_shared>>
        tpu.enqueue_indirect_dma source(%dma_start3A_437 : memref<256xf32, #tpu.memory_space<vmem>>) target(%dma_start3A_442 : memref<1048592xf32, #tpu.memory_space<vmem_shared>>) offsets(%dma_start3A_440 : memref<256xi32, #tpu.memory_space<vmem>>) semaphore(%run_scoped3A_435 : memref<!tpu.dma_semaphore, #tpu.memory_space<semaphore_mem>>) {add = true}
        %dma_wait3A_443 = arith.constant 768 : i32
        %dma_wait3A_444 = tpu.memref_slice %arg10[%dma_wait3A_443] : memref<2064xf32, #tpu.memory_space<vmem>> -> memref<256xf32, #tpu.memory_space<vmem>>
        %dma_wait3A_445 = arith.constant 0 : i32
        %dma_wait3A_446 = tpu.memref_slice %arg11[%run_scoped3A_434, %dma_wait3A_445] : memref<8x256xi32, #tpu.memory_space<vmem>> -> memref<1x256xi32, #tpu.memory_space<vmem>>
        %dma_wait3A_447 = tpu.memref_squeeze %dma_wait3A_446 : memref<1x256xi32, #tpu.memory_space<vmem>> -> memref<256xi32, #tpu.memory_space<vmem>>
        %dma_wait3A_448 = arith.constant 0 : i32
        %dma_wait3A_449 = tpu.memref_slice %arg19[%dma_wait3A_448] : memref<1048592xf32, #tpu.memory_space<vmem_shared>> -> memref<1048592xf32, #tpu.memory_space<vmem_shared>>
        tpu.wait_indirect_dma semaphore(%run_scoped3A_435 : memref<!tpu.dma_semaphore, #tpu.memory_space<semaphore_mem>>) src(%dma_wait3A_444 : memref<256xf32, #tpu.memory_space<vmem>>) dst(%dma_wait3A_449 : memref<1048592xf32, #tpu.memory_space<vmem_shared>>)
        tpu.yield
      }) : () -> ()
    } else {
    }
    %gt3A_408 = arith.constant 1024 : i32
    %gt3A_409 = arith.cmpi sgt, %scan3A_318, %gt3A_408 : i32
    %convert_element_type3A_410 = arith.extui %gt3A_409 : i1 to i32
    %cond3A_411 = arith.constant 0 : i32
    %cond3A_412 = arith.cmpi ne, %convert_element_type3A_410, %cond3A_411 : i32
    scf.if %cond3A_412 {
      %run_scoped3A_434 = arith.constant 4 : i32
      "tpu.region"() ({
        %run_scoped3A_435 = tpu.sem_alloc : memref<!tpu.dma_semaphore, #tpu.memory_space<semaphore_mem>>
        %dma_start3A_436 = arith.constant 1024 : i32
        %dma_start3A_437 = tpu.memref_slice %arg10[%dma_start3A_436] : memref<2064xf32, #tpu.memory_space<vmem>> -> memref<256xf32, #tpu.memory_space<vmem>>
        %dma_start3A_438 = arith.constant 0 : i32
        %dma_start3A_439 = tpu.memref_slice %arg11[%run_scoped3A_434, %dma_start3A_438] : memref<8x256xi32, #tpu.memory_space<vmem>> -> memref<1x256xi32, #tpu.memory_space<vmem>>
        %dma_start3A_440 = tpu.memref_squeeze %dma_start3A_439 : memref<1x256xi32, #tpu.memory_space<vmem>> -> memref<256xi32, #tpu.memory_space<vmem>>
        %dma_start3A_441 = arith.constant 0 : i32
        %dma_start3A_442 = tpu.memref_slice %arg19[%dma_start3A_441] : memref<1048592xf32, #tpu.memory_space<vmem_shared>> -> memref<1048592xf32, #tpu.memory_space<vmem_shared>>
        tpu.enqueue_indirect_dma source(%dma_start3A_437 : memref<256xf32, #tpu.memory_space<vmem>>) target(%dma_start3A_442 : memref<1048592xf32, #tpu.memory_space<vmem_shared>>) offsets(%dma_start3A_440 : memref<256xi32, #tpu.memory_space<vmem>>) semaphore(%run_scoped3A_435 : memref<!tpu.dma_semaphore, #tpu.memory_space<semaphore_mem>>) {add = true}
        %dma_wait3A_443 = arith.constant 1024 : i32
        %dma_wait3A_444 = tpu.memref_slice %arg10[%dma_wait3A_443] : memref<2064xf32, #tpu.memory_space<vmem>> -> memref<256xf32, #tpu.memory_space<vmem>>
        %dma_wait3A_445 = arith.constant 0 : i32
        %dma_wait3A_446 = tpu.memref_slice %arg11[%run_scoped3A_434, %dma_wait3A_445] : memref<8x256xi32, #tpu.memory_space<vmem>> -> memref<1x256xi32, #tpu.memory_space<vmem>>
        %dma_wait3A_447 = tpu.memref_squeeze %dma_wait3A_446 : memref<1x256xi32, #tpu.memory_space<vmem>> -> memref<256xi32, #tpu.memory_space<vmem>>
        %dma_wait3A_448 = arith.constant 0 : i32
        %dma_wait3A_449 = tpu.memref_slice %arg19[%dma_wait3A_448] : memref<1048592xf32, #tpu.memory_space<vmem_shared>> -> memref<1048592xf32, #tpu.memory_space<vmem_shared>>
        tpu.wait_indirect_dma semaphore(%run_scoped3A_435 : memref<!tpu.dma_semaphore, #tpu.memory_space<semaphore_mem>>) src(%dma_wait3A_444 : memref<256xf32, #tpu.memory_space<vmem>>) dst(%dma_wait3A_449 : memref<1048592xf32, #tpu.memory_space<vmem_shared>>)
        tpu.yield
      }) : () -> ()
    } else {
    }
    %gt3A_413 = arith.constant 1280 : i32
    %gt3A_414 = arith.cmpi sgt, %scan3A_318, %gt3A_413 : i32
    %convert_element_type3A_415 = arith.extui %gt3A_414 : i1 to i32
    %cond3A_416 = arith.constant 0 : i32
    %cond3A_417 = arith.cmpi ne, %convert_element_type3A_415, %cond3A_416 : i32
    scf.if %cond3A_417 {
      %run_scoped3A_434 = arith.constant 5 : i32
      "tpu.region"() ({
        %run_scoped3A_435 = tpu.sem_alloc : memref<!tpu.dma_semaphore, #tpu.memory_space<semaphore_mem>>
        %dma_start3A_436 = arith.constant 1280 : i32
        %dma_start3A_437 = tpu.memref_slice %arg10[%dma_start3A_436] : memref<2064xf32, #tpu.memory_space<vmem>> -> memref<256xf32, #tpu.memory_space<vmem>>
        %dma_start3A_438 = arith.constant 0 : i32
        %dma_start3A_439 = tpu.memref_slice %arg11[%run_scoped3A_434, %dma_start3A_438] : memref<8x256xi32, #tpu.memory_space<vmem>> -> memref<1x256xi32, #tpu.memory_space<vmem>>
        %dma_start3A_440 = tpu.memref_squeeze %dma_start3A_439 : memref<1x256xi32, #tpu.memory_space<vmem>> -> memref<256xi32, #tpu.memory_space<vmem>>
        %dma_start3A_441 = arith.constant 0 : i32
        %dma_start3A_442 = tpu.memref_slice %arg19[%dma_start3A_441] : memref<1048592xf32, #tpu.memory_space<vmem_shared>> -> memref<1048592xf32, #tpu.memory_space<vmem_shared>>
        tpu.enqueue_indirect_dma source(%dma_start3A_437 : memref<256xf32, #tpu.memory_space<vmem>>) target(%dma_start3A_442 : memref<1048592xf32, #tpu.memory_space<vmem_shared>>) offsets(%dma_start3A_440 : memref<256xi32, #tpu.memory_space<vmem>>) semaphore(%run_scoped3A_435 : memref<!tpu.dma_semaphore, #tpu.memory_space<semaphore_mem>>) {add = true}
        %dma_wait3A_443 = arith.constant 1280 : i32
        %dma_wait3A_444 = tpu.memref_slice %arg10[%dma_wait3A_443] : memref<2064xf32, #tpu.memory_space<vmem>> -> memref<256xf32, #tpu.memory_space<vmem>>
        %dma_wait3A_445 = arith.constant 0 : i32
        %dma_wait3A_446 = tpu.memref_slice %arg11[%run_scoped3A_434, %dma_wait3A_445] : memref<8x256xi32, #tpu.memory_space<vmem>> -> memref<1x256xi32, #tpu.memory_space<vmem>>
        %dma_wait3A_447 = tpu.memref_squeeze %dma_wait3A_446 : memref<1x256xi32, #tpu.memory_space<vmem>> -> memref<256xi32, #tpu.memory_space<vmem>>
        %dma_wait3A_448 = arith.constant 0 : i32
        %dma_wait3A_449 = tpu.memref_slice %arg19[%dma_wait3A_448] : memref<1048592xf32, #tpu.memory_space<vmem_shared>> -> memref<1048592xf32, #tpu.memory_space<vmem_shared>>
        tpu.wait_indirect_dma semaphore(%run_scoped3A_435 : memref<!tpu.dma_semaphore, #tpu.memory_space<semaphore_mem>>) src(%dma_wait3A_444 : memref<256xf32, #tpu.memory_space<vmem>>) dst(%dma_wait3A_449 : memref<1048592xf32, #tpu.memory_space<vmem_shared>>)
        tpu.yield
      }) : () -> ()
    } else {
    }
    %gt3A_418 = arith.constant 1536 : i32
    %gt3A_419 = arith.cmpi sgt, %scan3A_318, %gt3A_418 : i32
    %convert_element_type3A_420 = arith.extui %gt3A_419 : i1 to i32
    %cond3A_421 = arith.constant 0 : i32
    %cond3A_422 = arith.cmpi ne, %convert_element_type3A_420, %cond3A_421 : i32
    scf.if %cond3A_422 {
      %run_scoped3A_434 = arith.constant 6 : i32
      "tpu.region"() ({
        %run_scoped3A_435 = tpu.sem_alloc : memref<!tpu.dma_semaphore, #tpu.memory_space<semaphore_mem>>
        %dma_start3A_436 = arith.constant 1536 : i32
        %dma_start3A_437 = tpu.memref_slice %arg10[%dma_start3A_436] : memref<2064xf32, #tpu.memory_space<vmem>> -> memref<256xf32, #tpu.memory_space<vmem>>
        %dma_start3A_438 = arith.constant 0 : i32
        %dma_start3A_439 = tpu.memref_slice %arg11[%run_scoped3A_434, %dma_start3A_438] : memref<8x256xi32, #tpu.memory_space<vmem>> -> memref<1x256xi32, #tpu.memory_space<vmem>>
        %dma_start3A_440 = tpu.memref_squeeze %dma_start3A_439 : memref<1x256xi32, #tpu.memory_space<vmem>> -> memref<256xi32, #tpu.memory_space<vmem>>
        %dma_start3A_441 = arith.constant 0 : i32
        %dma_start3A_442 = tpu.memref_slice %arg19[%dma_start3A_441] : memref<1048592xf32, #tpu.memory_space<vmem_shared>> -> memref<1048592xf32, #tpu.memory_space<vmem_shared>>
        tpu.enqueue_indirect_dma source(%dma_start3A_437 : memref<256xf32, #tpu.memory_space<vmem>>) target(%dma_start3A_442 : memref<1048592xf32, #tpu.memory_space<vmem_shared>>) offsets(%dma_start3A_440 : memref<256xi32, #tpu.memory_space<vmem>>) semaphore(%run_scoped3A_435 : memref<!tpu.dma_semaphore, #tpu.memory_space<semaphore_mem>>) {add = true}
        %dma_wait3A_443 = arith.constant 1536 : i32
        %dma_wait3A_444 = tpu.memref_slice %arg10[%dma_wait3A_443] : memref<2064xf32, #tpu.memory_space<vmem>> -> memref<256xf32, #tpu.memory_space<vmem>>
        %dma_wait3A_445 = arith.constant 0 : i32
        %dma_wait3A_446 = tpu.memref_slice %arg11[%run_scoped3A_434, %dma_wait3A_445] : memref<8x256xi32, #tpu.memory_space<vmem>> -> memref<1x256xi32, #tpu.memory_space<vmem>>
        %dma_wait3A_447 = tpu.memref_squeeze %dma_wait3A_446 : memref<1x256xi32, #tpu.memory_space<vmem>> -> memref<256xi32, #tpu.memory_space<vmem>>
        %dma_wait3A_448 = arith.constant 0 : i32
        %dma_wait3A_449 = tpu.memref_slice %arg19[%dma_wait3A_448] : memref<1048592xf32, #tpu.memory_space<vmem_shared>> -> memref<1048592xf32, #tpu.memory_space<vmem_shared>>
        tpu.wait_indirect_dma semaphore(%run_scoped3A_435 : memref<!tpu.dma_semaphore, #tpu.memory_space<semaphore_mem>>) src(%dma_wait3A_444 : memref<256xf32, #tpu.memory_space<vmem>>) dst(%dma_wait3A_449 : memref<1048592xf32, #tpu.memory_space<vmem_shared>>)
        tpu.yield
      }) : () -> ()
    } else {
    }
    %gt3A_423 = arith.constant 1792 : i32
    %gt3A_424 = arith.cmpi sgt, %scan3A_318, %gt3A_423 : i32
    %convert_element_type3A_425 = arith.extui %gt3A_424 : i1 to i32
    %cond3A_426 = arith.constant 0 : i32
    %cond3A_427 = arith.cmpi ne, %convert_element_type3A_425, %cond3A_426 : i32
    scf.if %cond3A_427 {
      %run_scoped3A_434 = arith.constant 7 : i32
      "tpu.region"() ({
        %run_scoped3A_435 = tpu.sem_alloc : memref<!tpu.dma_semaphore, #tpu.memory_space<semaphore_mem>>
        %dma_start3A_436 = arith.constant 1792 : i32
        %dma_start3A_437 = tpu.memref_slice %arg10[%dma_start3A_436] : memref<2064xf32, #tpu.memory_space<vmem>> -> memref<256xf32, #tpu.memory_space<vmem>>
        %dma_start3A_438 = arith.constant 0 : i32
        %dma_start3A_439 = tpu.memref_slice %arg11[%run_scoped3A_434, %dma_start3A_438] : memref<8x256xi32, #tpu.memory_space<vmem>> -> memref<1x256xi32, #tpu.memory_space<vmem>>
        %dma_start3A_440 = tpu.memref_squeeze %dma_start3A_439 : memref<1x256xi32, #tpu.memory_space<vmem>> -> memref<256xi32, #tpu.memory_space<vmem>>
        %dma_start3A_441 = arith.constant 0 : i32
        %dma_start3A_442 = tpu.memref_slice %arg19[%dma_start3A_441] : memref<1048592xf32, #tpu.memory_space<vmem_shared>> -> memref<1048592xf32, #tpu.memory_space<vmem_shared>>
        tpu.enqueue_indirect_dma source(%dma_start3A_437 : memref<256xf32, #tpu.memory_space<vmem>>) target(%dma_start3A_442 : memref<1048592xf32, #tpu.memory_space<vmem_shared>>) offsets(%dma_start3A_440 : memref<256xi32, #tpu.memory_space<vmem>>) semaphore(%run_scoped3A_435 : memref<!tpu.dma_semaphore, #tpu.memory_space<semaphore_mem>>) {add = true}
        %dma_wait3A_443 = arith.constant 1792 : i32
        %dma_wait3A_444 = tpu.memref_slice %arg10[%dma_wait3A_443] : memref<2064xf32, #tpu.memory_space<vmem>> -> memref<256xf32, #tpu.memory_space<vmem>>
        %dma_wait3A_445 = arith.constant 0 : i32
        %dma_wait3A_446 = tpu.memref_slice %arg11[%run_scoped3A_434, %dma_wait3A_445] : memref<8x256xi32, #tpu.memory_space<vmem>> -> memref<1x256xi32, #tpu.memory_space<vmem>>
        %dma_wait3A_447 = tpu.memref_squeeze %dma_wait3A_446 : memref<1x256xi32, #tpu.memory_space<vmem>> -> memref<256xi32, #tpu.memory_space<vmem>>
        %dma_wait3A_448 = arith.constant 0 : i32
        %dma_wait3A_449 = tpu.memref_slice %arg19[%dma_wait3A_448] : memref<1048592xf32, #tpu.memory_space<vmem_shared>> -> memref<1048592xf32, #tpu.memory_space<vmem_shared>>
        tpu.wait_indirect_dma semaphore(%run_scoped3A_435 : memref<!tpu.dma_semaphore, #tpu.memory_space<semaphore_mem>>) src(%dma_wait3A_444 : memref<256xf32, #tpu.memory_space<vmem>>) dst(%dma_wait3A_449 : memref<1048592xf32, #tpu.memory_space<vmem_shared>>)
        tpu.yield
      }) : () -> ()
    } else {
    }
    %barrier3A_428 = arith.constant 0 : index
    tpu.barrier barrier_id(%barrier3A_428)
    "tpu.trace_stop"() : () -> ()
    "tpu.trace_start"() <{level = 10 : i32, message = "sc_wb1"}> : () -> ()
    %mul3A_429 = arith.constant 65536 : i32
    %mul3A_430 = arith.muli %arg1, %mul3A_429 : i32
    %mul3A_431 = arith.constant 65536 : i32
    %mul3A_432 = arith.muli %arg1, %mul3A_431 : i32
    %add3A_433 = arith.addi %mul3A_248, %mul3A_432 : i32
    "tpu.region"() ({
      %run_scoped3A_434 = tpu.sem_alloc : memref<!tpu.dma_semaphore, #tpu.memory_space<semaphore_mem>>
      %dma_start3A_435 = tpu.memref_slice %arg3[%add3A_433] : memref<4194304xf32, #tpu.memory_space<hbm>> -> memref<65536xf32, #tpu.memory_space<hbm>>
      %dma_start3A_436 = tpu.memref_slice %arg19[%mul3A_430] : memref<1048592xf32, #tpu.memory_space<vmem_shared>> -> memref<65536xf32, #tpu.memory_space<vmem_shared>>
      tpu.enqueue_dma source(%dma_start3A_436 : memref<65536xf32, #tpu.memory_space<vmem_shared>>) target(%dma_start3A_435 : memref<65536xf32, #tpu.memory_space<hbm>>) target_semaphore(%run_scoped3A_434 : memref<!tpu.dma_semaphore, #tpu.memory_space<semaphore_mem>>)
      %dma_wait3A_437 = tpu.memref_slice %arg3[%add3A_433] : memref<4194304xf32, #tpu.memory_space<hbm>> -> memref<65536xf32, #tpu.memory_space<hbm>>
      %dma_wait3A_438 = tpu.memref_slice %arg19[%mul3A_430] : memref<1048592xf32, #tpu.memory_space<vmem_shared>> -> memref<65536xf32, #tpu.memory_space<vmem_shared>>
      tpu.wait_dma2 semaphore(%run_scoped3A_434 : memref<!tpu.dma_semaphore, #tpu.memory_space<semaphore_mem>>) src(%dma_wait3A_438 : memref<65536xf32, #tpu.memory_space<vmem_shared>>) dst(%dma_wait3A_437 : memref<65536xf32, #tpu.memory_space<hbm>>)
      tpu.yield
    }) : () -> ()
    "tpu.trace_stop"() : () -> ()
    return
  }
}

module attributes {stable_mosaic.version = 14 : i64} {
  func.func @_prep_body(%arg0: i32, %arg1: i32, %arg2: memref<1x128x128xf32, #tpu.memory_space<vmem>>, %arg3: memref<1x128x128xf32, #tpu.memory_space<vmem>>, %arg4: memref<1x128x128xf32, #tpu.memory_space<vmem>>) attributes {dimension_semantics = [#tpu.dimension_semantics<arbitrary>, #tpu.dimension_semantics<arbitrary>], iteration_bounds = array<i64: 4, 16>, scalar_prefetch = 0 : i64, scratch_operands = 0 : i64, tpu.core_type = #tpu.core_type<tc>, window_params = [{transform_indices = @transform_0, window_bounds = array<i64: 1, 128, 128>}, {transform_indices = @transform_1, window_bounds = array<i64: 1, 128, 128>}, {transform_indices = @transform_2, window_bounds = array<i64: 1, 128, 128>}]} {
    %iota3A = tpu.iota {dimensions = array<i32: 0>} : vector<128x128xi32>
    %iota3A_0 = tpu.iota {dimensions = array<i32: 1>} : vector<128x128xi32>
    %eq3A = arith.cmpi eq, %iota3A, %iota3A_0 : vector<128x128xi32>
    %get3A = arith.constant 0 : index
    %get3A_1 = arith.constant 0 : index
    %get3A_2 = arith.constant 0 : index
    %get3A_3 = vector.load %arg2[%get3A, %get3A_1, %get3A_2] : memref<1x128x128xf32, #tpu.memory_space<vmem>>, vector<1x128x128xf32>
    %get3A_4 = vector.shape_cast %get3A_3 : vector<1x128x128xf32> to vector<128x128xf32>
    %jit3A = arith.constant 0.000000e+00 : f32
    %broadcast_in_dim3A = vector.broadcast %jit3A : f32 to vector<128x128xf32>
    %select_n3A = arith.select %eq3A, %get3A_4, %broadcast_in_dim3A : vector<128x128xi1>, vector<128x128xf32>
    %reduce_sum3A = arith.constant dense<0.000000e+00> : vector<128xf32>
    %reduce_sum3A_5 = vector.multi_reduction <add>, %select_n3A, %reduce_sum3A [1] : vector<128x128xf32> to vector<128xf32>
    %broadcast_in_dim3A_6 = vector.shape_cast %reduce_sum3A_5 : vector<128xf32> to vector<128x1xf32>
    %get3A_7 = arith.constant 0 : index
    %get3A_8 = arith.constant 0 : index
    %get3A_9 = arith.constant 0 : index
    %get3A_10 = vector.load %arg3[%get3A_7, %get3A_8, %get3A_9] : memref<1x128x128xf32, #tpu.memory_space<vmem>>, vector<1x128x128xf32>
    %get3A_11 = vector.shape_cast %get3A_10 : vector<1x128x128xf32> to vector<128x128xf32>
    %mul3A = vector.broadcast %broadcast_in_dim3A_6 : vector<128x1xf32> to vector<128x128xf32>
    %mul3A_12 = arith.mulf %mul3A, %get3A_11 : vector<128x128xf32>
    %swap3A = arith.constant 0 : index
    %swap3A_13 = arith.constant 0 : index
    %swap3A_14 = arith.constant 0 : index
    %swap3A_15 = vector.load %arg4[%swap3A, %swap3A_13, %swap3A_14] : memref<1x128x128xf32, #tpu.memory_space<vmem>>, vector<1x128x128xf32>
    %swap3A_16 = vector.shape_cast %swap3A_15 : vector<1x128x128xf32> to vector<128x128xf32>
    %swap3A_17 = vector.shape_cast %mul3A_12 : vector<128x128xf32> to vector<1x128x128xf32>
    tpu.vector_store %arg4[%swap3A, %swap3A_13, %swap3A_14], %swap3A_17 {strides = array<i32>} : memref<1x128x128xf32, #tpu.memory_space<vmem>>, vector<1x128x128xf32>,
    return
  }
  func.func @transform_0(%arg0: i32, %arg1: i32) -> (i32, i32, i32) {
    %c0_i32 = arith.constant 0 : i32
    return %arg0, %arg1, %arg1 : i32, i32, i32
  }
  func.func @transform_1(%arg0: i32, %arg1: i32) -> (i32, i32, i32) {
    %c0_i32 = arith.constant 0 : i32
    %c0_i32_0 = arith.constant 0 : i32
    return %arg0, %arg1, %c0_i32 : i32, i32, i32
  }
  func.func @transform_2(%arg0: i32, %arg1: i32) -> (i32, i32, i32) {
    %c0_i32 = arith.constant 0 : i32
    %c0_i32_0 = arith.constant 0 : i32
    return %arg0, %arg1, %c0_i32 : i32, i32, i32
  }
}

module attributes {stable_mosaic.version = 14 : i64} {
  func.func @_tax1_body(%arg0: i32, %arg1: i32, %arg2: memref<512x2048xf32, #tpu.memory_space<vmem>>, %arg3: memref<1x512x2048xf32, #tpu.memory_space<vmem>>, %arg4: memref<1x8192x128xf32, #tpu.memory_space<vmem>>, %arg5: memref<512x1xf32, #tpu.memory_space<vmem>>, %arg6: memref<1x512x128xf32, #tpu.memory_space<vmem>>) attributes {dimension_semantics = [#tpu.dimension_semantics<arbitrary>, #tpu.dimension_semantics<arbitrary>], iteration_bounds = array<i64: 4, 4>, scalar_prefetch = 0 : i64, scratch_operands = 0 : i64, tpu.core_type = #tpu.core_type<tc>, window_params = [{transform_indices = @transform_0, window_bounds = array<i64: 512, 2048>}, {transform_indices = @transform_1, window_bounds = array<i64: 1, 512, 2048>}, {pipeline_mode = #tpu.pipeline_mode<synchronous>, transform_indices = @transform_2, window_bounds = array<i64: 1, 8192, 128>}, {transform_indices = @transform_3, window_bounds = array<i64: 512, 1>}, {transform_indices = @transform_4, window_bounds = array<i64: 1, 512, 128>}]} {
    %get3A = arith.constant 0 : index
    %get3A_0 = arith.constant 0 : index
    %get3A_1 = vector.load %arg2[%get3A, %get3A_0] : memref<512x2048xf32, #tpu.memory_space<vmem>>, vector<512x2048xf32>
    %get3A_2 = arith.constant 0 : index
    %get3A_3 = arith.constant 0 : index
    %get3A_4 = arith.constant 0 : index
    %get3A_5 = vector.load %arg3[%get3A_2, %get3A_3, %get3A_4] : memref<1x512x2048xf32, #tpu.memory_space<vmem>>, vector<1x512x2048xf32>
    %get3A_6 = vector.shape_cast %get3A_5 : vector<1x512x2048xf32> to vector<512x2048xf32>
    %mul3A = arith.mulf %get3A_1, %get3A_6 : vector<512x2048xf32>
    %mul3A_7 = arith.constant 2048 : i32
    %mul3A_8 = arith.muli %arg1, %mul3A_7 : i32
    %get3A_9 = arith.constant 0 : index
    %get3A_10 = arith.index_cast %mul3A_8 : i32 to index
    %get3A_11 = arith.constant 0 : index
    %get3A_12 = vector.load %arg4[%get3A_9, %get3A_10, %get3A_11] : memref<1x8192x128xf32, #tpu.memory_space<vmem>>, vector<1x2048x128xf32>
    %get3A_13 = vector.shape_cast %get3A_12 : vector<1x2048x128xf32> to vector<2048x128xf32>
    %dot_general3A = arith.constant dense<0.000000e+00> : vector<512x128xf32>
    %dot_general3A_14 = tpu.matmul %mul3A, %get3A_13, %dot_general3A {dimension_numbers = #tpu.dot_dimension_numbers<[1], [0], [0], [1], [0, 0, 1, 1], [], []>, transpose_lhs_hint = false} : vector<512x2048xf32>, vector<2048x128xf32>, vector<512x128xf32> -> vector<512x128xf32>
    %get3A_15 = arith.constant 0 : index
    %get3A_16 = arith.constant 0 : index
    %get3A_17 = vector.load %arg5[%get3A_15, %get3A_16] : memref<512x1xf32, #tpu.memory_space<vmem>>, vector<512x1xf32>
    %mul3A_18 = vector.broadcast %get3A_17 : vector<512x1xf32> to vector<512x128xf32>
    %mul3A_19 = arith.mulf %mul3A_18, %dot_general3A_14 : vector<512x128xf32>
    %swap3A = arith.constant 0 : index
    %swap3A_20 = arith.constant 0 : index
    %swap3A_21 = arith.constant 0 : index
    %swap3A_22 = vector.load %arg6[%swap3A, %swap3A_20, %swap3A_21] : memref<1x512x128xf32, #tpu.memory_space<vmem>>, vector<1x512x128xf32>
    %swap3A_23 = vector.shape_cast %swap3A_22 : vector<1x512x128xf32> to vector<512x128xf32>
    %swap3A_24 = vector.shape_cast %mul3A_19 : vector<512x128xf32> to vector<1x512x128xf32>
    tpu.vector_store %arg6[%swap3A, %swap3A_20, %swap3A_21], %swap3A_24 {strides = array<i32>} : memref<1x512x128xf32, #tpu.memory_space<vmem>>, vector<1x512x128xf32>,
    return
  }
  func.func @transform_0(%arg0: i32, %arg1: i32) -> (i32, i32) {
    %c0_i32 = arith.constant 0 : i32
    %c0_i32_0 = arith.constant 0 : i32
    return %arg0, %c0_i32 : i32, i32
  }
  func.func @transform_1(%arg0: i32, %arg1: i32) -> (i32, i32, i32) {
    %c0_i32 = arith.constant 0 : i32
    %c0_i32_0 = arith.constant 0 : i32
    return %arg1, %arg0, %c0_i32 : i32, i32, i32
  }
  func.func @transform_2(%arg0: i32, %arg1: i32) -> (i32, i32, i32) {
    %c0_i32 = arith.constant 0 : i32
    %c0_i32_0 = arith.constant 0 : i32
    %c0_i32_1 = arith.constant 0 : i32
    %c0_i32_2 = arith.constant 0 : i32
    return %c0_i32, %c0_i32_0, %c0_i32_1 : i32, i32, i32
  }
  func.func @transform_3(%arg0: i32, %arg1: i32) -> (i32, i32) {
    %c0_i32 = arith.constant 0 : i32
    %c0_i32_0 = arith.constant 0 : i32
    return %arg0, %c0_i32 : i32, i32
  }
  func.func @transform_4(%arg0: i32, %arg1: i32) -> (i32, i32, i32) {
    %c0_i32 = arith.constant 0 : i32
    %c0_i32_0 = arith.constant 0 : i32
    return %arg1, %arg0, %c0_i32 : i32, i32, i32
  }
}

module attributes {stable_mosaic.version = 14 : i64} {
  func.func @_out_body(%arg0: i32, %arg1: i32, %arg2: memref<512x2048xf32, #tpu.memory_space<vmem>>, %arg3: memref<1x8192x128xf32, #tpu.memory_space<vmem>>, %arg4: memref<1x512x128xf32, #tpu.memory_space<vmem>>, %arg5: memref<512x1xf32, #tpu.memory_space<vmem>>, %arg6: memref<3x128x128xf32, #tpu.memory_space<vmem>>, %arg7: memref<1x128xf32, #tpu.memory_space<vmem>>, %arg8: memref<1x512x128xf32, #tpu.memory_space<vmem>>) attributes {dimension_semantics = [#tpu.dimension_semantics<arbitrary>, #tpu.dimension_semantics<arbitrary>], iteration_bounds = array<i64: 4, 4>, scalar_prefetch = 0 : i64, scratch_operands = 0 : i64, tpu.core_type = #tpu.core_type<tc>, window_params = [{transform_indices = @transform_0, window_bounds = array<i64: 512, 2048>}, {pipeline_mode = #tpu.pipeline_mode<synchronous>, transform_indices = @transform_1, window_bounds = array<i64: 1, 8192, 128>}, {transform_indices = @transform_2, window_bounds = array<i64: 1, 512, 128>}, {transform_indices = @transform_3, window_bounds = array<i64: 512, 1>}, {pipeline_mode = #tpu.pipeline_mode<synchronous>, transform_indices = @transform_4, window_bounds = array<i64: 3, 128, 128>}, {pipeline_mode = #tpu.pipeline_mode<synchronous>, transform_indices = @transform_5, window_bounds = array<i64: 1, 128>}, {transform_indices = @transform_6, window_bounds = array<i64: 1, 512, 128>}]} {
    %mul3A = arith.constant 2048 : i32
    %mul3A_0 = arith.muli %arg1, %mul3A : i32
    %get3A = arith.constant 0 : index
    %get3A_1 = arith.index_cast %mul3A_0 : i32 to index
    %get3A_2 = arith.constant 0 : index
    %get3A_3 = vector.load %arg3[%get3A, %get3A_1, %get3A_2] : memref<1x8192x128xf32, #tpu.memory_space<vmem>>, vector<1x2048x128xf32>
    %get3A_4 = vector.shape_cast %get3A_3 : vector<1x2048x128xf32> to vector<2048x128xf32>
    %get3A_5 = arith.constant 0 : index
    %get3A_6 = arith.constant 0 : index
    %get3A_7 = vector.load %arg2[%get3A_5, %get3A_6] : memref<512x2048xf32, #tpu.memory_space<vmem>>, vector<512x2048xf32>
    %dot_general3A = arith.constant dense<0.000000e+00> : vector<512x128xf32>
    %dot_general3A_8 = tpu.matmul %get3A_7, %get3A_4, %dot_general3A {dimension_numbers = #tpu.dot_dimension_numbers<[1], [0], [0], [1], [0, 0, 1, 1], [], []>, transpose_lhs_hint = false} : vector<512x2048xf32>, vector<2048x128xf32>, vector<512x128xf32> -> vector<512x128xf32>
    %get3A_9 = arith.constant 0 : index
    %get3A_10 = arith.constant 0 : index
    %get3A_11 = arith.constant 0 : index
    %get3A_12 = vector.load %arg4[%get3A_9, %get3A_10, %get3A_11] : memref<1x512x128xf32, #tpu.memory_space<vmem>>, vector<1x512x128xf32>
    %get3A_13 = vector.shape_cast %get3A_12 : vector<1x512x128xf32> to vector<512x128xf32>
    %get3A_14 = arith.constant 0 : index
    %get3A_15 = arith.constant 0 : index
    %get3A_16 = vector.load %arg5[%get3A_14, %get3A_15] : memref<512x1xf32, #tpu.memory_space<vmem>>, vector<512x1xf32>
    %mul3A_17 = arith.constant 2.000000e+00 : f32
    %mul3A_18 = vector.broadcast %mul3A_17 : f32 to vector<512x1xf32>
    %mul3A_19 = arith.mulf %mul3A_18, %get3A_16 : vector<512x1xf32>
    %mul3A_20 = vector.broadcast %mul3A_19 : vector<512x1xf32> to vector<512x128xf32>
    %mul3A_21 = arith.mulf %mul3A_20, %dot_general3A_8 : vector<512x128xf32>
    %sub3A = arith.subf %mul3A_21, %get3A_13 : vector<512x128xf32>
    %mul3A_22 = arith.constant 2048 : i32
    %mul3A_23 = arith.muli %arg1, %mul3A_22 : i32
    %mul3A_24 = arith.constant 512 : i32
    %mul3A_25 = arith.muli %arg0, %mul3A_24 : i32
    %add3A = arith.addi %mul3A_23, %mul3A_25 : i32
    %get3A_26 = arith.constant 0 : index
    %get3A_27 = arith.index_cast %add3A : i32 to index
    %get3A_28 = arith.constant 0 : index
    %get3A_29 = vector.load %arg3[%get3A_26, %get3A_27, %get3A_28] : memref<1x8192x128xf32, #tpu.memory_space<vmem>>, vector<1x512x128xf32>
    %get3A_30 = vector.shape_cast %get3A_29 : vector<1x512x128xf32> to vector<512x128xf32>
    %get3A_31 = arith.constant 0 : index
    %get3A_32 = arith.constant 0 : index
    %get3A_33 = arith.constant 0 : index
    %get3A_34 = vector.load %arg6[%get3A_31, %get3A_32, %get3A_33] : memref<3x128x128xf32, #tpu.memory_space<vmem>>, vector<1x128x128xf32>
    %get3A_35 = vector.shape_cast %get3A_34 : vector<1x128x128xf32> to vector<128x128xf32>
    %dot_general3A_36 = arith.constant dense<0.000000e+00> : vector<512x128xf32>
    %dot_general3A_37 = tpu.matmul %get3A_13, %get3A_35, %dot_general3A_36 {dimension_numbers = #tpu.dot_dimension_numbers<[1], [0], [0], [1], [0, 0, 1, 1], [], []>, transpose_lhs_hint = false} : vector<512x128xf32>, vector<128x128xf32>, vector<512x128xf32> -> vector<512x128xf32>
    %get3A_38 = arith.constant 1 : index
    %get3A_39 = arith.constant 0 : index
    %get3A_40 = arith.constant 0 : index
    %get3A_41 = vector.load %arg6[%get3A_38, %get3A_39, %get3A_40] : memref<3x128x128xf32, #tpu.memory_space<vmem>>, vector<1x128x128xf32>
    %get3A_42 = vector.shape_cast %get3A_41 : vector<1x128x128xf32> to vector<128x128xf32>
    %dot_general3A_43 = arith.constant dense<0.000000e+00> : vector<512x128xf32>
    %dot_general3A_44 = tpu.matmul %get3A_30, %get3A_42, %dot_general3A_43 {dimension_numbers = #tpu.dot_dimension_numbers<[1], [0], [0], [1], [0, 0, 1, 1], [], []>, transpose_lhs_hint = false} : vector<512x128xf32>, vector<128x128xf32>, vector<512x128xf32> -> vector<512x128xf32>
    %add3A_45 = arith.addf %dot_general3A_37, %dot_general3A_44 : vector<512x128xf32>
    %get3A_46 = arith.constant 2 : index
    %get3A_47 = arith.constant 0 : index
    %get3A_48 = arith.constant 0 : index
    %get3A_49 = vector.load %arg6[%get3A_46, %get3A_47, %get3A_48] : memref<3x128x128xf32, #tpu.memory_space<vmem>>, vector<1x128x128xf32>
    %get3A_50 = vector.shape_cast %get3A_49 : vector<1x128x128xf32> to vector<128x128xf32>
    %dot_general3A_51 = arith.constant dense<0.000000e+00> : vector<512x128xf32>
    %dot_general3A_52 = tpu.matmul %sub3A, %get3A_50, %dot_general3A_51 {dimension_numbers = #tpu.dot_dimension_numbers<[1], [0], [0], [1], [0, 0, 1, 1], [], []>, transpose_lhs_hint = false} : vector<512x128xf32>, vector<128x128xf32>, vector<512x128xf32> -> vector<512x128xf32>
    %add3A_53 = arith.addf %add3A_45, %dot_general3A_52 : vector<512x128xf32>
    %get3A_54 = arith.constant 0 : index
    %get3A_55 = arith.constant 0 : index
    %get3A_56 = vector.load %arg7[%get3A_54, %get3A_55] : memref<1x128xf32, #tpu.memory_space<vmem>>, vector<1x128xf32>
    %add3A_57 = vector.broadcast %get3A_56 : vector<1x128xf32> to vector<512x128xf32>
    %add3A_58 = arith.addf %add3A_53, %add3A_57 : vector<512x128xf32>
    %swap3A = arith.constant 0 : index
    %swap3A_59 = arith.constant 0 : index
    %swap3A_60 = arith.constant 0 : index
    %swap3A_61 = vector.load %arg8[%swap3A, %swap3A_59, %swap3A_60] : memref<1x512x128xf32, #tpu.memory_space<vmem>>, vector<1x512x128xf32>
    %swap3A_62 = vector.shape_cast %swap3A_61 : vector<1x512x128xf32> to vector<512x128xf32>
    %swap3A_63 = vector.shape_cast %add3A_58 : vector<512x128xf32> to vector<1x512x128xf32>
    tpu.vector_store %arg8[%swap3A, %swap3A_59, %swap3A_60], %swap3A_63 {strides = array<i32>} : memref<1x512x128xf32, #tpu.memory_space<vmem>>, vector<1x512x128xf32>,
    return
  }
  func.func @transform_0(%arg0: i32, %arg1: i32) -> (i32, i32) {
    %c0_i32 = arith.constant 0 : i32
    %c0_i32_0 = arith.constant 0 : i32
    return %arg0, %c0_i32 : i32, i32
  }
  func.func @transform_1(%arg0: i32, %arg1: i32) -> (i32, i32, i32) {
    %c0_i32 = arith.constant 0 : i32
    %c0_i32_0 = arith.constant 0 : i32
    %c0_i32_1 = arith.constant 0 : i32
    %c0_i32_2 = arith.constant 0 : i32
    return %c0_i32, %c0_i32_0, %c0_i32_1 : i32, i32, i32
  }
  func.func @transform_2(%arg0: i32, %arg1: i32) -> (i32, i32, i32) {
    %c0_i32 = arith.constant 0 : i32
    %c0_i32_0 = arith.constant 0 : i32
    return %arg1, %arg0, %c0_i32 : i32, i32, i32
  }
  func.func @transform_3(%arg0: i32, %arg1: i32) -> (i32, i32) {
    %c0_i32 = arith.constant 0 : i32
    %c0_i32_0 = arith.constant 0 : i32
    return %arg0, %c0_i32 : i32, i32
  }
  func.func @transform_4(%arg0: i32, %arg1: i32) -> (i32, i32, i32) {
    %c0_i32 = arith.constant 0 : i32
    %c0_i32_0 = arith.constant 0 : i32
    %c0_i32_1 = arith.constant 0 : i32
    %c0_i32_2 = arith.constant 0 : i32
    return %c0_i32, %c0_i32_0, %c0_i32_1 : i32, i32, i32
  }
  func.func @transform_5(%arg0: i32, %arg1: i32) -> (i32, i32) {
    %c0_i32 = arith.constant 0 : i32
    %c0_i32_0 = arith.constant 0 : i32
    %c0_i32_1 = arith.constant 0 : i32
    return %c0_i32, %c0_i32_0 : i32, i32
  }
  func.func @transform_6(%arg0: i32, %arg1: i32) -> (i32, i32, i32) {
    %c0_i32 = arith.constant 0 : i32
    %c0_i32_0 = arith.constant 0 : i32
    return %arg1, %arg0, %c0_i32 : i32, i32, i32
  }
}

</mosaic_0001>

<sc_bundles>
// kernel: _run.6.cloned.1.call-start
scs
__scs_entry_jumppad:
0x0: {  	(pc) =	sbr.rel $0x88, $3  }
0x1: {  	(tag) =	ssettag $0x0;
	lr =	simm.s32 $0x1  }
0x2: {  	[smem:$0x3F9C] =	sst lr;
	_ =	strace $0xD0000000  }
0x3: {  	_ = 	snop  }
0x4: {  	_ = 	snop  }
0x5: {  	_ = 	snop  }
0x6: {  	_ = 	snop  }
0x7: {  	_ = 	snop  }
__scs_overlays_trampoline_lowered:
0x8: {  	[smem:$0x3FAB] =	sst s0  }
0x9: {  	[smem:$0x3FAC] =	sst s1  }
0xa: {  	[smem:$0x3FAD] =	sst s2  }
0xb: {  	[smem:$0x3FAE] =	sst s3  }
0xc: {  	[smem:$0x3FAF] =	sst s4  }
0xd: {  	[smem:$0x3FB0] =	sst s5  }
0xe: {  	[smem:$0x3FB1] =	sst s6  }
0xf: {  	[smem:$0x3FB2] =	sst s7  }
0x10: {  	[smem:$0x3FB3] =	sst s8  }
0x11: {  	[smem:$0x3FB4] =	sst s9;
	s0 =	simm.s32 @!p0 $0x0  }
0x12: {  	s1 =	sld [smem:$0x3F9A];
	s0 =	simm.s32 @p0 $0x1  }
0x13: {  	[smem:$0x3FB5] =	sst s0;
	s0 =	simm.s32 @!p1 $0x0  }
0x14: {  	s2 =	sld [smem:$0x3F99];
	s0 =	simm.s32 @p1 $0x1  }
0x15: {  	[smem:$0x3FB6] =	sst s0;
	s0 =	simm.s32 @!p2 $0x0  }
0x16: {  	s3 =	sld [smem:$0x3FDB];
	s0 =	simm.s32 @p2 $0x1  }
0x17: {  	s4 =	simm.s32 $0x1BF5;
	[smem:$0x3FB8] =	sst s0  }
0x18: {  	s0 =	sld [smem:$0x3F9B];
	_ =	swait.ge [sflag:s4], $0x0  }
0x19: {  	s7 =	sld [smem:$0x3F9C]  }
0x1a: {  	s8 =	sadd.s32 $0xFFFFE003, lr  }
0x1b: {  	s9 =	sadd.s32 $0xFFFFFEF7, lr;
	s5 =	simm.s32 $0xFFFFFFFF;
	p2 =	slt.u32 s8, $0xFFFFF086  }
0x1c: {  	p1 =	slt.u32 s9, $0xF7A;
	s5 =	simm.s32 @!p2 $0x0  }
0x1d: {  	s5 =	simm.s32 @p1 $0x1;
	p0 =	seq.s32 s7, s2  }
0x1e: {  	s7 =	smul.u32 @!p0 $0xF7A, s2;
	p2 =	seq.s32 @!p0 s5, $0x0  }
0x1f: {  	s9 =	smul.u32 $0xF7A, s1;
	s8 =	simm.s32 @!p0 $0x1BF5;
	p2 =	por !p2, p0  }
0x20: {  	[sflag:s8] =	ssyncset.s32 @!p0 $0xFFFFF086;
	s6 =	sadd.s32 @!p0 s3, s7;
	s7 =	simm.s32 @!p0 $0x108  }
0x21: {  	s3 =	sadd.s32 s3, s9;
	s6 =	sadd.s32 @!p0 $0x88, s6;
	s7 =	simm.s32 @p2 $0x1082  }
0x22: {  	[simem:s7], [sflag:s8] =	dma.local @!p0 [hbm:s6], $0xF7A  }
0x23: {  	s9 =	sor.u32 $0xD0000000, s2;
	s6 =	simm.s32 $0x108;
	_ =	swait.ge @!p0 [sflag:s8], $0x0  }
0x24: {  	s3 =	sadd.s32 $0x88, s3;
	s6 =	simm.s32 @!p1 $0x1082;
	[sflag:s4] =	ssyncset.s32 $0xFFFFF086  }
0x25: {  	[simem:s6], [sflag:s4] =	dma.local [hbm:s3], $0xF7A  }
0x26: {  	[smem:$0x3F9C] =	sst s1;
	(tag) =	ssettag s2;
	_ =	strace s9  }
0x27: {  	s1 =	sld [smem:$0x3FAC]  }
0x28: {  	s2 =	sld [smem:$0x3FAD]  }
0x29: {  	s4 =	sld [smem:$0x3FAF]  }
0x2a: {  	p0 =	seq.s32 s5, $0x0;
	s5 =	sld [smem:$0x3FB0]  }
0x2b: {  	s6 =	sld [smem:$0x3FB1]  }
0x2c: {  	s7 =	sld [smem:$0x3FB2]  }
0x2d: {  	s3 =	simm.s32 $0x108;
	s8 =	sld [smem:$0x3FB3]  }
0x2e: {  	s3 =	simm.s32 @!p0 $0x1082;
	s9 =	sld [smem:$0x3FB4]  }
0x2f: {  	lr =	sadd.s32 s0, s3;
	s0 =	sld [smem:$0x3FAB]  }
0x30: {  	s3 =	sld [smem:$0x3FAE]  }
0x31: {  	[smem:$0x3FB7] =	sst s10  }
0x32: {  	s10 =	sld [smem:$0x3FB5];
	_ =	sdelay $0x3  }
0x33: {  	p0 =	seq.s32 s10, $0x1;
	s10 =	sld [smem:$0x3FB7];
	_ =	sdelay $0x3  }
0x34: {  	[smem:$0x3FB7] =	sst s10  }
0x35: {  	s10 =	sld [smem:$0x3FB6];
	_ =	sdelay $0x3  }
0x36: {  	p1 =	seq.s32 s10, $0x1;
	s10 =	sld [smem:$0x3FB7];
	_ =	sdelay $0x3  }
0x37: {  	[smem:$0x3FB7] =	sst s10  }
0x38: {  	s10 =	sld [smem:$0x3FB8]  }
0x39: {  	_ = 	snop;
	(pc) =	sbr.ind lr, $3  }
0x3a: {  	_ = 	snop  }
0x3b: {  	_ = 	snop  }
0x3c: {  	p2 =	seq.s32 s10, $0x1;
	s10 =	sld [smem:$0x3FB7]  }
0x3d: {  	_ =	shalt  }
0x3e: {  	_ =	shalt  }
0x3f: {  	_ =	shalt  }
0x40: {  	_ =	shalt  }
0x41: {  	_ =	shalt  }
0x42: {  	_ =	shalt  }
0x43: {  	_ =	shalt  }
0x44: {  	_ =	shalt  }
0x45: {  	_ =	shalt  }
0x46: {  	_ =	shalt  }
0x47: {  	_ =	shalt  }
0x48: {  	_ =	shalt  }
0x49: {  	_ =	shalt  }
0x4a: {  	_ =	shalt  }
0x4b: {  	_ =	shalt  }
0x4c: {  	_ =	shalt  }
0x4d: {  	_ =	shalt  }
0x4e: {  	_ =	shalt  }
0x4f: {  	_ =	shalt  }
0x50: {  	_ =	shalt  }
0x51: {  	_ =	shalt  }
0x52: {  	_ =	shalt  }
0x53: {  	_ =	shalt  }
0x54: {  	_ =	shalt  }
0x55: {  	_ =	shalt  }
0x56: {  	_ =	shalt  }
0x57: {  	_ =	shalt  }
0x58: {  	_ =	shalt  }
0x59: {  	_ =	shalt  }
0x5a: {  	_ =	shalt  }
0x5b: {  	_ =	shalt  }
0x5c: {  	_ =	shalt  }
0x5d: {  	_ =	shalt  }
0x5e: {  	_ =	shalt  }
0x5f: {  	_ =	shalt  }
0x60: {  	_ =	shalt  }
0x61: {  	_ =	shalt  }
0x62: {  	_ =	shalt  }
0x63: {  	_ =	shalt  }
0x64: {  	_ =	shalt  }
0x65: {  	_ =	shalt  }
0x66: {  	_ =	shalt  }
0x67: {  	_ =	shalt  }
0x68: {  	_ =	shalt  }
0x69: {  	_ =	shalt  }
0x6a: {  	_ =	shalt  }
0x6b: {  	_ =	shalt  }
0x6c: {  	_ =	shalt  }
0x6d: {  	_ =	shalt  }
0x6e: {  	_ =	shalt  }
0x6f: {  	_ =	shalt  }
0x70: {  	_ =	shalt  }
0x71: {  	_ =	shalt  }
0x72: {  	_ =	shalt  }
0x73: {  	_ =	shalt  }
0x74: {  	_ =	shalt  }
0x75: {  	_ =	shalt  }
0x76: {  	_ =	shalt  }
0x77: {  	_ =	shalt  }
0x78: {  	_ =	shalt  }
0x79: {  	_ =	shalt  }
0x7a: {  	_ =	shalt  }
0x7b: {  	_ =	shalt  }
0x7c: {  	_ =	shalt  }
0x7d: {  	_ =	shalt  }
0x7e: {  	_ =	shalt  }
0x7f: {  	_ =	shalt  }
0x80: {  	_ =	shalt  }
0x81: {  	_ =	shalt  }
0x82: {  	_ =	shalt  }
0x83: {  	_ =	shalt  }
0x84: {  	_ =	shalt  }
0x85: {  	_ =	shalt  }
0x86: {  	_ =	shalt  }
0x87: {  	_ =	shalt  }
.Lfunc_end0:
.L_simem_size_0:
called_computation_lowered:
.L_overlay_start_0:
0x88: {  	s2 =	sld [smem:$0x3FD9]  }
0x89: {  	s3 =	sld [smem:$0x3FFE];
	_ =	sdelay $0x1  }
0x8a: {  	s1 =	srdreg.scid  }
0x8b: {  	s0 =	sand.u32 $0x1, s1  }
0x8c: {  	s17 =	sshll.u32 s0, $0xA;
	s2 =	sadd.s32 s3, s2  }
0x8d: {  	s2 =	sadd.s32 s2, s17  }
0x8e: {  	[smem:$0x3FC3] =	sst s2  }
0x8f: {  	_ = 	snop  }
0x90: {  	s2 =	sld [smem:$0x3FD0];
	(tm) =	ssettm $0x1  }
0x91: {  	s18 =	sld [smem:$0x3FFB];
	_ =	sdelay $0x3  }
0x92: {  	_ =	strace s18  }
0x93: {  	s3 =	sld [smem:$0x3FFC];
	_ =	sdelay $0x3  }
0x94: {  	_ =	strace s3  }
0x95: {  	s3 =	sld [smem:$0x3FFD];
	_ =	sdelay $0x3  }
0x96: {  	_ =	strace s3  }
0x97: {  	_ =	strace $0x8FFFFFFF  }
0x98: {  	s19 =	sld [smem:$0x3FDB];
	_ =	sdelay $0x1  }
0x99: {  	s4 =	simm.s32 $_scs_section_size  }
0x9a: {  	s5 =	simm.s32 $_size__tile_overlayer_lowered;
	s6 =	simm.s32 $_tile_overlayer_lowered  }
0x9b: {  	s22 =	simm.s32 $0x1BFF;
	s21 =	sshll.u32 s6, $0x1;
	s3 =	sadd.s32 s4, s19  }
0x9c: {  	s7 =	simm.s32 $0x0;
	s20 =	sshll.u32 s5, $0x1;
	s5 =	sadd.s32 s21, s3  }
0x9d: {  	[timem:s7], [sflag:s22] =	dma.local [hbm:s5], s20  }
0x9e: {  	_ =	swait.ge [sflag:s22], s20  }
0x9f: {  	s4 =	ssub.s32 $0x0, s20;
	[sflag:s22] =	ssyncset.done $0x0  }
0xa0: {  	[sflag:s22] =	ssyncadd.s32 s4;
	_ =	sdelay $0x1  }
0xa1: {  	s23 =	simm.s32 $0x1B8B  }
0xa2: {  	_ =	swait.ge [sflag:s23], $0x1  }
0xa3: {  	[sflag:s23] =	ssyncset.done $0x0  }
0xa4: {  	s25 =	simm.s32 $0x1B8E;
	s24 =	sld [smem:$0x3FFE];
	[sflag:s23] =	ssyncadd.s32 $0xFFFFFFFF  }
0xa5: {  	s26 =	simm.s32 $execute0_lowered;
	[smem:$0x3FD2] =	sst s25  }
0xa6: {  	s5 =	sshll.u32 s26, $0x1;
	_ =	strace $0x80000046;
	[dreg:$0x1] =	wrdreg $0xFFFFFFFF  }
0xa7: {  	s28 =	simm.s32 $_size_execute0_lowered;
	s3 =	sadd.s32 s3, s5;
	[dreg:$0x0] =	wrdreg $0x0  }
0xa8: {  	s5 =	sshll.u32 s28, $0x1;
	[dreg:$0x2] =	wrdreg s3  }
0xa9: {  	[dreg:$0x3] =	wrdreg s5  }
0xaa: {  	[dreg:$0x4] =	wrdreg $0xC0  }
0xab: {  	_ =	task [dreg:s7], $0x5FFFF  }
0xac: {  	[dreg:$0x1] =	wrdreg $0xFFFFFFFF  }
0xad: {  	[dreg:$0x0] =	wrdreg $0x60  }
0xae: {  	[dreg:$0x2] =	wrdreg s2  }
0xaf: {  	[dreg:$0x3] =	wrdreg s24  }
0xb0: {  	[dreg:$0x4] =	wrdreg $0x68A00  }
0xb1: {  	[dreg:$0x5] =	wrdreg $0x69200  }
0xb2: {  	[dreg:$0x6] =	wrdreg $0x69A00  }
0xb3: {  	[dreg:$0x7] =	wrdreg $0x9  }
0xb4: {  	_ =	task.clear_ibuf [dreg:s7], $0x8FFFF;
	_ =	strace $0x90000046  }
0xb5: {  	s29 =	simm.s32 $0x9;
	_ =	strace $0x80000054  }
0xb6: {  	_ =	swait.ge [sflag:s29], $0x1  }
0xb7: {  	[sflag:s29] =	ssyncadd.s32 $0xFFFFFFFF  }
0xb8: {  	_ =	strace $0x90000054  }
0xb9: {  	_ =	sfence  }
0xba: {  	s30 =	sld [smem:$0x0];
	_ =	sdelay $0x2  }
0xbb: {  	s31 =	sshll.u32 s1, $0xD;
	s1 =	sshrl.u32 s1, $0x2  }
0xbc: {  	s3 =	sand.u32 $0x4000, s31;
	s1 =	sadd.s32 s1, s30  }
0xbd: {  	s0 =	sor.u32 s3, s0;
	s1 =	sshll.u32 s1, $0x11  }
0xbe: {  	s0 =	sor.u32 s1, s0  }
0xbf: {  	s0 =	sadd.s32 $0x8F2B, s0  }
0xc0: {  	[sflag:s0] =	ssyncadd.remote.s32 $0x1  }
0xc1: {  	_ =	sfence.sel $0xFFFF  }
0xc2: {  	[dreg:$0x0] =	wrdreg $0xFFFFFFFF;
	(pc) =	sbr.abs _section_cstart, $3  }
0xc3: {  	[dreg:$0x1] =	wrdreg $0xFFFFFFFF  }
0xc4: {  	_ =	task.clear_ibuf [dreg:s7], $0x2FFFF;
	_ =	strace $0x9FFFFFFF  }
0xc5: {  	(tm) =	ssettm $0x7FFFFFFF  }
tec
execute0_lowered:
.L_overlay_start_1:
0x0: {  	(tag) =	ssettag $0x1  }
0x1: {  	s0 =	rddreg [dreg:$0x0]  }
0x2: {  	s2 =	rddreg [dreg:$0x1]  }
0x3: {  	s1 =	rddreg [dreg:$0x2]  }
0x4: {  	s9 =	rddreg [dreg:$0x3]  }
0x5: {  	s3 =	rddreg [dreg:$0x4];
	s4 =	simm.s32 $0x0  }
0x6: {  	s18 =	srdreg.scid;
	s12 =	stileid.u32;
	s31 =	simm.s32 $0x3820  }
0x7: {  	s28 =	simm.s32 $0x1;
	[smem:$0x7FF] =	sst s4;
	s5 =	sadd.s32 $0x1200, s2  }
0x8: {  	s4 =	sand.u32 $0x1, s18;
	s6 =	sadd.s32 $0x1000, s2;
	s2 =	sadd.s32 $0x81200, s2  }
0x9: {  	s7 =	sshll.u32 s12, $0x8;
	s21 =	sshll.u32 s12, $0x7;
	s25 =	sshll.u32 s12, $0x10  }
0xa: {  	_ =	strace $0x80000047;
	[dreg:$0x6] =	wrdreg s6;
	s19 =	ssub.s32 $0x2, s4  }
0xb: {  	[dreg:$0x7] =	wrdreg s2;
	s8 =	sadd.s32 s0, s7;
	s10 =	sadd.s32 s21, s1  }
0xc: {  	s11 =	sor.u32 $0x3820, s21;
	s23 =	sadd.s32 s21, s9;
	s13 =	sor.u32 $0x4020, s21  }
0xd: {  	s24 =	sor.u32 s12, s4;
	s7 =	sshll.u32 s4, $0x15;
	s14 =	sadd.s32 s25, s3  }
0xe: {  	s6 =	sor.u32 $0x3020, s21;
	s12 =	simm.s32 $0x800;
	s0 =	simm.s32 $0x4820  }
0xf: {  	s20 =	sshrl.u32 s19, $0x1;
	s22 =	sadd.s32 $0x1000, s8;
	[dreg:$0x9] =	wrdreg s23  }
0x10: {  	s15 =	sor.u32 s25, s7;
	s18 =	sadd.s32 $0x4000, s14;
	p0 =	sne.s32 s24, $0x0  }
0x11: {  	s21 =	sadd.s32 $0x8000, s14;
	s2 =	ssub.s32 s19, s20;
	s20 =	sshllo.u32 s4, $0x1  }
0x12: {  	s23 =	sadd.s32 $0xC000, s14;
	s24 =	sadd.s32 $0xE000, s14;
	s29 =	sshll.u32 s20, $0x14  }
0x13: {  	[dreg:$0x8] =	wrdreg s22;
	s16 =	sshrl.u32 s15, $0x3;
	s9 =	sor.u32 s25, s29  }
0x14: {  	v7 =	vimm.f32 $0.0e+00;
	s4 =	sshll.u32 s4, $0xA;
	s16 =	sadd.s32 s5, s16;
	s9 =	sshrl.u32 s9, $0x3  }
.Ltmp0:
0x15: {  	v8 =	vimm.f32 $1.000000000e+00;
	v9 =	vimm.s32 $0x100000;
	v4 =	vmov s7;
	s17 =	sadd.s32 s5, s9;
	s5 =	simm.s32 @!p0 $0x0;
	(pc) =	sbr.rel .LBB2_1-.Ltmp0, $4  }
0x16: {  	v10 =	vmov s11;
	v11 =	vmov s13;
	s15 =	sadd.s32 $0x2000, s14;
	s19 =	sadd.s32 $0x6000, s14;
	v5 =	vsub.s32 $0x0, v4;
	s5 =	simm.s32 @p0 $0x1  }
0x17: {  	v4 =	vmov s6;
	s26 =	sor.u32 $0x200, s4;
	v0 =	vmov s4;
	v6 =	vmov s29;
	[smem:$0x7FD] =	sst s5;
	s5 =	sshll.u32 s20, $0x9  }
0x18: {  	s22 =	sadd.s32 $0xA000, s14;
	v5 =	vbroadcast v5, $0x0;
	s25 =	simm.s32 $0x2;
	v1 =	vmov s26;
	v6 =	vsub.s32 $0x0, v6;
	s30 =	sadd.s32 $0x200, s5  }
0x19: {  	v6 =	vbroadcast v6, $0x0;
	s20 =	smax.u32 s2, $0x1;
	s2 =	simm.s32 $0x100;
	v2 =	vmov s5;
	s5 =	simm.s32 $0x0;
	v3 =	vmov s30  }
.LBB2_41:
0x1a: {  	[bflag:$0x0] =	sbarrier.arrive $0xFFFF  }
0x1b: {  	_ =	strace $0x90000051  }
0x1c: {  	s12 =	simm.s32 $0x800;
	_ =	strace $0x80000052  }
.LBB2_57:
0x1d: {  	[bflag:$0x0] =	sbarrier.arrive $0xFFFF  }
0x1e: {  	s5 =	sadd.s32 $0x1, s5;
	_ =	strace $0x90000052  }
0x1f: {  	p0 =	sne.s32 s5, s20;
	_ =	strace $0x80000053  }
0x20: {  	[hbm:s17], [sflag:s29] =	dma.local [spmem:s30], $0x2000  }
.Ltmp1:
0x21: {  	_ = 	snop;
	(pc) =	sbr.rel @!p0 .LBB2_58-.Ltmp1, $4  }
0x22: {  	_ =	swait.ge [sflag:s25], $0x2000  }
0x23: {  	[sflag:s25] =	ssyncset.done $0x0  }
0x24: {  	[sflag:s25] =	ssyncadd.s32 $0xFFFFE000  }
0x25: {  	_ =	strace $0x90000053  }
.LBB2_1:
0x26: {  	_ =	strace $0x80000048;
	s4 =	simm.s32 $0x0  }
0x27: {  	[tilespmem:s4], [sflag:$0x2] =	stream.linear.gather [hbm4b:s8+s4], $0x800, $0x200038;
	[tilespmem:$0x169A8] =	vst v63  }
0x28: {  	_ =	swait.ge [sflag:s25], $0x800  }
0x29: {  	[sflag:s25] =	ssyncset.done $0x0  }
0x2a: {  	s6 =	rddreg [dreg:$0x8];
	[sflag:s25] =	ssyncadd.s32 $0xFFFFF800  }
0x2b: {  	[tilespmem:s12], [sflag:$0x2] =	stream.linear.gather [hbm4b:s6+s4], $0x800, $0x200038;
	[tilespmem:$0x169A8] =	vst v63  }
0x2c: {  	_ =	swait.ge [sflag:s25], $0x800  }
0x2d: {  	[sflag:s25] =	ssyncset.done $0x0  }
0x2e: {  	s4 =	simm.s32 $0x40;
	s6 =	simm.s32 $0x0;
	[sflag:s25] =	ssyncadd.s32 $0xFFFFF800  }
.LBB2_2:
0x2f: {  	p0 =	sne.s32 s4, $0x7FC0;
	[tilespmem:s6+$0x4820] =	vst v7;
	s6 =	smov.u32 s4;
	s4 =	sadd.s32 $0x40, s4  }
.Ltmp2:
0x30: {  	(pc) =	sbr.rel @p0 .LBB2_2-.Ltmp2, $2  }
0x31: {  	_ =	sdelay $0x2  }
0x32: {  	s6 =	sshra.s32 s6, $0x2  }
0x33: {  	[tilespmem:s6+$0x4820] =	vst v7  }
0x34: {  	[tilespmem:$0x6820] =	vst v7  }
0x35: {  	[tilespmem:$0x6830] =	vst v7  }
0x36: {  	[tilespmem:$0x6840] =	vst v7  }
0x37: {  	[tilespmem:$0x6850] =	vst v7  }
0x38: {  	[tilespmem:$0x6860] =	vst v7  }
0x39: {  	[tilespmem:$0x6870] =	vst v7  }
0x3a: {  	[tilespmem:$0x6880] =	vst v7  }
0x3b: {  	[tilespmem:$0x6890] =	vst v7  }
0x3c: {  	_ =	strace $0x90000048  }
0x3d: {  	s4 =	simm.s32 $0x6820;
	_ =	strace $0x80000049  }
0x3e: {  	[spmem:s10] =	stream.linear.scatter [tilespmem:s4], [sflag:$0x2], $0x80, $0x200038;
	[tilespmem:$0x169A8] =	vst v63  }
0x3f: {  	_ =	swait.ge [sflag:s25], $0x80  }
0x40: {  	[sflag:s25] =	ssyncset.done $0x0  }
0x41: {  	[sflag:s25] =	ssyncadd.s32 $0xFFFFFF80  }
0x42: {  	s4 =	simm.s32 $0x0;
	[bflag:$0x0] =	sbarrier.arrive $0xFFFF  }
0x43: {  	v12 =	vld [tilespmem:s4+$0x0]  }
0x44: {  	s6 =	simm.s32 $0x40;
	v13 =	vld [tilespmem:s4+$0x800]  }
.LBB2_4:
0x45: {  	_ = 	snop  }
0x46: {  	p0 =	sne.s32 s6, $0x1FC0  }
.Ltmp3:
0x47: {  	_ = 	snop;
	(pc) =	sbr.rel @p0 .LBB2_4-.Ltmp3, $4  }
0x48: {  	_ = 	snop  }
0x49: {  	s7 =	sshra.s32 s6, $0x2;
	vm0 =	veq.s32 v12, v13  }
0x4a: {  	v12 =	vld [tilespmem:s7+$0x0];
	v14 =	vsel vm0, $0x0, v8  }
0x4b: {  	s6 =	sadd.s32 $0x40, s6;
	v13 =	vld [tilespmem:s7+$0x800];
	[tilespmem:s4+$0x1000] =	vst v14;
	s4 =	smov.u32 s7  }
0x4c: {  	_ =	sdelay $0x3  }
0x4d: {  	vm0 =	veq.s32 v12, v13  }
0x4e: {  	v12 =	vsel vm0, $0x0, v8  }
0x4f: {  	s26 =	simm.s32 $0x0;
	s6 =	simm.s32 $0x1000;
	[tilespmem:s4+$0x1000] =	vst v12  }
0x50: {  	[spmem:s1] =	stream.indirect.scatter.add.f32 [tilespmem:s6], [sflag:$0x2], $0x1, s26, s12, $0x2000b8;
	[tilespmem:$0x169A8] =	vst v63  }
0x51: {  	_ =	swait.ge [sflag:s25], $0x800  }
0x52: {  	[sflag:s25] =	ssyncset.done $0x0  }
0x53: {  	[sflag:s25] =	ssyncadd.s32 $0xFFFFF800  }
0x54: {  	[bflag:$0x0] =	sbarrier.arrive $0xFFFF  }
0x55: {  	_ =	strace $0x90000049  }
0x56: {  	s30 =	simm.s32 $0x3020;
	_ =	strace $0x8000004A  }
0x57: {  	[tilespmem:s30], [sflag:$0x2] =	stream.linear.gather [spmem:s1], $0x800, $0x200038;
	[tilespmem:$0x169A8] =	vst v63  }
0x58: {  	_ =	swait.ge [sflag:s25], $0x800  }
0x59: {  	[sflag:s25] =	ssyncset.done $0x0  }
0x5a: {  	[sflag:s25] =	ssyncadd.s32 $0xFFFFF800  }
0x5b: {  	s29 =	simm.s32 $0x0;
	[bflag:$0x0] =	sbarrier.arrive $0xFFFF  }
0x5c: {  	s4 =	simm.s32 $0x40;
	v13 =	vld.idx.msk [tilespmem:v4+s29+$0x0 ss:$0x1], $0xffff  }
.LBB2_6:
0x5d: {  	p1 =	sne.s32 s4, $0x1C0;
	_ =	sdelay $0x4  }
0x5e: {  	vm0 =	vgt.f32 v13, $0.0e+00;
	v12 =	vadd.f32 $2.000000000e+00, v13  }
0x5f: {  	v13 =	vnsel vm0, $0x3F800000, v13  }
0x60: {  	(erf) = vrcp.f32 v13;
	_ =	sdelay $0x7  }
0x61: {  	v13 =	vmul.f32 $5.000000000e-01, v13  }
0x62: {  	v14 =	vpop (erf)  }
0x63: {  	v15 =	vmul.f32 v14, v13;
	_ =	sdelay $0x1  }
0x64: {  	v15 =	vmul.f32 v15, v14;
	_ =	sdelay $0x1  }
0x65: {  	v15 =	vsub.f32 $1.500000000e+00, v15;
	_ =	sdelay $0x1  }
0x66: {  	v14 =	vmul.f32 v15, v14;
	_ =	sdelay $0x1  }
0x67: {  	v15 =	vmul.f32 v14, v13;
	_ =	sdelay $0x1  }
0x68: {  	v15 =	vmul.f32 v15, v14;
	_ =	sdelay $0x1  }
0x69: {  	v15 =	vsub.f32 $1.500000000e+00, v15;
	_ =	sdelay $0x1  }
0x6a: {  	v14 =	vmul.f32 v15, v14;
	_ =	sdelay $0x1  }
0x6b: {  	v15 =	vmul.f32 v14, v13;
	_ =	sdelay $0x1  }
0x6c: {  	v15 =	vmul.f32 v15, v14;
	_ =	sdelay $0x1  }
0x6d: {  	v15 =	vsub.f32 $1.500000000e+00, v15;
	_ =	sdelay $0x1  }
0x6e: {  	v14 =	vmul.f32 v15, v14;
	_ =	sdelay $0x1  }
0x6f: {  	v15 =	vmul.f32 v14, v13;
	_ =	sdelay $0x1  }
0x70: {  	v15 =	vmul.f32 v15, v14;
	_ =	sdelay $0x1  }
0x71: {  	v15 =	vsub.f32 $1.500000000e+00, v15;
	_ =	sdelay $0x1  }
0x72: {  	v14 =	vmul.f32 v15, v14;
	_ =	sdelay $0x1  }
0x73: {  	v15 =	vmul.f32 v14, v13;
	_ =	sdelay $0x1  }
0x74: {  	v15 =	vmul.f32 v15, v14;
	_ =	sdelay $0x1  }
0x75: {  	v15 =	vsub.f32 $1.500000000e+00, v15;
	_ =	sdelay $0x1  }
0x76: {  	v14 =	vmul.f32 v15, v14;
	_ =	sdelay $0x1  }
0x77: {  	v15 =	vmul.f32 v14, v13;
	_ =	sdelay $0x1  }
0x78: {  	v15 =	vmul.f32 v15, v14;
	_ =	sdelay $0x1  }
0x79: {  	v15 =	vsub.f32 $1.500000000e+00, v15;
	_ =	sdelay $0x1  }
0x7a: {  	v14 =	vmul.f32 v15, v14;
	_ =	sdelay $0x1  }
0x7b: {  	v15 =	vmul.f32 v14, v13;
	_ =	sdelay $0x1  }
0x7c: {  	v15 =	vmul.f32 v15, v14;
	_ =	sdelay $0x1  }
0x7d: {  	v15 =	vsub.f32 $1.500000000e+00, v15;
	_ =	sdelay $0x1  }
0x7e: {  	v14 =	vmul.f32 v15, v14;
	_ =	sdelay $0x1  }
0x7f: {  	v15 =	vmul.f32 v14, v13;
	_ =	sdelay $0x1  }
0x80: {  	v15 =	vmul.f32 v15, v14;
	_ =	sdelay $0x1  }
0x81: {  	v15 =	vsub.f32 $1.500000000e+00, v15;
	_ =	sdelay $0x1  }
0x82: {  	v14 =	vmul.f32 v15, v14;
	_ =	sdelay $0x1  }
0x83: {  	v15 =	vmul.f32 v14, v13;
	_ =	sdelay $0x1  }
0x84: {  	v15 =	vmul.f32 v15, v14;
	_ =	sdelay $0x1  }
0x85: {  	v15 =	vsub.f32 $1.500000000e+00, v15;
	_ =	sdelay $0x1  }
0x86: {  	v14 =	vmul.f32 v15, v14;
	_ =	sdelay $0x1  }
0x87: {  	v15 =	vmul.f32 v14, v13;
	_ =	sdelay $0x1  }
0x88: {  	v15 =	vmul.f32 v15, v14;
	_ =	sdelay $0x1  }
0x89: {  	v15 =	vsub.f32 $1.500000000e+00, v15;
	_ =	sdelay $0x1  }
0x8a: {  	v14 =	vmul.f32 v15, v14;
	_ =	sdelay $0x1  }
0x8b: {  	v15 =	vmul.f32 v14, v13;
	_ =	sdelay $0x1  }
0x8c: {  	v15 =	vmul.f32 v15, v14;
	_ =	sdelay $0x1  }
0x8d: {  	v15 =	vsub.f32 $1.500000000e+00, v15;
	_ =	sdelay $0x1  }
0x8e: {  	v14 =	vmul.f32 v15, v14;
	_ =	sdelay $0x1  }
0x8f: {  	v15 =	vmul.f32 v14, v13;
	_ =	sdelay $0x1  }
0x90: {  	v15 =	vmul.f32 v15, v14;
	_ =	sdelay $0x1  }
0x91: {  	v15 =	vsub.f32 $1.500000000e+00, v15;
	_ =	sdelay $0x1  }
0x92: {  	v14 =	vmul.f32 v15, v14;
	_ =	sdelay $0x1  }
0x93: {  	v15 =	vmul.f32 v14, v13;
	_ =	sdelay $0x1  }
0x94: {  	v15 =	vmul.f32 v15, v14;
	_ =	sdelay $0x1  }
0x95: {  	v15 =	vsub.f32 $1.500000000e+00, v15;
	_ =	sdelay $0x1  }
0x96: {  	v14 =	vmul.f32 v15, v14;
	_ =	sdelay $0x1  }
0x97: {  	v15 =	vmul.f32 v14, v13;
	_ =	sdelay $0x1  }
0x98: {  	v15 =	vmul.f32 v15, v14;
	_ =	sdelay $0x1  }
0x99: {  	v15 =	vsub.f32 $1.500000000e+00, v15;
	_ =	sdelay $0x1  }
0x9a: {  	v14 =	vmul.f32 v15, v14;
	_ =	sdelay $0x1  }
0x9b: {  	v15 =	vmul.f32 v14, v13;
	_ =	sdelay $0x1  }
0x9c: {  	v15 =	vmul.f32 v15, v14;
	_ =	sdelay $0x1  }
0x9d: {  	v15 =	vsub.f32 $1.500000000e+00, v15;
	_ =	sdelay $0x1  }
0x9e: {  	v14 =	vmul.f32 v15, v14;
	_ =	sdelay $0x1  }
0x9f: {  	v15 =	vmul.f32 v14, v13;
	_ =	sdelay $0x1  }
0xa0: {  	v15 =	vmul.f32 v15, v14;
	_ =	sdelay $0x1  }
0xa1: {  	v15 =	vsub.f32 $1.500000000e+00, v15;
	_ =	sdelay $0x1  }
0xa2: {  	v14 =	vmul.f32 v15, v14;
	_ =	sdelay $0x1  }
0xa3: {  	v15 =	vmul.f32 v14, v13;
	_ =	sdelay $0x1  }
0xa4: {  	v15 =	vmul.f32 v15, v14;
	_ =	sdelay $0x1  }
0xa5: {  	v15 =	vsub.f32 $1.500000000e+00, v15;
	_ =	sdelay $0x1  }
0xa6: {  	v14 =	vmul.f32 v15, v14;
	_ =	sdelay $0x1  }
0xa7: {  	v13 =	vmul.f32 v14, v13;
	(erf) = vrcp.f32 v12;
	_ =	sdelay $0x1  }
0xa8: {  	v12 =	vmul.f32 v13, v14;
	_ =	sdelay $0x1  }
0xa9: {  	v12 =	vsub.f32 $1.500000000e+00, v12;
	_ =	sdelay $0x1  }
0xaa: {  	v14 =	vmul.f32 v12, v14  }
.Ltmp4:
0xab: {  	(pc) =	sbr.rel @p1 .LBB2_6-.Ltmp4, $4  }
0xac: {  	v13 =	vnsel vm0, $0x0, v14  }
0xad: {  	[tilespmem:v10+s29+$0x0 ss:$0x1] =	vst.idx.msk $0xffff, v13;
	v12 =	vpop (erf)  }
0xae: {  	[tilespmem:v11+s29+$0x0 ss:$0x1] =	vst.idx.msk $0xffff, v12;
	s29 =	sshra.s32 s4, $0x2  }
0xaf: {  	s4 =	sadd.s32 $0x40, s4;
	v13 =	vld.idx.msk [tilespmem:v4+s29+$0x0 ss:$0x1], $0xffff  }
0xb0: {  	_ =	sdelay $0x3  }
0xb1: {  	vm0 =	vgt.f32 v13, $0.0e+00  }
0xb2: {  	v12 =	vnsel vm0, $0x3F800000, v13  }
0xb3: {  	(erf) = vrcp.f32 v12;
	_ =	sdelay $0x7  }
0xb4: {  	v12 =	vmul.f32 $5.000000000e-01, v12  }
0xb5: {  	v14 =	vpop (erf)  }
0xb6: {  	v15 =	vmul.f32 v14, v12;
	_ =	sdelay $0x1  }
0xb7: {  	v15 =	vmul.f32 v15, v14;
	_ =	sdelay $0x1  }
0xb8: {  	v15 =	vsub.f32 $1.500000000e+00, v15;
	_ =	sdelay $0x1  }
0xb9: {  	v14 =	vmul.f32 v15, v14;
	_ =	sdelay $0x1  }
0xba: {  	v15 =	vmul.f32 v14, v12;
	_ =	sdelay $0x1  }
0xbb: {  	v15 =	vmul.f32 v15, v14;
	_ =	sdelay $0x1  }
0xbc: {  	v15 =	vsub.f32 $1.500000000e+00, v15;
	_ =	sdelay $0x1  }
0xbd: {  	v14 =	vmul.f32 v15, v14;
	_ =	sdelay $0x1  }
0xbe: {  	v15 =	vmul.f32 v14, v12;
	_ =	sdelay $0x1  }
0xbf: {  	v15 =	vmul.f32 v15, v14;
	_ =	sdelay $0x1  }
0xc0: {  	v15 =	vsub.f32 $1.500000000e+00, v15;
	_ =	sdelay $0x1  }
0xc1: {  	v14 =	vmul.f32 v15, v14;
	_ =	sdelay $0x1  }
0xc2: {  	v15 =	vmul.f32 v14, v12;
	_ =	sdelay $0x1  }
0xc3: {  	v15 =	vmul.f32 v15, v14;
	_ =	sdelay $0x1  }
0xc4: {  	v15 =	vsub.f32 $1.500000000e+00, v15;
	_ =	sdelay $0x1  }
0xc5: {  	v14 =	vmul.f32 v15, v14;
	_ =	sdelay $0x1  }
0xc6: {  	v15 =	vmul.f32 v14, v12;
	_ =	sdelay $0x1  }
0xc7: {  	v15 =	vmul.f32 v15, v14;
	_ =	sdelay $0x1  }
0xc8: {  	v15 =	vsub.f32 $1.500000000e+00, v15;
	_ =	sdelay $0x1  }
0xc9: {  	v14 =	vmul.f32 v15, v14;
	_ =	sdelay $0x1  }
0xca: {  	v15 =	vmul.f32 v14, v12;
	_ =	sdelay $0x1  }
0xcb: {  	v15 =	vmul.f32 v15, v14;
	_ =	sdelay $0x1  }
0xcc: {  	v15 =	vsub.f32 $1.500000000e+00, v15;
	_ =	sdelay $0x1  }
0xcd: {  	v14 =	vmul.f32 v15, v14;
	_ =	sdelay $0x1  }
0xce: {  	v15 =	vmul.f32 v14, v12;
	_ =	sdelay $0x1  }
0xcf: {  	v15 =	vmul.f32 v15, v14;
	_ =	sdelay $0x1  }
0xd0: {  	v15 =	vsub.f32 $1.500000000e+00, v15;
	_ =	sdelay $0x1  }
0xd1: {  	v14 =	vmul.f32 v15, v14;
	_ =	sdelay $0x1  }
0xd2: {  	v15 =	vmul.f32 v14, v12;
	_ =	sdelay $0x1  }
0xd3: {  	v15 =	vmul.f32 v15, v14;
	_ =	sdelay $0x1  }
0xd4: {  	v15 =	vsub.f32 $1.500000000e+00, v15;
	_ =	sdelay $0x1  }
0xd5: {  	v14 =	vmul.f32 v15, v14;
	_ =	sdelay $0x1  }
0xd6: {  	v15 =	vmul.f32 v14, v12;
	_ =	sdelay $0x1  }
0xd7: {  	v15 =	vmul.f32 v15, v14;
	_ =	sdelay $0x1  }
0xd8: {  	v15 =	vsub.f32 $1.500000000e+00, v15;
	_ =	sdelay $0x1  }
0xd9: {  	v14 =	vmul.f32 v15, v14;
	_ =	sdelay $0x1  }
0xda: {  	v15 =	vmul.f32 v14, v12;
	_ =	sdelay $0x1  }
0xdb: {  	v15 =	vmul.f32 v15, v14;
	_ =	sdelay $0x1  }
0xdc: {  	v15 =	vsub.f32 $1.500000000e+00, v15;
	_ =	sdelay $0x1  }
0xdd: {  	v14 =	vmul.f32 v15, v14;
	_ =	sdelay $0x1  }
0xde: {  	v15 =	vmul.f32 v14, v12;
	_ =	sdelay $0x1  }
0xdf: {  	v15 =	vmul.f32 v15, v14;
	_ =	sdelay $0x1  }
0xe0: {  	v15 =	vsub.f32 $1.500000000e+00, v15;
	_ =	sdelay $0x1  }
0xe1: {  	v14 =	vmul.f32 v15, v14;
	_ =	sdelay $0x1  }
0xe2: {  	v15 =	vmul.f32 v14, v12;
	_ =	sdelay $0x1  }
0xe3: {  	v15 =	vmul.f32 v15, v14;
	_ =	sdelay $0x1  }
0xe4: {  	v15 =	vsub.f32 $1.500000000e+00, v15;
	_ =	sdelay $0x1  }
0xe5: {  	v14 =	vmul.f32 v15, v14;
	_ =	sdelay $0x1  }
0xe6: {  	v15 =	vmul.f32 v14, v12;
	_ =	sdelay $0x1  }
0xe7: {  	v15 =	vmul.f32 v15, v14;
	_ =	sdelay $0x1  }
0xe8: {  	v15 =	vsub.f32 $1.500000000e+00, v15;
	_ =	sdelay $0x1  }
0xe9: {  	v14 =	vmul.f32 v15, v14;
	_ =	sdelay $0x1  }
0xea: {  	v15 =	vmul.f32 v14, v12;
	_ =	sdelay $0x1  }
0xeb: {  	v15 =	vmul.f32 v15, v14;
	_ =	sdelay $0x1  }
0xec: {  	v15 =	vsub.f32 $1.500000000e+00, v15;
	_ =	sdelay $0x1  }
0xed: {  	v14 =	vmul.f32 v15, v14;
	_ =	sdelay $0x1  }
0xee: {  	v15 =	vmul.f32 v14, v12;
	_ =	sdelay $0x1  }
0xef: {  	v15 =	vmul.f32 v15, v14;
	_ =	sdelay $0x1  }
0xf0: {  	v15 =	vsub.f32 $1.500000000e+00, v15;
	_ =	sdelay $0x1  }
0xf1: {  	v14 =	vmul.f32 v15, v14;
	_ =	sdelay $0x1  }
0xf2: {  	v15 =	vmul.f32 v14, v12;
	_ =	sdelay $0x1  }
0xf3: {  	v15 =	vmul.f32 v15, v14;
	_ =	sdelay $0x1  }
0xf4: {  	v15 =	vsub.f32 $1.500000000e+00, v15;
	_ =	sdelay $0x1  }
0xf5: {  	v14 =	vmul.f32 v15, v14;
	_ =	sdelay $0x1  }
0xf6: {  	v15 =	vmul.f32 v14, v12;
	_ =	sdelay $0x1  }
0xf7: {  	v15 =	vmul.f32 v15, v14;
	_ =	sdelay $0x1  }
0xf8: {  	v15 =	vsub.f32 $1.500000000e+00, v15;
	_ =	sdelay $0x1  }
0xf9: {  	v14 =	vmul.f32 v15, v14;
	_ =	sdelay $0x1  }
0xfa: {  	v13 =	vadd.f32 $2.000000000e+00, v13;
	v12 =	vmul.f32 v14, v12;
	_ =	sdelay $0x1  }
0xfb: {  	(erf) = vrcp.f32 v13;
	v12 =	vmul.f32 v12, v14;
	_ =	sdelay $0x1  }
0xfc: {  	v12 =	vsub.f32 $1.500000000e+00, v12;
	_ =	sdelay $0x1  }
0xfd: {  	v12 =	vmul.f32 v12, v14;
	_ =	sdelay $0x1  }
0xfe: {  	v12 =	vnsel vm0, $0x0, v12;
	_ =	sdelay $0x2  }
0xff: {  	[tilespmem:v10+s29+$0x0 ss:$0x1] =	vst.idx.msk $0xffff, v12;
	v12 =	vpop (erf)  }
0x100: {  	[tilespmem:v11+s29+$0x0 ss:$0x1] =	vst.idx.msk $0xffff, v12  }
0x101: {  	[spmem:s10] =	stream.linear.scatter [tilespmem:s11], [sflag:$0x2], $0x80, $0x200038;
	[tilespmem:$0x169A8] =	vst v63  }
0x102: {  	_ =	swait.ge [sflag:s25], $0x80  }
0x103: {  	[sflag:s25] =	ssyncset.done $0x0  }
0x104: {  	s4 =	rddreg [dreg:$0x9];
	[sflag:s25] =	ssyncadd.s32 $0xFFFFFF80  }
0x105: {  	[spmem:s4] =	stream.linear.scatter [tilespmem:s13], [sflag:$0x2], $0x80, $0x200038;
	[tilespmem:$0x169A8] =	vst v63  }
0x106: {  	_ =	swait.ge [sflag:s25], $0x80  }
0x107: {  	[sflag:s25] =	ssyncset.done $0x0  }
0x108: {  	[sflag:s25] =	ssyncadd.s32 $0xFFFFFF80  }
0x109: {  	[bflag:$0x0] =	sbarrier.arrive $0xFFFF  }
0x10a: {  	[tilespmem:s31], [sflag:$0x2] =	stream.linear.gather [spmem:s1], $0x800, $0x200038;
	[tilespmem:$0x169A8] =	vst v63  }
0x10b: {  	_ =	swait.ge [sflag:s25], $0x800  }
0x10c: {  	s30 =	sld [smem:$0x7FD];
	_ =	sdelay $0x2  }
0x10d: {  	[sflag:s25] =	ssyncset.done $0x0;
	s7 =	rddreg [dreg:$0x6];
	p0 =	seq.s32 s30, $0x1  }
0x10e: {  	[sflag:s25] =	ssyncadd.s32 $0xFFFFF800;
	s4 =	simm.s32 @!p0 $0x0;
	s6 =	simm.s32 @!p0 $0x3020  }
0x10f: {  	[hbm4b:s7+s4] =	stream.linear.scatter @!p0 [tilespmem:s6], [sflag:$0x2], $0x800, $0x200038;
	[tilespmem:$0x169A8] =	vst v63  }
0x110: {  	s6 =	simm.s32 @!p0 $0x2  }
0x111: {  	_ =	swait.ge @!p0 [sflag:s6], $0x800  }
0x112: {  	[sflag:s6] =	ssyncset.done @!p0 $0x0  }
0x113: {  	[sflag:s6] =	ssyncadd.s32 @!p0 $0xFFFFF800  }
0x114: {  	s7 =	simm.s32 @!p0 $0x4020;
	s9 =	rddreg [dreg:$0x3]  }
0x115: {  	[tilespmem:s7], [sflag:$0x2] =	stream.linear.gather @!p0 [spmem:s9], $0x800, $0x200038;
	[tilespmem:$0x169A8] =	vst v63  }
0x116: {  	_ =	swait.ge @!p0 [sflag:s6], $0x800  }
0x117: {  	[sflag:s6] =	ssyncset.done @!p0 $0x0  }
0x118: {  	s9 =	rddreg [dreg:$0x7];
	[sflag:s6] =	ssyncadd.s32 @!p0 $0xFFFFF800  }
0x119: {  	[hbm4b:s9+s4] =	stream.linear.scatter @!p0 [tilespmem:s7], [sflag:$0x2], $0x800, $0x200038;
	[tilespmem:$0x169A8] =	vst v63  }
0x11a: {  	_ =	swait.ge @!p0 [sflag:s6], $0x800  }
0x11b: {  	[sflag:s6] =	ssyncset.done @!p0 $0x0  }
0x11c: {  	[sflag:s6] =	ssyncadd.s32 @!p0 $0xFFFFF800  }
0x11d: {  	_ =	strace $0x9000004A  }
0x11e: {  	s4 =	simm.s32 $0x0;
	_ =	strace $0x8000004B  }
0x11f: {  	v12 =	vld [tilespmem:s4+$0x800]  }
0x120: {  	v13 =	vld [tilespmem:s4+$0x0];
	_ =	sdelay $0x6  }
0x121: {  	v15 =	vld.idx.msk [tilespmem:v12+s31+$0x0], $0xffff  }
0x122: {  	v16 =	vld.idx.msk [tilespmem:v13+s31+$0x0], $0xffff;
	_ =	sdelay $0x1  }
0x123: {  	s29 =	simm.s32 $0x10  }
0x124: {  	s6 =	simm.s32 $0x80;
	v14 =	vld [tilespmem:s29+$0x800]  }
.LBB2_8:
0x125: {  	p0 =	sne.s32 s6, $0x1FC0;
	v17 =	vld [tilespmem:s29+$0x0]  }
0x126: {  	v15 =	vmul.f32 v15, v16;
	_ =	sdelay $0x1  }
0x127: {  	v15 =	vsub.f32 $0.0e+00, v15  }
0x128: {  	vm0 =	veq.s32 v13, v12;
	v12 =	vmov v14  }
0x129: {  	v15 =	vsel vm0, $0x0, v15;
	v13 =	vmov v17  }
0x12a: {  	[tilespmem:s4+$0x1000] =	vst v15;
	s4 =	smov.u32 s29  }
0x12b: {  	v15 =	vld.idx.msk [tilespmem:v14+s31+$0x0], $0xffff  }
.Ltmp5:
0x12c: {  	v16 =	vld.idx.msk [tilespmem:v17+s31+$0x0], $0xffff;
	(pc) =	sbr.rel @p0 .LBB2_8-.Ltmp5, $3  }
0x12d: {  	_ =	sdelay $0x1  }
0x12e: {  	s29 =	sshra.s32 s6, $0x2  }
0x12f: {  	s6 =	sadd.s32 $0x40, s6;
	v14 =	vld [tilespmem:s29+$0x800]  }
0x130: {  	_ = 	snop  }
0x131: {  	v17 =	vld [tilespmem:s29+$0x0]  }
0x132: {  	v15 =	vmul.f32 v15, v16;
	_ =	sdelay $0x1  }
0x133: {  	v15 =	vsub.f32 $0.0e+00, v15  }
0x134: {  	vm0 =	veq.s32 v13, v12  }
0x135: {  	v12 =	vsel vm0, $0x0, v15  }
0x136: {  	[tilespmem:s4+$0x1000] =	vst v12  }
0x137: {  	v12 =	vld.idx.msk [tilespmem:v14+s31+$0x0], $0xffff  }
0x138: {  	v59 =	vld.idx.msk [tilespmem:v17+s31+$0x0], $0xffff;
	_ =	sdelay $0x4  }
0x139: {  	v12 =	vmul.f32 v12, v59;
	_ =	sdelay $0x1  }
0x13a: {  	v12 =	vsub.f32 $0.0e+00, v12  }
0x13b: {  	vm14 =	veq.s32 v17, v14  }
0x13c: {  	v12 =	vsel vm14, $0x0, v12  }
0x13d: {  	[tilespmem:s29+$0x1000] =	vst v12  }
0x13e: {  	_ =	strace $0x9000004B  }
0x13f: {  	_ =	strace $0x8000004C  }
0x140: {  	[spmem:s14] =	stream.linear.scatter [tilespmem:s0], [sflag:$0x1], $0x2000, $0x200038;
	[tilespmem:$0x169A8] =	vst v63  }
0x141: {  	_ = 	snop  }
0x142: {  	[spmem:s15] =	stream.linear.scatter [tilespmem:s0], [sflag:$0x1], $0x2000, $0x200038;
	[tilespmem:$0x169A8] =	vst v63  }
0x143: {  	_ = 	snop  }
0x144: {  	[spmem:s18] =	stream.linear.scatter [tilespmem:s0], [sflag:$0x1], $0x2000, $0x200038;
	[tilespmem:$0x169A8] =	vst v63  }
0x145: {  	_ = 	snop  }
0x146: {  	[spmem:s19] =	stream.linear.scatter [tilespmem:s0], [sflag:$0x1], $0x2000, $0x200038;
	[tilespmem:$0x169A8] =	vst v63  }
0x147: {  	_ = 	snop  }
0x148: {  	[spmem:s21] =	stream.linear.scatter [tilespmem:s0], [sflag:$0x1], $0x2000, $0x200038;
	[tilespmem:$0x169A8] =	vst v63  }
0x149: {  	_ = 	snop  }
0x14a: {  	[spmem:s22] =	stream.linear.scatter [tilespmem:s0], [sflag:$0x1], $0x2000, $0x200038;
	[tilespmem:$0x169A8] =	vst v63  }
0x14b: {  	_ = 	snop  }
0x14c: {  	[spmem:s23] =	stream.linear.scatter [tilespmem:s0], [sflag:$0x1], $0x2000, $0x200038;
	[tilespmem:$0x169A8] =	vst v63  }
0x14d: {  	_ = 	snop  }
0x14e: {  	[spmem:s24] =	stream.linear.scatter [tilespmem:s0], [sflag:$0x1], $0x2000, $0x200038;
	[tilespmem:$0x169A8] =	vst v63  }
0x14f: {  	_ =	swait.ge [sflag:s28], $0x2000  }
0x150: {  	[sflag:s28] =	ssyncset.done $0x0  }
0x151: {  	[sflag:s28] =	ssyncadd.s32 $0xFFFFE000  }
0x152: {  	_ =	swait.ge [sflag:s28], $0x2000  }
0x153: {  	[sflag:s28] =	ssyncset.done $0x0  }
0x154: {  	[sflag:s28] =	ssyncadd.s32 $0xFFFFE000  }
0x155: {  	_ =	swait.ge [sflag:s28], $0x2000  }
0x156: {  	[sflag:s28] =	ssyncset.done $0x0  }
0x157: {  	[sflag:s28] =	ssyncadd.s32 $0xFFFFE000  }
0x158: {  	_ =	swait.ge [sflag:s28], $0x2000  }
0x159: {  	[sflag:s28] =	ssyncset.done $0x0  }
0x15a: {  	[sflag:s28] =	ssyncadd.s32 $0xFFFFE000  }
0x15b: {  	_ =	swait.ge [sflag:s28], $0x2000  }
0x15c: {  	[sflag:s28] =	ssyncset.done $0x0  }
0x15d: {  	[sflag:s28] =	ssyncadd.s32 $0xFFFFE000  }
0x15e: {  	_ =	swait.ge [sflag:s28], $0x2000  }
0x15f: {  	[sflag:s28] =	ssyncset.done $0x0  }
0x160: {  	[sflag:s28] =	ssyncadd.s32 $0xFFFFE000  }
0x161: {  	_ =	swait.ge [sflag:s28], $0x2000  }
0x162: {  	[sflag:s28] =	ssyncset.done $0x0  }
0x163: {  	[sflag:s28] =	ssyncadd.s32 $0xFFFFE000  }
0x164: {  	_ =	swait.ge [sflag:s28], $0x2000  }
0x165: {  	[sflag:s28] =	ssyncset.done $0x0  }
0x166: {  	[sflag:s28] =	ssyncadd.s32 $0xFFFFE000  }
0x167: {  	_ =	strace $0x9000004C  }
0x168: {  	s30 =	simm.s32 $0x0;
	_ =	strace $0x8000004D  }
0x169: {  	v60 =	vld [tilespmem:s30+$0x0];
	_ =	sdelay $0x4  }
0x16a: {  	vm15 =	vge.s32 v60, v0;
	vm1 =	vlt.s32 v60, v1  }
0x16b: {  	vm0 =	vmand vm15, vm1  }
0x16c: {  	v61 =	vld [tilespmem:s30+$0x800];
	v63 =	vmpcnt.ones.xlane vm0;
	_ =	sdelay $0x1  }
0x16d: {  	(v2sf) =	vpush v63, $0x0  }
0x16e: {  	v62 =	vld [tilespmem:s30+$0x1000];
	_ =	sdelay $0x1  }
0x16f: {  	v12 =	vshll.u32 v60, $0xB;
	v13 =	vadd.s32 v5, v61  }
0x170: {  	s4 =	simm.s32 $0x0;
	v12 =	vadd.s32 v12, v13  }
0x171: {  	[tilespmem:s4+$0x1800] =	vst.msk vm0, v12  }
0x172: {  	s6 =	simm.s32 $0x10;
	s29 =	simm.s32 $0x80;
	[tilespmem:s4+$0x2010] =	vst.msk vm0, v62  }
.LBB2_10:
0x173: {  	p0 =	sne.s32 s29, $0x1FC0;
	v12 =	vld [tilespmem:s6+$0x0];
	_ =	sdelay $0x2  }
0x174: {  	v13 =	vld [tilespmem:s6+$0x800];
	_ =	sdelay $0x1  }
0x175: {  	v14 =	vshll.u32 v12, $0xB;
	vm0 =	vge.s32 v12, v0;
	vm1 =	vlt.s32 v12, v1  }
0x176: {  	v12 =	vld [tilespmem:s6+$0x1000];
	vm0 =	vmand vm0, vm1  }
0x177: {  	v15 =	vmpcnt.ones.xlane vm0  }
0x178: {  	v13 =	vadd.s32 v5, v13;
	s6 =	spop (v2sf)  }
0x179: {  	v13 =	vadd.s32 v14, v13;
	(v2sf) =	vpush v15, $0x0;
	s4 =	sadd.s32 s4, s6  }
0x17a: {  	[tilespmem:s4+$0x1800] =	vst.msk vm0, v13  }
.Ltmp6:
0x17b: {  	[tilespmem:s4+$0x2010] =	vst.msk vm0, v12;
	(pc) =	sbr.rel @p0 .LBB2_10-.Ltmp6, $2  }
0x17c: {  	_ =	sdelay $0x2  }
0x17d: {  	s6 =	sshra.s32 s29, $0x2;
	s29 =	sadd.s32 $0x40, s29  }
0x17e: {  	v12 =	vld [tilespmem:s6+$0x0];
	_ =	sdelay $0x4  }
0x17f: {  	vm0 =	vge.s32 v12, v0;
	vm1 =	vlt.s32 v12, v1  }
0x180: {  	vm0 =	vmand vm0, vm1  }
0x181: {  	v13 =	vmpcnt.ones.xlane vm0;
	_ =	sdelay $0x1  }
0x182: {  	(v2sf) =	vpush v13, $0x0;
	_ =	sdelay $0xd  }
0x183: {  	v63 =	vld [tilespmem:s6+$0x800];
	s7 =	spop (v2sf)  }
0x184: {  	s4 =	sadd.s32 s4, s7;
	s9 =	spop (v2sf)  }
0x185: {  	s29 =	sadd.s32 s4, s9  }
0x186: {  	v14 =	vld [tilespmem:s6+$0x1000];
	s12 =	sadd.s32 $0xFF, s29  }
0x187: {  	s9 =	sadd.s32 $0x10, s29;
	s26 =	sshra.s32 s12, $0x1F  }
0x188: {  	v12 =	vshll.u32 v12, $0xB;
	v13 =	vadd.s32 v5, v63;
	s30 =	sshra.s32 s9, $0x1F;
	s7 =	sshrl.u32 s26, $0x18  }
0x189: {  	v12 =	vadd.s32 v12, v13;
	s30 =	sshrl.u32 s30, $0x1C;
	s6 =	sadd.s32 s7, s12  }
0x18a: {  	[tilespmem:s4+$0x1800] =	vst.msk vm0, v12;
	s7 =	sadd.s32 s30, s9;
	s6 =	sshra.s32 s6, $0x8  }
0x18b: {  	[tilespmem:s4+$0x2010] =	vst.msk vm0, v14;
	s4 =	sshra.s32 s7, $0x4;
	s6 =	sshll.u32 s6, $0x4  }
0x18c: {  	p0 =	sle.s32 s6, s4  }
.Ltmp7:
0x18d: {  	_ = 	snop;
	(pc) =	sbr.rel @p0 .LBB2_14-.Ltmp7, $3  }
0x18e: {  	_ =	sdelay $0x1  }
0x18f: {  	[tilespmem:s29+$0x1800] =	vst v9  }
0x190: {  	[tilespmem:s29+$0x2010] =	vst v7  }
0x191: {  	s6 =	ssub.s32 s6, s4  }
0x192: {  	p0 =	sne.s32 s6, $0x1  }
.Ltmp8:
0x193: {  	s7 =	sshll.u32 s4, $0x6;
	(pc) =	sbr.rel @!p0 .LBB2_14-.Ltmp8, $4  }
0x194: {  	s7 =	sshra.s32 s7, $0x2  }
0x195: {  	s9 =	sadd.s32 $0x1800, s7  }
0x196: {  	s4 =	sadd.s32 $0x2010, s7;
	[tilespmem:s9+$0x0] =	vst v9  }
0x197: {  	s6 =	sadd.s32 $0xFFFFFFFF, s6;
	s7 =	sadd.s32 $0x10, s9;
	[tilespmem:s4+$0x0] =	vst v7  }
.LBB2_13:
0x198: {  	[tilespmem:s7+$0x0] =	vst v9;
	s4 =	sadd.s32 $0x10, s4;
	p0 =	sne.s32 s6, $0x1  }
.Ltmp9:
0x199: {  	s6 =	sadd.s32 $0xFFFFFFFF, s6;
	[tilespmem:s4+$0x0] =	vst v7;
	(pc) =	sbr.rel @p0 .LBB2_13-.Ltmp9, $2  }
0x19a: {  	_ =	sdelay $0x2  }
0x19b: {  	s7 =	sadd.s32 $0x10, s7  }
.LBB2_14:
0x19c: {  	p0 =	slt.s32 s29, $0x1  }
.Ltmp10:
0x19d: {  	_ = 	snop;
	(pc) =	sbr.rel @p0 .LBB2_17-.Ltmp10, $1  }
0x19e: {  	_ =	sdelay $0x3  }
0x19f: {  	v12 =	vld [tilespmem:$0x1800]  }
0x1a0: {  	v13 =	vld [tilespmem:$0x1810]  }
0x1a1: {  	v14 =	vld [tilespmem:$0x1820]  }
0x1a2: {  	v15 =	vld [tilespmem:$0x1830]  }
0x1a3: {  	v16 =	vld [tilespmem:$0x1840]  }
0x1a4: {  	v53 =	vld [tilespmem:$0x1850];
	[tilespmem:$0x2820] =	vst v12  }
0x1a5: {  	v54 =	vld [tilespmem:$0x1860];
	[tilespmem:$0x2830] =	vst v13  }
0x1a6: {  	v55 =	vld [tilespmem:$0x1870];
	[tilespmem:$0x2840] =	vst v14  }
0x1a7: {  	v56 =	vld [tilespmem:$0x1880];
	[tilespmem:$0x2850] =	vst v15  }
0x1a8: {  	v57 =	vld [tilespmem:$0x1890];
	[tilespmem:$0x2860] =	vst v16  }
0x1a9: {  	v58 =	vld [tilespmem:$0x18A0];
	[tilespmem:$0x2870] =	vst v53  }
0x1aa: {  	v59 =	vld [tilespmem:$0x18B0];
	[tilespmem:$0x2880] =	vst v54  }
0x1ab: {  	v60 =	vld [tilespmem:$0x18C0];
	[tilespmem:$0x2890] =	vst v55  }
0x1ac: {  	v61 =	vld [tilespmem:$0x18D0];
	[tilespmem:$0x28A0] =	vst v56  }
0x1ad: {  	v62 =	vld [tilespmem:$0x18E0];
	[tilespmem:$0x28B0] =	vst v57  }
0x1ae: {  	v63 =	vld [tilespmem:$0x18F0];
	p1 =	slt.u32 s29, $0x101;
	[tilespmem:$0x28C0] =	vst v58  }
0x1af: {  	[tilespmem:$0x28D0] =	vst v59;
	v13 =	vld @!p1 [tilespmem:$0x1900]  }
0x1b0: {  	[tilespmem:$0x28E0] =	vst v60;
	v14 =	vld @!p1 [tilespmem:$0x1910]  }
0x1b1: {  	[tilespmem:$0x28F0] =	vst v61;
	v15 =	vld @!p1 [tilespmem:$0x1920]  }
0x1b2: {  	[tilespmem:$0x2900] =	vst v62;
	v16 =	vld @!p1 [tilespmem:$0x1930]  }
0x1b3: {  	[tilespmem:$0x2910] =	vst v63;
	v12 =	vld @!p1 [tilespmem:$0x1940]  }
0x1b4: {  	[tilespmem:$0x2920] =	vst @!p1 v13;
	v13 =	vld @!p1 [tilespmem:$0x1950]  }
0x1b5: {  	[tilespmem:$0x2930] =	vst @!p1 v14;
	v14 =	vld @!p1 [tilespmem:$0x1960]  }
0x1b6: {  	[tilespmem:$0x2940] =	vst @!p1 v15;
	v15 =	vld @!p1 [tilespmem:$0x1970]  }
0x1b7: {  	[tilespmem:$0x2950] =	vst @!p1 v16;
	v16 =	vld @!p1 [tilespmem:$0x1980]  }
0x1b8: {  	[tilespmem:$0x2960] =	vst @!p1 v12;
	v12 =	vld @!p1 [tilespmem:$0x1990]  }
0x1b9: {  	[tilespmem:$0x2970] =	vst @!p1 v13;
	v13 =	vld @!p1 [tilespmem:$0x19A0]  }
0x1ba: {  	[tilespmem:$0x2980] =	vst @!p1 v14;
	v14 =	vld @!p1 [tilespmem:$0x19B0]  }
0x1bb: {  	[tilespmem:$0x2990] =	vst @!p1 v15;
	v15 =	vld @!p1 [tilespmem:$0x19C0]  }
0x1bc: {  	[tilespmem:$0x29A0] =	vst @!p1 v16;
	v16 =	vld @!p1 [tilespmem:$0x19D0]  }
0x1bd: {  	p0 =	slt.u32 @!p1 s29, $0x201;
	[tilespmem:$0x29B0] =	vst @!p1 v12;
	v12 =	vld @!p1 [tilespmem:$0x19E0]  }
0x1be: {  	p2 =	por p1, p0;
	[tilespmem:$0x29C0] =	vst @!p1 v13;
	v13 =	vld @!p1 [tilespmem:$0x19F0]  }
0x1bf: {  	[tilespmem:$0x29D0] =	vst @!p1 v14;
	v14 =	vld @!p2 [tilespmem:$0x1A00]  }
0x1c0: {  	[tilespmem:$0x29E0] =	vst @!p1 v15;
	v15 =	vld @!p2 [tilespmem:$0x1A10]  }
0x1c1: {  	[tilespmem:$0x29F0] =	vst @!p1 v16;
	v16 =	vld @!p2 [tilespmem:$0x1A20]  }
0x1c2: {  	[tilespmem:$0x2A00] =	vst @!p1 v12;
	v12 =	vld @!p2 [tilespmem:$0x1A30]  }
0x1c3: {  	[tilespmem:$0x2A10] =	vst @!p1 v13;
	v13 =	vld @!p2 [tilespmem:$0x1A40]  }
0x1c4: {  	[tilespmem:$0x2A20] =	vst @!p2 v14;
	v14 =	vld @!p2 [tilespmem:$0x1A50]  }
0x1c5: {  	[tilespmem:$0x2A30] =	vst @!p2 v15;
	v15 =	vld @!p2 [tilespmem:$0x1A60]  }
0x1c6: {  	[tilespmem:$0x2A40] =	vst @!p2 v16;
	v16 =	vld @!p2 [tilespmem:$0x1A70]  }
0x1c7: {  	[tilespmem:$0x2A50] =	vst @!p2 v12;
	v12 =	vld @!p2 [tilespmem:$0x1A80]  }
0x1c8: {  	[tilespmem:$0x2A60] =	vst @!p2 v13;
	v13 =	vld @!p2 [tilespmem:$0x1A90]  }
0x1c9: {  	[tilespmem:$0x2A70] =	vst @!p2 v14;
	v14 =	vld @!p2 [tilespmem:$0x1AA0]  }
0x1ca: {  	[tilespmem:$0x2A80] =	vst @!p2 v15;
	v15 =	vld @!p2 [tilespmem:$0x1AB0]  }
0x1cb: {  	[tilespmem:$0x2A90] =	vst @!p2 v16;
	v16 =	vld @!p2 [tilespmem:$0x1AC0]  }
0x1cc: {  	[tilespmem:$0x2AA0] =	vst @!p2 v12;
	v12 =	vld @!p2 [tilespmem:$0x1AD0]  }
0x1cd: {  	p0 =	slt.u32 @!p2 s29, $0x301;
	[tilespmem:$0x2AB0] =	vst @!p2 v13;
	v13 =	vld @!p2 [tilespmem:$0x1AE0]  }
0x1ce: {  	p3 =	por p2, p0;
	[tilespmem:$0x2AC0] =	vst @!p2 v14;
	v14 =	vld @!p2 [tilespmem:$0x1AF0]  }
0x1cf: {  	[tilespmem:$0x2AD0] =	vst @!p2 v15;
	v15 =	vld @!p3 [tilespmem:$0x1B00]  }
0x1d0: {  	[tilespmem:$0x2AE0] =	vst @!p2 v16;
	v16 =	vld @!p3 [tilespmem:$0x1B10]  }
0x1d1: {  	[tilespmem:$0x2AF0] =	vst @!p2 v12;
	v12 =	vld @!p3 [tilespmem:$0x1B20]  }
0x1d2: {  	[tilespmem:$0x2B00] =	vst @!p2 v13;
	v13 =	vld @!p3 [tilespmem:$0x1B30]  }
0x1d3: {  	[tilespmem:$0x2B10] =	vst @!p2 v14;
	v14 =	vld @!p3 [tilespmem:$0x1B40]  }
0x1d4: {  	[tilespmem:$0x2B20] =	vst @!p3 v15;
	v15 =	vld @!p3 [tilespmem:$0x1B50]  }
0x1d5: {  	[tilespmem:$0x2B30] =	vst @!p3 v16;
	v16 =	vld @!p3 [tilespmem:$0x1B60]  }
0x1d6: {  	[tilespmem:$0x2B40] =	vst @!p3 v12;
	v12 =	vld @!p3 [tilespmem:$0x1B70]  }
0x1d7: {  	[tilespmem:$0x2B50] =	vst @!p3 v13;
	v13 =	vld @!p3 [tilespmem:$0x1B80]  }
0x1d8: {  	[tilespmem:$0x2B60] =	vst @!p3 v14;
	v14 =	vld @!p3 [tilespmem:$0x1B90]  }
0x1d9: {  	[tilespmem:$0x2B70] =	vst @!p3 v15;
	v15 =	vld @!p3 [tilespmem:$0x1BA0]  }
0x1da: {  	[tilespmem:$0x2B80] =	vst @!p3 v16;
	v16 =	vld @!p3 [tilespmem:$0x1BB0]  }
0x1db: {  	[tilespmem:$0x2B90] =	vst @!p3 v12;
	v12 =	vld @!p3 [tilespmem:$0x1BC0]  }
0x1dc: {  	[tilespmem:$0x2BA0] =	vst @!p3 v13;
	v13 =	vld @!p3 [tilespmem:$0x1BD0]  }
0x1dd: {  	p0 =	slt.u32 @!p3 s29, $0x401;
	[tilespmem:$0x2BB0] =	vst @!p3 v14;
	v14 =	vld @!p3 [tilespmem:$0x1BE0]  }
0x1de: {  	p4 =	por p3, p0;
	[tilespmem:$0x2BC0] =	vst @!p3 v15;
	v15 =	vld @!p3 [tilespmem:$0x1BF0]  }
0x1df: {  	[tilespmem:$0x2BD0] =	vst @!p3 v16;
	v16 =	vld @!p4 [tilespmem:$0x1C00]  }
0x1e0: {  	[tilespmem:$0x2BE0] =	vst @!p3 v12;
	v12 =	vld @!p4 [tilespmem:$0x1C10]  }
0x1e1: {  	[tilespmem:$0x2BF0] =	vst @!p3 v13;
	v13 =	vld @!p4 [tilespmem:$0x1C20]  }
0x1e2: {  	[tilespmem:$0x2C00] =	vst @!p3 v14;
	v14 =	vld @!p4 [tilespmem:$0x1C30]  }
0x1e3: {  	[tilespmem:$0x2C10] =	vst @!p3 v15;
	v15 =	vld @!p4 [tilespmem:$0x1C40]  }
0x1e4: {  	[tilespmem:$0x2C20] =	vst @!p4 v16;
	v16 =	vld @!p4 [tilespmem:$0x1C50]  }
0x1e5: {  	[tilespmem:$0x2C30] =	vst @!p4 v12;
	v12 =	vld @!p4 [tilespmem:$0x1C60]  }
0x1e6: {  	[tilespmem:$0x2C40] =	vst @!p4 v13;
	v13 =	vld @!p4 [tilespmem:$0x1C70]  }
0x1e7: {  	[tilespmem:$0x2C50] =	vst @!p4 v14;
	v14 =	vld @!p4 [tilespmem:$0x1C80]  }
0x1e8: {  	[tilespmem:$0x2C60] =	vst @!p4 v15;
	v15 =	vld @!p4 [tilespmem:$0x1C90]  }
0x1e9: {  	[tilespmem:$0x2C70] =	vst @!p4 v16;
	v16 =	vld @!p4 [tilespmem:$0x1CA0]  }
0x1ea: {  	[tilespmem:$0x2C80] =	vst @!p4 v12;
	v12 =	vld @!p4 [tilespmem:$0x1CB0]  }
0x1eb: {  	[tilespmem:$0x2C90] =	vst @!p4 v13;
	v13 =	vld @!p4 [tilespmem:$0x1CC0]  }
0x1ec: {  	[tilespmem:$0x2CA0] =	vst @!p4 v14;
	v14 =	vld @!p4 [tilespmem:$0x1CD0]  }
0x1ed: {  	p0 =	slt.u32 @!p4 s29, $0x501;
	[tilespmem:$0x2CB0] =	vst @!p4 v15;
	v15 =	vld @!p4 [tilespmem:$0x1CE0]  }
0x1ee: {  	p5 =	por p4, p0;
	[tilespmem:$0x2CC0] =	vst @!p4 v16;
	v16 =	vld @!p4 [tilespmem:$0x1CF0]  }
0x1ef: {  	[tilespmem:$0x2CD0] =	vst @!p4 v12;
	v12 =	vld @!p5 [tilespmem:$0x1D00]  }
0x1f0: {  	[tilespmem:$0x2CE0] =	vst @!p4 v13;
	v13 =	vld @!p5 [tilespmem:$0x1D10]  }
0x1f1: {  	[tilespmem:$0x2CF0] =	vst @!p4 v14;
	v14 =	vld @!p5 [tilespmem:$0x1D20]  }
0x1f2: {  	[tilespmem:$0x2D00] =	vst @!p4 v15;
	v15 =	vld @!p5 [tilespmem:$0x1D30]  }
0x1f3: {  	[tilespmem:$0x2D10] =	vst @!p4 v16;
	v16 =	vld @!p5 [tilespmem:$0x1D40]  }
0x1f4: {  	[tilespmem:$0x2D20] =	vst @!p5 v12;
	v12 =	vld @!p5 [tilespmem:$0x1D50]  }
0x1f5: {  	[tilespmem:$0x2D30] =	vst @!p5 v13;
	v13 =	vld @!p5 [tilespmem:$0x1D60]  }
0x1f6: {  	[tilespmem:$0x2D40] =	vst @!p5 v14;
	v14 =	vld @!p5 [tilespmem:$0x1D70]  }
0x1f7: {  	[tilespmem:$0x2D50] =	vst @!p5 v15;
	v15 =	vld @!p5 [tilespmem:$0x1D80]  }
0x1f8: {  	[tilespmem:$0x2D60] =	vst @!p5 v16;
	v16 =	vld @!p5 [tilespmem:$0x1D90]  }
0x1f9: {  	[tilespmem:$0x2D70] =	vst @!p5 v12;
	v12 =	vld @!p5 [tilespmem:$0x1DA0]  }
0x1fa: {  	[tilespmem:$0x2D80] =	vst @!p5 v13;
	v13 =	vld @!p5 [tilespmem:$0x1DB0]  }
0x1fb: {  	[tilespmem:$0x2D90] =	vst @!p5 v14;
	v14 =	vld @!p5 [tilespmem:$0x1DC0]  }
0x1fc: {  	[tilespmem:$0x2DA0] =	vst @!p5 v15;
	v15 =	vld @!p5 [tilespmem:$0x1DD0]  }
0x1fd: {  	p0 =	slt.u32 @!p5 s29, $0x601;
	[tilespmem:$0x2DB0] =	vst @!p5 v16;
	v16 =	vld @!p5 [tilespmem:$0x1DE0]  }
0x1fe: {  	p0 =	por p5, p0;
	[tilespmem:$0x2DC0] =	vst @!p5 v12;
	v12 =	vld @!p5 [tilespmem:$0x1DF0]  }
.Ltmp11:
0x1ff: {  	[tilespmem:$0x2DD0] =	vst @!p5 v13;
	(pc) =	sbr.rel @p0 .LBB2_16-.Ltmp11, $4  }
0x200: {  	[tilespmem:$0x2DE0] =	vst @!p5 v14  }
0x201: {  	s4 =	simm.s32 @!p1 $0x0;
	[tilespmem:$0x2DF0] =	vst @!p5 v15  }
0x202: {  	s4 =	simm.s32 @p1 $0x1;
	[tilespmem:$0x2E00] =	vst @!p5 v16  }
0x203: {  	[smem:$0x7FC] =	sst s4;
	[tilespmem:$0x2E10] =	vst @!p5 v12  }
0x204: {  	v12 =	vld [tilespmem:$0x1E00]  }
0x205: {  	v13 =	vld [tilespmem:$0x1E10]  }
0x206: {  	v14 =	vld [tilespmem:$0x1E20]  }
0x207: {  	v15 =	vld [tilespmem:$0x1E30]  }
0x208: {  	v16 =	vld [tilespmem:$0x1E40]  }
0x209: {  	v53 =	vld [tilespmem:$0x1E50];
	[tilespmem:$0x2E20] =	vst v12  }
0x20a: {  	v54 =	vld [tilespmem:$0x1E60];
	[tilespmem:$0x2E30] =	vst v13  }
0x20b: {  	v55 =	vld [tilespmem:$0x1E70];
	[tilespmem:$0x2E40] =	vst v14  }
0x20c: {  	v56 =	vld [tilespmem:$0x1E80];
	[tilespmem:$0x2E50] =	vst v15  }
0x20d: {  	v57 =	vld [tilespmem:$0x1E90];
	[tilespmem:$0x2E60] =	vst v16  }
0x20e: {  	v58 =	vld [tilespmem:$0x1EA0];
	[tilespmem:$0x2E70] =	vst v53  }
0x20f: {  	v59 =	vld [tilespmem:$0x1EB0];
	[tilespmem:$0x2E80] =	vst v54  }
0x210: {  	v60 =	vld [tilespmem:$0x1EC0];
	[tilespmem:$0x2E90] =	vst v55  }
0x211: {  	v61 =	vld [tilespmem:$0x1ED0];
	[tilespmem:$0x2EA0] =	vst v56  }
0x212: {  	v62 =	vld [tilespmem:$0x1EE0];
	[tilespmem:$0x2EB0] =	vst v57  }
0x213: {  	p5 =	slt.u32 s29, $0x701;
	v63 =	vld [tilespmem:$0x1EF0];
	[tilespmem:$0x2EC0] =	vst v58  }
0x214: {  	v12 =	vld @!p5 [tilespmem:$0x1F00];
	[tilespmem:$0x2ED0] =	vst v59  }
0x215: {  	v13 =	vld @!p5 [tilespmem:$0x1F10];
	[tilespmem:$0x2EE0] =	vst v60  }
0x216: {  	v14 =	vld @!p5 [tilespmem:$0x1F20];
	[tilespmem:$0x2EF0] =	vst v61  }
0x217: {  	v15 =	vld @!p5 [tilespmem:$0x1F30];
	[tilespmem:$0x2F00] =	vst v62  }
0x218: {  	v16 =	vld @!p5 [tilespmem:$0x1F40];
	[tilespmem:$0x2F10] =	vst v63  }
0x219: {  	[tilespmem:$0x2F20] =	vst @!p5 v12;
	v12 =	vld @!p5 [tilespmem:$0x1F50]  }
0x21a: {  	[tilespmem:$0x2F30] =	vst @!p5 v13;
	v13 =	vld @!p5 [tilespmem:$0x1F60]  }
0x21b: {  	[tilespmem:$0x2F40] =	vst @!p5 v14;
	v14 =	vld @!p5 [tilespmem:$0x1F70]  }
0x21c: {  	[tilespmem:$0x2F50] =	vst @!p5 v15;
	v15 =	vld @!p5 [tilespmem:$0x1F80]  }
0x21d: {  	[tilespmem:$0x2F60] =	vst @!p5 v16;
	v16 =	vld @!p5 [tilespmem:$0x1F90]  }
0x21e: {  	[tilespmem:$0x2F70] =	vst @!p5 v12;
	v12 =	vld @!p5 [tilespmem:$0x1FA0]  }
0x21f: {  	[tilespmem:$0x2F80] =	vst @!p5 v13;
	v13 =	vld @!p5 [tilespmem:$0x1FB0]  }
0x220: {  	[tilespmem:$0x2F90] =	vst @!p5 v14;
	v14 =	vld @!p5 [tilespmem:$0x1FC0]  }
0x221: {  	[tilespmem:$0x2FA0] =	vst @!p5 v15;
	v15 =	vld @!p5 [tilespmem:$0x1FD0]  }
0x222: {  	p2 =	por $0x1, $0x1;
	p4 =	por @!p5 $0x1, $0x1;
	[tilespmem:$0x2FB0] =	vst @!p5 v16;
	v16 =	vld @!p5 [tilespmem:$0x1FE0]  }
0x223: {  	p0 =	por $0x0, $0x0;
	p1 =	por $0x1, $0x1;
	p2 =	por @!p5 p4, p4;
	[tilespmem:$0x2FC0] =	vst @!p5 v12;
	v12 =	vld @!p5 [tilespmem:$0x1FF0]  }
.Ltmp12:
0x224: {  	p6 =	por $0x1, $0x1;
	s4 =	simm.s32 @!p2 $0x0;
	[tilespmem:$0x2FD0] =	vst @!p5 v13;
	(pc) =	sbr.rel .LBB2_19-.Ltmp12, $4  }
0x225: {  	p3 =	por $0x1, $0x1;
	p1 =	por @!p5 p4, p4;
	s4 =	simm.s32 @p2 $0x1;
	[tilespmem:$0x2FE0] =	vst @!p5 v14  }
0x226: {  	p0 =	por @!p5 p4, p4;
	[smem:$0x7FA] =	sst s4;
	s4 =	simm.s32 @!p1 $0x0;
	[tilespmem:$0x2FF0] =	vst @!p5 v15  }
0x227: {  	p6 =	por @!p5 p4, p4;
	p2 =	por $0x1, $0x1;
	s4 =	simm.s32 @p1 $0x1;
	[tilespmem:$0x3000] =	vst @!p5 v16  }
0x228: {  	p3 =	por @!p5 p4, p4;
	p2 =	por @!p5 p4, p4;
	[smem:$0x7FB] =	sst s4;
	[tilespmem:$0x3010] =	vst @!p5 v12  }
.LBB2_17:
.Ltmp13:
0x229: {  	(pc) =	sbr.rel .LBB2_33-.Ltmp13, $4  }
0x22a: {  	_ = 	snop  }
0x22b: {  	[bflag:$0x0] =	sbarrier.arrive $0xFFFF  }
0x22c: {  	_ =	strace $0x9000004D  }
0x22d: {  	_ =	strace $0x8000004E  }
.LBB2_16:
0x22e: {  	p0 =	por @!p1 $0x0, $0x0;
	p6 =	por $0x0, $0x0  }
0x22f: {  	p6 =	por @!p1 p0, p0  }
0x230: {  	p0 =	por @!p2 $0x0, $0x0;
	p1 =	por p6, p6  }
0x231: {  	p1 =	por @!p2 p0, p0;
	p0 =	por @!p2 $0x1, $0x1  }
0x232: {  	p6 =	por @!p2 p0, p0;
	p2 =	por p1, p1;
	p0 =	por @!p3 $0x0, $0x0  }
0x233: {  	p2 =	por @!p3 p0, p0;
	p0 =	por @!p3 $0x1, $0x1  }
0x234: {  	p1 =	por @!p3 p0, p0  }
0x235: {  	p6 =	por @!p3 p0, p0;
	p3 =	por p2, p2;
	p0 =	por @!p4 $0x0, $0x0  }
0x236: {  	p3 =	por @!p4 p0, p0;
	p0 =	por @!p4 $0x1, $0x1  }
0x237: {  	p1 =	por @!p4 p0, p0;
	p6 =	por @!p4 p0, p0  }
0x238: {  	p2 =	por @!p4 p0, p0;
	p0 =	por @!p5 $0x1, $0x1;
	p4 =	por p3, p3  }
0x239: {  	p4 =	por @!p5 p0, p0  }
0x23a: {  	p1 =	por @!p5 p0, p0;
	p6 =	por @!p5 p0, p0;
	s4 =	simm.s32 @!p4 $0x0  }
0x23b: {  	p2 =	por @!p5 p0, p0;
	p0 =	por @!p5 $0x0, $0x0;
	s4 =	simm.s32 @p4 $0x1  }
0x23c: {  	p4 =	por p3, p3;
	[smem:$0x7FA] =	sst s4;
	s4 =	simm.s32 @!p1 $0x0  }
0x23d: {  	p4 =	por @!p5 p0, p0;
	s4 =	simm.s32 @p1 $0x1  }
0x23e: {  	p3 =	por @!p5 p0, p0;
	p0 =	por p4, p4;
	[smem:$0x7FB] =	sst s4  }
.LBB2_19:
0x23f: {  	[bflag:$0x0] =	sbarrier.arrive $0xFFFF  }
0x240: {  	_ =	strace $0x9000004D  }
0x241: {  	s4 =	simm.s32 $0x2820;
	s6 =	simm.s32 $0x2010;
	_ =	strace $0x8000004E  }
0x242: {  	[spmem:s3] =	stream.indirect.scatter.add.f32 [tilespmem:s6], [sflag:$0x2], $0x1, s4, s2, $0x2000b8;
	[tilespmem:$0x169A8] =	vst v63  }
0x243: {  	_ =	swait.ge [sflag:s25], $0x100  }
0x244: {  	s30 =	sld [smem:$0x7FC];
	_ =	sdelay $0x2  }
0x245: {  	p1 =	seq.s32 s30, $0x1  }
.Ltmp14:
0x246: {  	_ = 	snop;
	(pc) =	sbr.rel @p1 .LBB2_26-.Ltmp14, $3  }
0x247: {  	_ =	sdelay $0x1  }
0x248: {  	[sflag:s25] =	ssyncset.done $0x0  }
0x249: {  	[sflag:s25] =	ssyncadd.s32 $0xFFFFFF00  }
.Ltmp15:
0x24a: {  	s4 =	simm.s32 $0x2920;
	s6 =	simm.s32 $0x2110;
	(pc) =	sbr.rel @p6 .LBB2_27-.Ltmp15, $4  }
0x24b: {  	[spmem:s3] =	stream.indirect.scatter.add.f32 [tilespmem:s6], [sflag:$0x2], $0x1, s4, s2, $0x2000b8;
	[tilespmem:$0x169A8] =	vst v63  }
0x24c: {  	_ =	swait.ge [sflag:s25], $0x100  }
0x24d: {  	[sflag:s25] =	ssyncset.done $0x0  }
0x24e: {  	[sflag:s25] =	ssyncadd.s32 $0xFFFFFF00  }
.LBB2_21:
0x24f: {  	s4 =	sld [smem:$0x7FB];
	_ =	sdelay $0x2  }
0x250: {  	p1 =	seq.s32 s4, $0x1  }
.Ltmp16:
0x251: {  	_ = 	snop;
	(pc) =	sbr.rel @!p1 .LBB2_22-.Ltmp16, $1  }
0x252: {  	_ =	sdelay $0x3  }
.LBB2_28:
.Ltmp17:
0x253: {  	s4 =	simm.s32 $0x2B20;
	s6 =	simm.s32 $0x2310;
	(pc) =	sbr.rel @p2 .LBB2_29-.Ltmp17, $4  }
0x254: {  	[spmem:s3] =	stream.indirect.scatter.add.f32 [tilespmem:s6], [sflag:$0x2], $0x1, s4, s2, $0x2000b8;
	[tilespmem:$0x169A8] =	vst v63  }
0x255: {  	_ =	swait.ge [sflag:s25], $0x100  }
0x256: {  	[sflag:s25] =	ssyncset.done $0x0  }
0x257: {  	[sflag:s25] =	ssyncadd.s32 $0xFFFFFF00  }
.LBB2_23:
0x258: {  	s4 =	sld [smem:$0x7FA];
	_ =	sdelay $0x2  }
0x259: {  	p1 =	seq.s32 s4, $0x1  }
.Ltmp18:
0x25a: {  	_ = 	snop;
	(pc) =	sbr.rel @!p1 .LBB2_24-.Ltmp18, $1  }
0x25b: {  	_ =	sdelay $0x3  }
.LBB2_30:
.Ltmp19:
0x25c: {  	s4 =	simm.s32 $0x2D20;
	s6 =	simm.s32 $0x2510;
	(pc) =	sbr.rel @p3 .LBB2_31-.Ltmp19, $4  }
0x25d: {  	[spmem:s3] =	stream.indirect.scatter.add.f32 [tilespmem:s6], [sflag:$0x2], $0x1, s4, s2, $0x2000b8;
	[tilespmem:$0x169A8] =	vst v63  }
0x25e: {  	_ =	swait.ge [sflag:s25], $0x100  }
0x25f: {  	[sflag:s25] =	ssyncset.done $0x0  }
0x260: {  	[sflag:s25] =	ssyncadd.s32 $0xFFFFFF00  }
.LBB2_25:
.Ltmp20:
0x261: {  	(pc) =	sbr.rel @!p0 .LBB2_33-.Ltmp20, $1  }
0x262: {  	_ =	sdelay $0x3  }
.LBB2_32:
0x263: {  	s4 =	simm.s32 $0x2F20;
	s6 =	simm.s32 $0x2710  }
0x264: {  	[spmem:s3] =	stream.indirect.scatter.add.f32 [tilespmem:s6], [sflag:$0x2], $0x1, s4, s2, $0x2000b8;
	[tilespmem:$0x169A8] =	vst v63  }
0x265: {  	_ =	swait.ge [sflag:s25], $0x100  }
0x266: {  	[sflag:s25] =	ssyncset.done $0x0  }
0x267: {  	[sflag:s25] =	ssyncadd.s32 $0xFFFFFF00  }
.LBB2_33:
0x268: {  	[bflag:$0x0] =	sbarrier.arrive $0xFFFF;
	s4 =	stileid.u32  }
0x269: {  	_ =	strace $0x9000004E;
	s4 =	sshll.u32 s4, $0x6  }
0x26a: {  	s30 =	sshrl.u32 s14, $0x3;
	_ =	strace $0x8000004F;
	s29 =	sor.u32 $0x1C02, s4  }
0x26b: {  	[hbm:s16], [sflag:s29] =	dma.local [spmem:s30], $0x2000  }
0x26c: {  	_ =	swait.ge [sflag:s25], $0x2000  }
0x26d: {  	[sflag:s25] =	ssyncset.done $0x0  }
0x26e: {  	[sflag:s25] =	ssyncadd.s32 $0xFFFFE000  }
0x26f: {  	_ =	strace $0x9000004F  }
0x270: {  	_ =	strace $0x80000050  }
0x271: {  	[spmem:s14] =	stream.linear.scatter [tilespmem:s0], [sflag:$0x1], $0x2000, $0x200038;
	[tilespmem:$0x169A8] =	vst v63  }
0x272: {  	_ = 	snop  }
0x273: {  	[spmem:s15] =	stream.linear.scatter [tilespmem:s0], [sflag:$0x1], $0x2000, $0x200038;
	[tilespmem:$0x169A8] =	vst v63  }
0x274: {  	_ = 	snop  }
0x275: {  	[spmem:s18] =	stream.linear.scatter [tilespmem:s0], [sflag:$0x1], $0x2000, $0x200038;
	[tilespmem:$0x169A8] =	vst v63  }
0x276: {  	_ = 	snop  }
0x277: {  	[spmem:s19] =	stream.linear.scatter [tilespmem:s0], [sflag:$0x1], $0x2000, $0x200038;
	[tilespmem:$0x169A8] =	vst v63  }
0x278: {  	_ = 	snop  }
0x279: {  	[spmem:s21] =	stream.linear.scatter [tilespmem:s0], [sflag:$0x1], $0x2000, $0x200038;
	[tilespmem:$0x169A8] =	vst v63  }
0x27a: {  	_ = 	snop  }
0x27b: {  	[spmem:s22] =	stream.linear.scatter [tilespmem:s0], [sflag:$0x1], $0x2000, $0x200038;
	[tilespmem:$0x169A8] =	vst v63  }
0x27c: {  	_ = 	snop  }
0x27d: {  	[spmem:s23] =	stream.linear.scatter [tilespmem:s0], [sflag:$0x1], $0x2000, $0x200038;
	[tilespmem:$0x169A8] =	vst v63  }
0x27e: {  	_ = 	snop  }
0x27f: {  	[spmem:s24] =	stream.linear.scatter [tilespmem:s0], [sflag:$0x1], $0x2000, $0x200038;
	[tilespmem:$0x169A8] =	vst v63  }
0x280: {  	_ =	swait.ge [sflag:s28], $0x2000  }
0x281: {  	[sflag:s28] =	ssyncset.done $0x0  }
0x282: {  	[sflag:s28] =	ssyncadd.s32 $0xFFFFE000  }
0x283: {  	_ =	swait.ge [sflag:s28], $0x2000  }
0x284: {  	[sflag:s28] =	ssyncset.done $0x0  }
0x285: {  	[sflag:s28] =	ssyncadd.s32 $0xFFFFE000  }
0x286: {  	_ =	swait.ge [sflag:s28], $0x2000  }
0x287: {  	[sflag:s28] =	ssyncset.done $0x0  }
0x288: {  	[sflag:s28] =	ssyncadd.s32 $0xFFFFE000  }
0x289: {  	_ =	swait.ge [sflag:s28], $0x2000  }
0x28a: {  	[sflag:s28] =	ssyncset.done $0x0  }
0x28b: {  	[sflag:s28] =	ssyncadd.s32 $0xFFFFE000  }
0x28c: {  	_ =	swait.ge [sflag:s28], $0x2000  }
0x28d: {  	[sflag:s28] =	ssyncset.done $0x0  }
0x28e: {  	[sflag:s28] =	ssyncadd.s32 $0xFFFFE000  }
0x28f: {  	_ =	swait.ge [sflag:s28], $0x2000  }
0x290: {  	[sflag:s28] =	ssyncset.done $0x0  }
0x291: {  	[sflag:s28] =	ssyncadd.s32 $0xFFFFE000  }
0x292: {  	_ =	swait.ge [sflag:s28], $0x2000  }
0x293: {  	[sflag:s28] =	ssyncset.done $0x0  }
0x294: {  	[sflag:s28] =	ssyncadd.s32 $0xFFFFE000  }
0x295: {  	_ =	swait.ge [sflag:s28], $0x2000  }
0x296: {  	[sflag:s28] =	ssyncset.done $0x0  }
0x297: {  	[sflag:s28] =	ssyncadd.s32 $0xFFFFE000  }
0x298: {  	_ =	strace $0x90000050  }
0x299: {  	s26 =	simm.s32 $0x0;
	_ =	strace $0x80000051  }
0x29a: {  	v12 =	vld [tilespmem:s26+$0x0];
	_ =	sdelay $0x4  }
0x29b: {  	vm0 =	vge.s32 v12, v2;
	vm1 =	vlt.s32 v12, v3  }
0x29c: {  	vm0 =	vmand vm0, vm1  }
0x29d: {  	v13 =	vld [tilespmem:s26+$0x800];
	v15 =	vmpcnt.ones.xlane vm0;
	_ =	sdelay $0x1  }
0x29e: {  	(v2sf) =	vpush v15, $0x0  }
0x29f: {  	v14 =	vld [tilespmem:s26+$0x1000];
	_ =	sdelay $0x1  }
0x2a0: {  	v12 =	vshll.u32 v12, $0xB;
	v13 =	vadd.s32 v6, v13  }
0x2a1: {  	s4 =	simm.s32 $0x0;
	v12 =	vadd.s32 v12, v13  }
0x2a2: {  	[tilespmem:s4+$0x1800] =	vst.msk vm0, v12  }
0x2a3: {  	s7 =	simm.s32 $0x10;
	s6 =	simm.s32 $0x80;
	[tilespmem:s4+$0x2010] =	vst.msk vm0, v14  }
.LBB2_34:
0x2a4: {  	p0 =	sne.s32 s6, $0x1FC0;
	v12 =	vld [tilespmem:s7+$0x0];
	_ =	sdelay $0x2  }
0x2a5: {  	v13 =	vld [tilespmem:s7+$0x800];
	_ =	sdelay $0x1  }
0x2a6: {  	v14 =	vshll.u32 v12, $0xB;
	vm0 =	vge.s32 v12, v2;
	vm1 =	vlt.s32 v12, v3  }
0x2a7: {  	v12 =	vld [tilespmem:s7+$0x1000];
	vm0 =	vmand vm0, vm1  }
0x2a8: {  	v15 =	vmpcnt.ones.xlane vm0  }
0x2a9: {  	v13 =	vadd.s32 v6, v13;
	s7 =	spop (v2sf)  }
0x2aa: {  	v13 =	vadd.s32 v14, v13;
	(v2sf) =	vpush v15, $0x0;
	s4 =	sadd.s32 s4, s7  }
0x2ab: {  	[tilespmem:s4+$0x1800] =	vst.msk vm0, v13  }
.Ltmp21:
0x2ac: {  	[tilespmem:s4+$0x2010] =	vst.msk vm0, v12;
	(pc) =	sbr.rel @p0 .LBB2_34-.Ltmp21, $2  }
0x2ad: {  	_ =	sdelay $0x2  }
0x2ae: {  	s7 =	sshra.s32 s6, $0x2;
	s6 =	sadd.s32 $0x40, s6  }
0x2af: {  	v12 =	vld [tilespmem:s7+$0x0];
	_ =	sdelay $0x4  }
0x2b0: {  	vm0 =	vge.s32 v12, v2;
	vm1 =	vlt.s32 v12, v3  }
0x2b1: {  	vm0 =	vmand vm0, vm1  }
0x2b2: {  	v13 =	vmpcnt.ones.xlane vm0;
	_ =	sdelay $0x1  }
0x2b3: {  	(v2sf) =	vpush v13, $0x0;
	_ =	sdelay $0xd  }
0x2b4: {  	v63 =	vld [tilespmem:s7+$0x800];
	s6 =	spop (v2sf)  }
0x2b5: {  	s6 =	sadd.s32 s4, s6;
	s12 =	spop (v2sf)  }
0x2b6: {  	s4 =	sadd.s32 s6, s12  }
0x2b7: {  	v14 =	vld [tilespmem:s7+$0x1000];
	s7 =	sadd.s32 $0xFF, s4  }
0x2b8: {  	s12 =	sadd.s32 $0x10, s4;
	s9 =	sshra.s32 s7, $0x1F  }
0x2b9: {  	v12 =	vshll.u32 v12, $0xB;
	v13 =	vadd.s32 v6, v63;
	s26 =	sshra.s32 s12, $0x1F;
	s9 =	sshrl.u32 s9, $0x18  }
0x2ba: {  	v12 =	vadd.s32 v12, v13;
	s26 =	sshrl.u32 s26, $0x1C;
	s7 =	sadd.s32 s9, s7  }
0x2bb: {  	[tilespmem:s6+$0x1800] =	vst.msk vm0, v12;
	s9 =	sadd.s32 s26, s12;
	s7 =	sshra.s32 s7, $0x8  }
0x2bc: {  	[tilespmem:s6+$0x2010] =	vst.msk vm0, v14;
	s6 =	sshra.s32 s9, $0x4;
	s7 =	sshll.u32 s7, $0x4  }
0x2bd: {  	p0 =	sle.s32 s7, s6  }
.Ltmp22:
0x2be: {  	_ = 	snop;
	(pc) =	sbr.rel @p0 .LBB2_38-.Ltmp22, $3  }
0x2bf: {  	_ =	sdelay $0x1  }
0x2c0: {  	[tilespmem:s4+$0x1800] =	vst v9  }
0x2c1: {  	[tilespmem:s4+$0x2010] =	vst v7  }
0x2c2: {  	s7 =	ssub.s32 s7, s6  }
0x2c3: {  	p0 =	sne.s32 s7, $0x1  }
.Ltmp23:
0x2c4: {  	s9 =	sshll.u32 s6, $0x6;
	(pc) =	sbr.rel @!p0 .LBB2_38-.Ltmp23, $4  }
0x2c5: {  	s9 =	sshra.s32 s9, $0x2  }
0x2c6: {  	s12 =	sadd.s32 $0x1800, s9  }
0x2c7: {  	s6 =	sadd.s32 $0x2010, s9;
	[tilespmem:s12+$0x0] =	vst v9  }
0x2c8: {  	s7 =	sadd.s32 $0xFFFFFFFF, s7;
	s9 =	sadd.s32 $0x10, s12;
	[tilespmem:s6+$0x0] =	vst v7  }
.LBB2_37:
0x2c9: {  	[tilespmem:s9+$0x0] =	vst v9;
	s6 =	sadd.s32 $0x10, s6;
	p0 =	sne.s32 s7, $0x1  }
.Ltmp24:
0x2ca: {  	s7 =	sadd.s32 $0xFFFFFFFF, s7;
	[tilespmem:s6+$0x0] =	vst v7;
	(pc) =	sbr.rel @p0 .LBB2_37-.Ltmp24, $2  }
0x2cb: {  	_ =	sdelay $0x2  }
0x2cc: {  	s9 =	sadd.s32 $0x10, s9  }
.LBB2_38:
0x2cd: {  	p0 =	slt.s32 s4, $0x1  }
.Ltmp25:
0x2ce: {  	_ = 	snop;
	(pc) =	sbr.rel @p0 .LBB2_41-.Ltmp25, $1  }
0x2cf: {  	_ =	sdelay $0x3  }
0x2d0: {  	v12 =	vld [tilespmem:$0x1800]  }
0x2d1: {  	v13 =	vld [tilespmem:$0x1810]  }
0x2d2: {  	v14 =	vld [tilespmem:$0x1820]  }
0x2d3: {  	v15 =	vld [tilespmem:$0x1830]  }
0x2d4: {  	v16 =	vld [tilespmem:$0x1840]  }
0x2d5: {  	v53 =	vld [tilespmem:$0x1850];
	[tilespmem:$0x2820] =	vst v12  }
0x2d6: {  	v54 =	vld [tilespmem:$0x1860];
	[tilespmem:$0x2830] =	vst v13  }
0x2d7: {  	v55 =	vld [tilespmem:$0x1870];
	[tilespmem:$0x2840] =	vst v14  }
0x2d8: {  	v56 =	vld [tilespmem:$0x1880];
	[tilespmem:$0x2850] =	vst v15  }
0x2d9: {  	v57 =	vld [tilespmem:$0x1890];
	[tilespmem:$0x2860] =	vst v16  }
0x2da: {  	v58 =	vld [tilespmem:$0x18A0];
	[tilespmem:$0x2870] =	vst v53  }
0x2db: {  	v59 =	vld [tilespmem:$0x18B0];
	[tilespmem:$0x2880] =	vst v54  }
0x2dc: {  	v60 =	vld [tilespmem:$0x18C0];
	[tilespmem:$0x2890] =	vst v55  }
0x2dd: {  	v61 =	vld [tilespmem:$0x18D0];
	[tilespmem:$0x28A0] =	vst v56  }
0x2de: {  	v62 =	vld [tilespmem:$0x18E0];
	[tilespmem:$0x28B0] =	vst v57  }
0x2df: {  	v63 =	vld [tilespmem:$0x18F0];
	p1 =	slt.u32 s4, $0x101;
	[tilespmem:$0x28C0] =	vst v58  }
0x2e0: {  	[tilespmem:$0x28D0] =	vst v59;
	v13 =	vld @!p1 [tilespmem:$0x1900]  }
0x2e1: {  	[tilespmem:$0x28E0] =	vst v60;
	v14 =	vld @!p1 [tilespmem:$0x1910]  }
0x2e2: {  	[tilespmem:$0x28F0] =	vst v61;
	v15 =	vld @!p1 [tilespmem:$0x1920]  }
0x2e3: {  	[tilespmem:$0x2900] =	vst v62;
	v16 =	vld @!p1 [tilespmem:$0x1930]  }
0x2e4: {  	[tilespmem:$0x2910] =	vst v63;
	v12 =	vld @!p1 [tilespmem:$0x1940]  }
0x2e5: {  	[tilespmem:$0x2920] =	vst @!p1 v13;
	v13 =	vld @!p1 [tilespmem:$0x1950]  }
0x2e6: {  	[tilespmem:$0x2930] =	vst @!p1 v14;
	v14 =	vld @!p1 [tilespmem:$0x1960]  }
0x2e7: {  	[tilespmem:$0x2940] =	vst @!p1 v15;
	v15 =	vld @!p1 [tilespmem:$0x1970]  }
0x2e8: {  	[tilespmem:$0x2950] =	vst @!p1 v16;
	v16 =	vld @!p1 [tilespmem:$0x1980]  }
0x2e9: {  	[tilespmem:$0x2960] =	vst @!p1 v12;
	v12 =	vld @!p1 [tilespmem:$0x1990]  }
0x2ea: {  	[tilespmem:$0x2970] =	vst @!p1 v13;
	v13 =	vld @!p1 [tilespmem:$0x19A0]  }
0x2eb: {  	[tilespmem:$0x2980] =	vst @!p1 v14;
	v14 =	vld @!p1 [tilespmem:$0x19B0]  }
0x2ec: {  	[tilespmem:$0x2990] =	vst @!p1 v15;
	v15 =	vld @!p1 [tilespmem:$0x19C0]  }
0x2ed: {  	[tilespmem:$0x29A0] =	vst @!p1 v16;
	v16 =	vld @!p1 [tilespmem:$0x19D0]  }
0x2ee: {  	p0 =	slt.u32 @!p1 s4, $0x201;
	[tilespmem:$0x29B0] =	vst @!p1 v12;
	v12 =	vld @!p1 [tilespmem:$0x19E0]  }
0x2ef: {  	p2 =	por p1, p0;
	[tilespmem:$0x29C0] =	vst @!p1 v13;
	v13 =	vld @!p1 [tilespmem:$0x19F0]  }
0x2f0: {  	[tilespmem:$0x29D0] =	vst @!p1 v14;
	v14 =	vld @!p2 [tilespmem:$0x1A00]  }
0x2f1: {  	[tilespmem:$0x29E0] =	vst @!p1 v15;
	v15 =	vld @!p2 [tilespmem:$0x1A10]  }
0x2f2: {  	[tilespmem:$0x29F0] =	vst @!p1 v16;
	v16 =	vld @!p2 [tilespmem:$0x1A20]  }
0x2f3: {  	[tilespmem:$0x2A00] =	vst @!p1 v12;
	v12 =	vld @!p2 [tilespmem:$0x1A30]  }
0x2f4: {  	[tilespmem:$0x2A10] =	vst @!p1 v13;
	v13 =	vld @!p2 [tilespmem:$0x1A40]  }
0x2f5: {  	[tilespmem:$0x2A20] =	vst @!p2 v14;
	v14 =	vld @!p2 [tilespmem:$0x1A50]  }
0x2f6: {  	[tilespmem:$0x2A30] =	vst @!p2 v15;
	v15 =	vld @!p2 [tilespmem:$0x1A60]  }
0x2f7: {  	[tilespmem:$0x2A40] =	vst @!p2 v16;
	v16 =	vld @!p2 [tilespmem:$0x1A70]  }
0x2f8: {  	[tilespmem:$0x2A50] =	vst @!p2 v12;
	v12 =	vld @!p2 [tilespmem:$0x1A80]  }
0x2f9: {  	[tilespmem:$0x2A60] =	vst @!p2 v13;
	v13 =	vld @!p2 [tilespmem:$0x1A90]  }
0x2fa: {  	[tilespmem:$0x2A70] =	vst @!p2 v14;
	v14 =	vld @!p2 [tilespmem:$0x1AA0]  }
0x2fb: {  	[tilespmem:$0x2A80] =	vst @!p2 v15;
	v15 =	vld @!p2 [tilespmem:$0x1AB0]  }
0x2fc: {  	[tilespmem:$0x2A90] =	vst @!p2 v16;
	v16 =	vld @!p2 [tilespmem:$0x1AC0]  }
0x2fd: {  	[tilespmem:$0x2AA0] =	vst @!p2 v12;
	v12 =	vld @!p2 [tilespmem:$0x1AD0]  }
0x2fe: {  	p0 =	slt.u32 @!p2 s4, $0x301;
	[tilespmem:$0x2AB0] =	vst @!p2 v13;
	v13 =	vld @!p2 [tilespmem:$0x1AE0]  }
0x2ff: {  	p3 =	por p2, p0;
	[tilespmem:$0x2AC0] =	vst @!p2 v14;
	v14 =	vld @!p2 [tilespmem:$0x1AF0]  }
0x300: {  	[tilespmem:$0x2AD0] =	vst @!p2 v15;
	v15 =	vld @!p3 [tilespmem:$0x1B00]  }
0x301: {  	[tilespmem:$0x2AE0] =	vst @!p2 v16;
	v16 =	vld @!p3 [tilespmem:$0x1B10]  }
0x302: {  	[tilespmem:$0x2AF0] =	vst @!p2 v12;
	v12 =	vld @!p3 [tilespmem:$0x1B20]  }
0x303: {  	[tilespmem:$0x2B00] =	vst @!p2 v13;
	v13 =	vld @!p3 [tilespmem:$0x1B30]  }
0x304: {  	[tilespmem:$0x2B10] =	vst @!p2 v14;
	v14 =	vld @!p3 [tilespmem:$0x1B40]  }
0x305: {  	[tilespmem:$0x2B20] =	vst @!p3 v15;
	v15 =	vld @!p3 [tilespmem:$0x1B50]  }
0x306: {  	[tilespmem:$0x2B30] =	vst @!p3 v16;
	v16 =	vld @!p3 [tilespmem:$0x1B60]  }
0x307: {  	[tilespmem:$0x2B40] =	vst @!p3 v12;
	v12 =	vld @!p3 [tilespmem:$0x1B70]  }
0x308: {  	[tilespmem:$0x2B50] =	vst @!p3 v13;
	v13 =	vld @!p3 [tilespmem:$0x1B80]  }
0x309: {  	[tilespmem:$0x2B60] =	vst @!p3 v14;
	v14 =	vld @!p3 [tilespmem:$0x1B90]  }
0x30a: {  	[tilespmem:$0x2B70] =	vst @!p3 v15;
	v15 =	vld @!p3 [tilespmem:$0x1BA0]  }
0x30b: {  	[tilespmem:$0x2B80] =	vst @!p3 v16;
	v16 =	vld @!p3 [tilespmem:$0x1BB0]  }
0x30c: {  	[tilespmem:$0x2B90] =	vst @!p3 v12;
	v12 =	vld @!p3 [tilespmem:$0x1BC0]  }
0x30d: {  	[tilespmem:$0x2BA0] =	vst @!p3 v13;
	v13 =	vld @!p3 [tilespmem:$0x1BD0]  }
0x30e: {  	p0 =	slt.u32 @!p3 s4, $0x401;
	[tilespmem:$0x2BB0] =	vst @!p3 v14;
	v14 =	vld @!p3 [tilespmem:$0x1BE0]  }
0x30f: {  	p4 =	por p3, p0;
	[tilespmem:$0x2BC0] =	vst @!p3 v15;
	v15 =	vld @!p3 [tilespmem:$0x1BF0]  }
0x310: {  	[tilespmem:$0x2BD0] =	vst @!p3 v16;
	v16 =	vld @!p4 [tilespmem:$0x1C00]  }
0x311: {  	[tilespmem:$0x2BE0] =	vst @!p3 v12;
	v12 =	vld @!p4 [tilespmem:$0x1C10]  }
0x312: {  	[tilespmem:$0x2BF0] =	vst @!p3 v13;
	v13 =	vld @!p4 [tilespmem:$0x1C20]  }
0x313: {  	[tilespmem:$0x2C00] =	vst @!p3 v14;
	v14 =	vld @!p4 [tilespmem:$0x1C30]  }
0x314: {  	[tilespmem:$0x2C10] =	vst @!p3 v15;
	v15 =	vld @!p4 [tilespmem:$0x1C40]  }
0x315: {  	[tilespmem:$0x2C20] =	vst @!p4 v16;
	v16 =	vld @!p4 [tilespmem:$0x1C50]  }
0x316: {  	[tilespmem:$0x2C30] =	vst @!p4 v12;
	v12 =	vld @!p4 [tilespmem:$0x1C60]  }
0x317: {  	[tilespmem:$0x2C40] =	vst @!p4 v13;
	v13 =	vld @!p4 [tilespmem:$0x1C70]  }
0x318: {  	[tilespmem:$0x2C50] =	vst @!p4 v14;
	v14 =	vld @!p4 [tilespmem:$0x1C80]  }
0x319: {  	[tilespmem:$0x2C60] =	vst @!p4 v15;
	v15 =	vld @!p4 [tilespmem:$0x1C90]  }
0x31a: {  	[tilespmem:$0x2C70] =	vst @!p4 v16;
	v16 =	vld @!p4 [tilespmem:$0x1CA0]  }
0x31b: {  	[tilespmem:$0x2C80] =	vst @!p4 v12;
	v12 =	vld @!p4 [tilespmem:$0x1CB0]  }
0x31c: {  	[tilespmem:$0x2C90] =	vst @!p4 v13;
	v13 =	vld @!p4 [tilespmem:$0x1CC0]  }
0x31d: {  	[tilespmem:$0x2CA0] =	vst @!p4 v14;
	v14 =	vld @!p4 [tilespmem:$0x1CD0]  }
0x31e: {  	p0 =	slt.u32 @!p4 s4, $0x501;
	[tilespmem:$0x2CB0] =	vst @!p4 v15;
	v15 =	vld @!p4 [tilespmem:$0x1CE0]  }
0x31f: {  	p5 =	por p4, p0;
	[tilespmem:$0x2CC0] =	vst @!p4 v16;
	v16 =	vld @!p4 [tilespmem:$0x1CF0]  }
0x320: {  	[tilespmem:$0x2CD0] =	vst @!p4 v12;
	v12 =	vld @!p5 [tilespmem:$0x1D00]  }
0x321: {  	[tilespmem:$0x2CE0] =	vst @!p4 v13;
	v13 =	vld @!p5 [tilespmem:$0x1D10]  }
0x322: {  	[tilespmem:$0x2CF0] =	vst @!p4 v14;
	v14 =	vld @!p5 [tilespmem:$0x1D20]  }
0x323: {  	[tilespmem:$0x2D00] =	vst @!p4 v15;
	v15 =	vld @!p5 [tilespmem:$0x1D30]  }
0x324: {  	[tilespmem:$0x2D10] =	vst @!p4 v16;
	v16 =	vld @!p5 [tilespmem:$0x1D40]  }
0x325: {  	[tilespmem:$0x2D20] =	vst @!p5 v12;
	v12 =	vld @!p5 [tilespmem:$0x1D50]  }
0x326: {  	[tilespmem:$0x2D30] =	vst @!p5 v13;
	v13 =	vld @!p5 [tilespmem:$0x1D60]  }
0x327: {  	[tilespmem:$0x2D40] =	vst @!p5 v14;
	v14 =	vld @!p5 [tilespmem:$0x1D70]  }
0x328: {  	[tilespmem:$0x2D50] =	vst @!p5 v15;
	v15 =	vld @!p5 [tilespmem:$0x1D80]  }
0x329: {  	[tilespmem:$0x2D60] =	vst @!p5 v16;
	v16 =	vld @!p5 [tilespmem:$0x1D90]  }
0x32a: {  	[tilespmem:$0x2D70] =	vst @!p5 v12;
	v12 =	vld @!p5 [tilespmem:$0x1DA0]  }
0x32b: {  	[tilespmem:$0x2D80] =	vst @!p5 v13;
	v13 =	vld @!p5 [tilespmem:$0x1DB0]  }
0x32c: {  	[tilespmem:$0x2D90] =	vst @!p5 v14;
	v14 =	vld @!p5 [tilespmem:$0x1DC0]  }
0x32d: {  	[tilespmem:$0x2DA0] =	vst @!p5 v15;
	v15 =	vld @!p5 [tilespmem:$0x1DD0]  }
0x32e: {  	p0 =	slt.u32 @!p5 s4, $0x601;
	[tilespmem:$0x2DB0] =	vst @!p5 v16;
	v16 =	vld @!p5 [tilespmem:$0x1DE0]  }
0x32f: {  	p0 =	por p5, p0;
	[tilespmem:$0x2DC0] =	vst @!p5 v12;
	v12 =	vld @!p5 [tilespmem:$0x1DF0]  }
.Ltmp26:
0x330: {  	[tilespmem:$0x2DD0] =	vst @!p5 v13;
	(pc) =	sbr.rel @p0 .LBB2_40-.Ltmp26, $4  }
0x331: {  	[tilespmem:$0x2DE0] =	vst @!p5 v14  }
0x332: {  	s6 =	simm.s32 @!p1 $0x0;
	[tilespmem:$0x2DF0] =	vst @!p5 v15  }
0x333: {  	s6 =	simm.s32 @p1 $0x1;
	[tilespmem:$0x2E00] =	vst @!p5 v16  }
0x334: {  	s12 =	simm.s32 $0x800;
	[smem:$0x7F9] =	sst s6;
	[tilespmem:$0x2E10] =	vst @!p5 v12  }
0x335: {  	v12 =	vld [tilespmem:$0x1E00]  }
0x336: {  	v13 =	vld [tilespmem:$0x1E10]  }
0x337: {  	v14 =	vld [tilespmem:$0x1E20]  }
0x338: {  	v15 =	vld [tilespmem:$0x1E30]  }
0x339: {  	v16 =	vld [tilespmem:$0x1E40]  }
0x33a: {  	v53 =	vld [tilespmem:$0x1E50];
	[tilespmem:$0x2E20] =	vst v12  }
0x33b: {  	v54 =	vld [tilespmem:$0x1E60];
	[tilespmem:$0x2E30] =	vst v13  }
0x33c: {  	v55 =	vld [tilespmem:$0x1E70];
	[tilespmem:$0x2E40] =	vst v14  }
0x33d: {  	v56 =	vld [tilespmem:$0x1E80];
	[tilespmem:$0x2E50] =	vst v15  }
0x33e: {  	v57 =	vld [tilespmem:$0x1E90];
	[tilespmem:$0x2E60] =	vst v16  }
0x33f: {  	v58 =	vld [tilespmem:$0x1EA0];
	[tilespmem:$0x2E70] =	vst v53  }
0x340: {  	v59 =	vld [tilespmem:$0x1EB0];
	[tilespmem:$0x2E80] =	vst v54  }
0x341: {  	v60 =	vld [tilespmem:$0x1EC0];
	[tilespmem:$0x2E90] =	vst v55  }
0x342: {  	v61 =	vld [tilespmem:$0x1ED0];
	[tilespmem:$0x2EA0] =	vst v56  }
0x343: {  	v62 =	vld [tilespmem:$0x1EE0];
	[tilespmem:$0x2EB0] =	vst v57  }
0x344: {  	p5 =	slt.u32 s4, $0x701;
	v63 =	vld [tilespmem:$0x1EF0];
	[tilespmem:$0x2EC0] =	vst v58  }
0x345: {  	v12 =	vld @!p5 [tilespmem:$0x1F00];
	[tilespmem:$0x2ED0] =	vst v59  }
0x346: {  	v13 =	vld @!p5 [tilespmem:$0x1F10];
	[tilespmem:$0x2EE0] =	vst v60  }
0x347: {  	v14 =	vld @!p5 [tilespmem:$0x1F20];
	[tilespmem:$0x2EF0] =	vst v61  }
0x348: {  	v15 =	vld @!p5 [tilespmem:$0x1F30];
	[tilespmem:$0x2F00] =	vst v62  }
0x349: {  	v16 =	vld @!p5 [tilespmem:$0x1F40];
	[tilespmem:$0x2F10] =	vst v63  }
0x34a: {  	[tilespmem:$0x2F20] =	vst @!p5 v12;
	v12 =	vld @!p5 [tilespmem:$0x1F50]  }
0x34b: {  	[tilespmem:$0x2F30] =	vst @!p5 v13;
	v13 =	vld @!p5 [tilespmem:$0x1F60]  }
0x34c: {  	[tilespmem:$0x2F40] =	vst @!p5 v14;
	v14 =	vld @!p5 [tilespmem:$0x1F70]  }
0x34d: {  	[tilespmem:$0x2F50] =	vst @!p5 v15;
	v15 =	vld @!p5 [tilespmem:$0x1F80]  }
0x34e: {  	[tilespmem:$0x2F60] =	vst @!p5 v16;
	v16 =	vld @!p5 [tilespmem:$0x1F90]  }
0x34f: {  	[tilespmem:$0x2F70] =	vst @!p5 v12;
	v12 =	vld @!p5 [tilespmem:$0x1FA0]  }
0x350: {  	[tilespmem:$0x2F80] =	vst @!p5 v13;
	v13 =	vld @!p5 [tilespmem:$0x1FB0]  }
0x351: {  	[tilespmem:$0x2F90] =	vst @!p5 v14;
	v14 =	vld @!p5 [tilespmem:$0x1FC0]  }
0x352: {  	[tilespmem:$0x2FA0] =	vst @!p5 v15;
	v15 =	vld @!p5 [tilespmem:$0x1FD0]  }
0x353: {  	p2 =	por $0x1, $0x1;
	p4 =	por @!p5 $0x1, $0x1;
	[tilespmem:$0x2FB0] =	vst @!p5 v16;
	v16 =	vld @!p5 [tilespmem:$0x1FE0]  }
0x354: {  	p0 =	por $0x0, $0x0;
	p1 =	por $0x1, $0x1;
	p2 =	por @!p5 p4, p4;
	[tilespmem:$0x2FC0] =	vst @!p5 v12;
	v12 =	vld @!p5 [tilespmem:$0x1FF0]  }
.Ltmp27:
0x355: {  	p6 =	por $0x1, $0x1;
	s4 =	simm.s32 @!p2 $0x0;
	[tilespmem:$0x2FD0] =	vst @!p5 v13;
	(pc) =	sbr.rel .LBB2_43-.Ltmp27, $4  }
0x356: {  	p3 =	por $0x1, $0x1;
	p1 =	por @!p5 p4, p4;
	s4 =	simm.s32 @p2 $0x1;
	[tilespmem:$0x2FE0] =	vst @!p5 v14  }
0x357: {  	p0 =	por @!p5 p4, p4;
	[smem:$0x7F7] =	sst s4;
	s4 =	simm.s32 @!p1 $0x0;
	[tilespmem:$0x2FF0] =	vst @!p5 v15  }
0x358: {  	p6 =	por @!p5 p4, p4;
	p2 =	por $0x1, $0x1;
	s4 =	simm.s32 @p1 $0x1;
	[tilespmem:$0x3000] =	vst @!p5 v16  }
0x359: {  	p3 =	por @!p5 p4, p4;
	p2 =	por @!p5 p4, p4;
	[smem:$0x7F8] =	sst s4;
	[tilespmem:$0x3010] =	vst @!p5 v12  }
.LBB2_26:
.Ltmp28:
0x35a: {  	(pc) =	sbr.rel @!p6 .LBB2_21-.Ltmp28, $1  }
0x35b: {  	_ =	sdelay $0x3  }
.LBB2_27:
0x35c: {  	s4 =	simm.s32 $0x2A20;
	s6 =	simm.s32 $0x2210  }
0x35d: {  	[spmem:s3] =	stream.indirect.scatter.add.f32 [tilespmem:s6], [sflag:$0x2], $0x1, s4, s2, $0x2000b8;
	[tilespmem:$0x169A8] =	vst v63  }
0x35e: {  	_ =	swait.ge [sflag:s25], $0x100  }
0x35f: {  	s30 =	sld [smem:$0x7FB];
	_ =	sdelay $0x2  }
0x360: {  	p1 =	seq.s32 s30, $0x1  }
.Ltmp29:
0x361: {  	_ = 	snop;
	(pc) =	sbr.rel @p1 .LBB2_28-.Ltmp29, $3  }
0x362: {  	_ =	sdelay $0x1  }
0x363: {  	[sflag:s25] =	ssyncset.done $0x0  }
0x364: {  	[sflag:s25] =	ssyncadd.s32 $0xFFFFFF00  }
.LBB2_22:
.Ltmp30:
0x365: {  	(pc) =	sbr.rel @!p2 .LBB2_23-.Ltmp30, $1  }
0x366: {  	_ =	sdelay $0x3  }
.LBB2_29:
0x367: {  	s4 =	simm.s32 $0x2C20;
	s6 =	simm.s32 $0x2410  }
0x368: {  	[spmem:s3] =	stream.indirect.scatter.add.f32 [tilespmem:s6], [sflag:$0x2], $0x1, s4, s2, $0x2000b8;
	[tilespmem:$0x169A8] =	vst v63  }
0x369: {  	_ =	swait.ge [sflag:s25], $0x100  }
0x36a: {  	s30 =	sld [smem:$0x7FA];
	_ =	sdelay $0x2  }
0x36b: {  	p1 =	seq.s32 s30, $0x1  }
.Ltmp31:
0x36c: {  	_ = 	snop;
	(pc) =	sbr.rel @p1 .LBB2_30-.Ltmp31, $3  }
0x36d: {  	_ =	sdelay $0x1  }
0x36e: {  	[sflag:s25] =	ssyncset.done $0x0  }
0x36f: {  	[sflag:s25] =	ssyncadd.s32 $0xFFFFFF00  }
.LBB2_24:
.Ltmp32:
0x370: {  	(pc) =	sbr.rel @!p3 .LBB2_25-.Ltmp32, $1  }
0x371: {  	_ =	sdelay $0x3  }
.LBB2_31:
0x372: {  	s4 =	simm.s32 $0x2E20;
	s6 =	simm.s32 $0x2610  }
0x373: {  	[spmem:s3] =	stream.indirect.scatter.add.f32 [tilespmem:s6], [sflag:$0x2], $0x1, s4, s2, $0x2000b8;
	[tilespmem:$0x169A8] =	vst v63  }
.Ltmp33:
0x374: {  	_ = 	snop;
	(pc) =	sbr.rel @!p0 .LBB2_33-.Ltmp33, $4  }
.Ltmp34:
0x375: {  	_ = 	snop;
	(pc) =	sbr.rel @p0 .LBB2_32-.Ltmp34, $4  }
0x376: {  	_ =	swait.ge [sflag:s25], $0x100  }
0x377: {  	[sflag:s25] =	ssyncset.done $0x0  }
0x378: {  	[sflag:s25] =	ssyncadd.s32 $0xFFFFFF00  }
0x379: {  	_ = 	snop  }
.LBB2_40:
0x37a: {  	p0 =	por @!p1 $0x0, $0x0;
	p6 =	por $0x0, $0x0  }
0x37b: {  	p6 =	por @!p1 p0, p0  }
0x37c: {  	p0 =	por @!p2 $0x0, $0x0;
	p1 =	por p6, p6  }
0x37d: {  	p1 =	por @!p2 p0, p0;
	p0 =	por @!p2 $0x1, $0x1  }
0x37e: {  	p6 =	por @!p2 p0, p0;
	p2 =	por p1, p1;
	p0 =	por @!p3 $0x0, $0x0  }
0x37f: {  	p2 =	por @!p3 p0, p0;
	p0 =	por @!p3 $0x1, $0x1  }
0x380: {  	p1 =	por @!p3 p0, p0  }
0x381: {  	p6 =	por @!p3 p0, p0;
	p3 =	por p2, p2;
	p0 =	por @!p4 $0x0, $0x0  }
0x382: {  	p3 =	por @!p4 p0, p0;
	p0 =	por @!p4 $0x1, $0x1  }
0x383: {  	p1 =	por @!p4 p0, p0;
	p6 =	por @!p4 p0, p0  }
0x384: {  	p2 =	por @!p4 p0, p0;
	p0 =	por @!p5 $0x1, $0x1;
	p4 =	por p3, p3  }
0x385: {  	p4 =	por @!p5 p0, p0  }
0x386: {  	p1 =	por @!p5 p0, p0;
	p6 =	por @!p5 p0, p0;
	s4 =	simm.s32 @!p4 $0x0  }
0x387: {  	p2 =	por @!p5 p0, p0;
	p0 =	por @!p5 $0x0, $0x0;
	s4 =	simm.s32 @p4 $0x1  }
0x388: {  	p4 =	por p3, p3;
	[smem:$0x7F7] =	sst s4;
	s4 =	simm.s32 @!p1 $0x0  }
0x389: {  	p4 =	por @!p5 p0, p0;
	s4 =	simm.s32 @p1 $0x1  }
0x38a: {  	p3 =	por @!p5 p0, p0;
	p0 =	por p4, p4;
	[smem:$0x7F8] =	sst s4  }
.LBB2_43:
0x38b: {  	[bflag:$0x0] =	sbarrier.arrive $0xFFFF  }
0x38c: {  	_ =	strace $0x90000051  }
0x38d: {  	s4 =	simm.s32 $0x2820;
	s6 =	simm.s32 $0x2010;
	_ =	strace $0x80000052  }
0x38e: {  	[spmem:s3] =	stream.indirect.scatter.add.f32 [tilespmem:s6], [sflag:$0x2], $0x1, s4, s2, $0x2000b8;
	[tilespmem:$0x169A8] =	vst v63  }
0x38f: {  	_ =	swait.ge [sflag:s25], $0x100  }
0x390: {  	s26 =	sld [smem:$0x7F9];
	_ =	sdelay $0x2  }
0x391: {  	p1 =	seq.s32 s26, $0x1  }
.Ltmp35:
0x392: {  	_ = 	snop;
	(pc) =	sbr.rel @p1 .LBB2_50-.Ltmp35, $3  }
0x393: {  	_ =	sdelay $0x1  }
0x394: {  	[sflag:s25] =	ssyncset.done $0x0  }
0x395: {  	[sflag:s25] =	ssyncadd.s32 $0xFFFFFF00  }
.Ltmp36:
0x396: {  	s4 =	simm.s32 $0x2920;
	s6 =	simm.s32 $0x2110;
	(pc) =	sbr.rel @p6 .LBB2_51-.Ltmp36, $4  }
0x397: {  	[spmem:s3] =	stream.indirect.scatter.add.f32 [tilespmem:s6], [sflag:$0x2], $0x1, s4, s2, $0x2000b8;
	[tilespmem:$0x169A8] =	vst v63  }
0x398: {  	_ =	swait.ge [sflag:s25], $0x100  }
0x399: {  	[sflag:s25] =	ssyncset.done $0x0  }
0x39a: {  	[sflag:s25] =	ssyncadd.s32 $0xFFFFFF00  }
.LBB2_45:
0x39b: {  	s4 =	sld [smem:$0x7F8];
	_ =	sdelay $0x2  }
0x39c: {  	p1 =	seq.s32 s4, $0x1  }
.Ltmp37:
0x39d: {  	_ = 	snop;
	(pc) =	sbr.rel @!p1 .LBB2_46-.Ltmp37, $1  }
0x39e: {  	_ =	sdelay $0x3  }
.LBB2_52:
.Ltmp38:
0x39f: {  	s4 =	simm.s32 $0x2B20;
	s6 =	simm.s32 $0x2310;
	(pc) =	sbr.rel @p2 .LBB2_53-.Ltmp38, $4  }
0x3a0: {  	[spmem:s3] =	stream.indirect.scatter.add.f32 [tilespmem:s6], [sflag:$0x2], $0x1, s4, s2, $0x2000b8;
	[tilespmem:$0x169A8] =	vst v63  }
0x3a1: {  	_ =	swait.ge [sflag:s25], $0x100  }
0x3a2: {  	[sflag:s25] =	ssyncset.done $0x0  }
0x3a3: {  	[sflag:s25] =	ssyncadd.s32 $0xFFFFFF00  }
.LBB2_47:
0x3a4: {  	s4 =	sld [smem:$0x7F7];
	_ =	sdelay $0x2  }
0x3a5: {  	p1 =	seq.s32 s4, $0x1  }
.Ltmp39:
0x3a6: {  	_ = 	snop;
	(pc) =	sbr.rel @!p1 .LBB2_48-.Ltmp39, $1  }
0x3a7: {  	_ =	sdelay $0x3  }
.LBB2_54:
.Ltmp40:
0x3a8: {  	s4 =	simm.s32 $0x2D20;
	s6 =	simm.s32 $0x2510;
	(pc) =	sbr.rel @p3 .LBB2_55-.Ltmp40, $4  }
0x3a9: {  	[spmem:s3] =	stream.indirect.scatter.add.f32 [tilespmem:s6], [sflag:$0x2], $0x1, s4, s2, $0x2000b8;
	[tilespmem:$0x169A8] =	vst v63  }
0x3aa: {  	_ =	swait.ge [sflag:s25], $0x100  }
0x3ab: {  	[sflag:s25] =	ssyncset.done $0x0  }
0x3ac: {  	[sflag:s25] =	ssyncadd.s32 $0xFFFFFF00  }
.LBB2_49:
.Ltmp41:
0x3ad: {  	(pc) =	sbr.rel @!p0 .LBB2_57-.Ltmp41, $4  }
.Ltmp42:
0x3ae: {  	(pc) =	sbr.rel @p0 .LBB2_56-.Ltmp42, $4  }
0x3af: {  	_ = 	snop  }
0x3b0: {  	_ = 	snop  }
0x3b1: {  	_ = 	snop  }
0x3b2: {  	_ = 	snop  }
.LBB2_50:
.Ltmp43:
0x3b3: {  	(pc) =	sbr.rel @!p6 .LBB2_45-.Ltmp43, $1  }
0x3b4: {  	_ =	sdelay $0x3  }
.LBB2_51:
0x3b5: {  	s4 =	simm.s32 $0x2A20;
	s6 =	simm.s32 $0x2210  }
0x3b6: {  	[spmem:s3] =	stream.indirect.scatter.add.f32 [tilespmem:s6], [sflag:$0x2], $0x1, s4, s2, $0x2000b8;
	[tilespmem:$0x169A8] =	vst v63  }
0x3b7: {  	_ =	swait.ge [sflag:s25], $0x100  }
0x3b8: {  	s26 =	sld [smem:$0x7F8];
	_ =	sdelay $0x2  }
0x3b9: {  	p1 =	seq.s32 s26, $0x1  }
.Ltmp44:
0x3ba: {  	_ = 	snop;
	(pc) =	sbr.rel @p1 .LBB2_52-.Ltmp44, $3  }
0x3bb: {  	_ =	sdelay $0x1  }
0x3bc: {  	[sflag:s25] =	ssyncset.done $0x0  }
0x3bd: {  	[sflag:s25] =	ssyncadd.s32 $0xFFFFFF00  }
.LBB2_46:
.Ltmp45:
0x3be: {  	(pc) =	sbr.rel @!p2 .LBB2_47-.Ltmp45, $1  }
0x3bf: {  	_ =	sdelay $0x3  }
.LBB2_53:
0x3c0: {  	s4 =	simm.s32 $0x2C20;
	s6 =	simm.s32 $0x2410  }
0x3c1: {  	[spmem:s3] =	stream.indirect.scatter.add.f32 [tilespmem:s6], [sflag:$0x2], $0x1, s4, s2, $0x2000b8;
	[tilespmem:$0x169A8] =	vst v63  }
0x3c2: {  	_ =	swait.ge [sflag:s25], $0x100  }
0x3c3: {  	s26 =	sld [smem:$0x7F7];
	_ =	sdelay $0x2  }
0x3c4: {  	p1 =	seq.s32 s26, $0x1  }
.Ltmp46:
0x3c5: {  	_ = 	snop;
	(pc) =	sbr.rel @p1 .LBB2_54-.Ltmp46, $3  }
0x3c6: {  	_ =	sdelay $0x1  }
0x3c7: {  	[sflag:s25] =	ssyncset.done $0x0  }
0x3c8: {  	[sflag:s25] =	ssyncadd.s32 $0xFFFFFF00  }
.LBB2_48:
.Ltmp47:
0x3c9: {  	(pc) =	sbr.rel @!p3 .LBB2_49-.Ltmp47, $1  }
0x3ca: {  	_ =	sdelay $0x3  }
.LBB2_55:
.Ltmp48:
0x3cb: {  	s4 =	simm.s32 $0x2E20;
	s6 =	simm.s32 $0x2610;
	(pc) =	sbr.rel @!p0 .LBB2_57-.Ltmp48, $4  }
0x3cc: {  	[spmem:s3] =	stream.indirect.scatter.add.f32 [tilespmem:s6], [sflag:$0x2], $0x1, s4, s2, $0x2000b8;
	[tilespmem:$0x169A8] =	vst v63  }
0x3cd: {  	_ =	swait.ge [sflag:s25], $0x100  }
0x3ce: {  	[sflag:s25] =	ssyncset.done $0x0  }
0x3cf: {  	[sflag:s25] =	ssyncadd.s32 $0xFFFFFF00  }
.LBB2_56:
.Ltmp49:
0x3d0: {  	s4 =	simm.s32 $0x2F20;
	s6 =	simm.s32 $0x2710;
	(pc) =	sbr.rel .LBB2_57-.Ltmp49, $4  }
0x3d1: {  	[spmem:s3] =	stream.indirect.scatter.add.f32 [tilespmem:s6], [sflag:$0x2], $0x1, s4, s2, $0x2000b8;
	[tilespmem:$0x169A8] =	vst v63  }
0x3d2: {  	_ =	swait.ge [sflag:s25], $0x100  }
0x3d3: {  	[sflag:s25] =	ssyncset.done $0x0  }
0x3d4: {  	[sflag:s25] =	ssyncadd.s32 $0xFFFFFF00  }
.LBB2_58:
0x3d5: {  	_ =	sfence.sel $0x180000  }
0x3d6: {  	[bflag:$0x0] =	sbarrier.arrive $0xFFFF  }
0x3d7: {  	_ =	strace $0x90000047  }
0x3d8: {  	s0 =	stileid.u32;
	[bflag:$0x2] =	sbarrier.arrive $0xFFFF  }
0x3d9: {  	p0 =	sne.s32 s0, $0x0;
	s0 =	rddreg [dreg:$0x5]  }
0x3da: {  	s0 =	sadd.s32 @!p0 $0x100000, s0  }
0x3db: {  	[sflag:s0] =	ssyncadd.tile.s32 @!p0 $0x1;
	_ =	shalt  }
.Lfunc_end2:
_tile_overlayer_lowered:
.L_overlay_start_2:
0x3dc: {  	(tag) =	ssettag $0x2  }
0x3dd: {  	s0 =	rddreg [dreg:$0x0];
	s2 =	stileid.u32  }
0x3de: {  	s1 =	rddreg [dreg:$0x1];
	p0 =	sne.s32 s2, $0x0  }
0x3df: {  	s3 =	rddreg [dreg:$0x2];
	[bflag:$0x3] =	sbarrier.arrive $0xFFFF;
	s2 =	simm.s32 @!p0 $0x1C02  }
0x3e0: {  	[timem:s3], [sflag:s2] =	dma.local @!p0 [hbm:s0], s1  }
0x3e1: {  	s0 =	simm.s32 @!p0 $0x2  }
0x3e2: {  	_ =	swait.ge @!p0 [sflag:s0], s1  }
0x3e3: {  	s1 =	ssub.s32 @!p0 $0x0, s1;
	[sflag:s0] =	ssyncset.done @!p0 $0x0  }
0x3e4: {  	[sflag:s0] =	ssyncadd.s32 @!p0 s1  }
0x3e5: {  	[bflag:$0x3] =	sbarrier.arrive $0xFFFF  }
0x3e6: {  	_ =	shalt  }

</sc_bundles>
